<compile_context>
chip_gen: v7x
topology: tpu7x:2x2x1
jax: 0.10.2.dev20260603
libtpu: 0.0.44.dev20260713+nightly
codegen_flags: <defaults>
</compile_context>

<pallas_src>
import functools

import jax
import jax.numpy as jnp
from jax import lax
from jax.experimental import pallas as pl
from jax.experimental.pallas import tpu as pltpu
from jax.experimental.pallas import tpu_sc as plsc

BATCH = 16384
EMB = 64
N_BRAND = 1000
_NC, _NS = 2, 16
_NW = _NC * _NS


def _gather2(user_ids, device_ids, user_table, device_table):
  utT = user_table.T
  dtT = device_table.T

  mesh = plsc.VectorSubcoreMesh(core_axis_name="c", subcore_axis_name="s")
  out_t = [jax.ShapeDtypeStruct((BATCH, EMB), jnp.float32) for _ in range(2)]

  _GPAD_U = 1000064 // 128
  _GPAD_D = 100096 // 128
  _GPW_U, _CAP_U = 124, 24
  _GPW_D, _CAP_D = 14, 96
  _IDCH = 4096
  _MYCAP = 656

  @functools.partial(
      pl.kernel,
      out_type=out_t,
      mesh=mesh,
      scratch_types=[
          pltpu.VMEM((_IDCH + 16,), jnp.int32),
          pltpu.VMEM((_MYCAP + 16,), jnp.int32),
          pltpu.VMEM((_MYCAP + 16,), jnp.int32),
          pltpu.VMEM((_GPW_U * _CAP_U + 16,), jnp.int32),
          pltpu.VMEM((_GPW_U * _CAP_U + 16,), jnp.int32),
          pltpu.VMEM((EMB, 256), jnp.float32),
          pltpu.VMEM((EMB, 256), jnp.float32),
          pltpu.VMEM((_MYCAP, EMB), jnp.float32),
          pltpu.SMEM((256,), jnp.int32),
          pltpu.SemaphoreType.DMA,
          pltpu.SemaphoreType.DMA,
          pltpu.SemaphoreType.DMA,
      ],
      compiler_params=pltpu.CompilerParams(needs_layout_passes=False),
  )
  def k(uid_hbm, did_hbm, ut_hbm, dt_hbm, ou_hbm, od_hbm,
        idch, myid, mypos, bkid, bkpos, ring0, ring1, rows,
        counts, sem0, sem1, sem_o):
    rings = (ring0, ring1)
    sems = (sem0, sem1)
    wid = lax.axis_index("s") * _NC + lax.axis_index("c")
    iota16 = lax.iota(jnp.int32, 16)
    ones16 = jnp.ones((16,), jnp.int32)
    lane0 = iota16 == 0

    for ids_hbm, tab, out, gpad, gpw, cap in (
        (uid_hbm, ut_hbm, ou_hbm, _GPAD_U, _GPW_U, _CAP_U),
        (did_hbm, dt_hbm, od_hbm, _GPAD_D, _GPW_D, _CAP_D)):
      g0 = wid * gpw
      g0v = g0 * ones16
      g1v = (g0 + gpw) * ones16

      def scan_chunk(h, cnt):
        pltpu.sync_copy(ids_hbm.at[pl.ds(h * _IDCH, _IDCH)],
                        idch.at[pl.ds(0, _IDCH)])
        def scan_v(v, cnt):
          vec = idch[pl.ds(v * 16, 16)]
          g = lax.shift_right_logical(vec, 8)
          mine = jnp.logical_and(g >= g0v, g < g1v)
          plsc.store_compressed(myid.at[pl.ds(cnt, 16)], vec, mask=mine)
          plsc.store_compressed(mypos.at[pl.ds(cnt, 16)],
                                iota16 + (h * _IDCH + v * 16), mask=mine)
          npop = plsc.all_reduce_population_count(mine)[0]
          return cnt + npop
        return lax.fori_loop(0, _IDCH // 16, scan_v, cnt)
      my_cnt = lax.fori_loop(0, BATCH // _IDCH, scan_chunk, 0)

      def zero_c(i, c):
        counts[i] = 0
        return c
      lax.fori_loop(0, gpw, zero_c, 0)

      def bucket(j, c):
        idj = myid[pl.ds(j, 16)][0]
        pj = mypos[pl.ds(j, 16)][0]
        gg = lax.shift_right_logical(idj, 8) - g0
        cj = counts[gg]
        flat = (gg * cap + jnp.minimum(cj, cap - 1)) * ones16
        plsc.store_scatter(bkid, [flat], idj * ones16, mask=lane0)
        plsc.store_scatter(bkpos, [flat], pj * ones16, mask=lane0)
        counts[gg] = cj + 1
        return c
      lax.fori_loop(0, my_cnt, bucket, 0)

      def fire(s, j):
        start = jnp.minimum((g0 + s) * 2, gpad - 2) * 128
        pltpu.async_copy(tab.at[:, pl.ds(start, 256)], rings[j], sems[j])

      def process(g, j, kcur):
        pltpu.make_async_copy(tab.at[:, pl.ds(0, 256)], rings[j],
                              sems[j]).wait()
        cnt = counts[g]
        def per_id(j2, kcur):
          fl = g * cap + j2
          idj = bkid[pl.ds(fl, 16)][0]
          pj = bkpos[pl.ds(fl, 16)][0]
          start_g = jnp.minimum(
              lax.shift_right_logical(idj, 8) * 2, gpad - 2) * 128
          col = (idj - start_g) * ones16
          for c0 in range(0, EMB, 16):
            vals = plsc.load_gather(rings[j], [iota16 + c0, col])
            rows[kcur, pl.ds(c0, 16)] = vals
          pltpu.async_copy(rows.at[kcur], out.at[pj], sem_o)
          return kcur + 1
        return lax.fori_loop(0, jnp.minimum(cnt, cap), per_id, kcur)

      fire(0, 0)
      fire(1, 1)
      def sweep(g2, kcur):
        g = g2 * 2
        for j in range(2):
          kcur = process(g + j, j, kcur)
          fire(g + j + 2, j)
        return kcur
      kcur = lax.fori_loop(0, (gpw - 2) // 2, sweep, 0)
      for j in range(2):
        kcur = process(gpw - 2 + j, j, kcur)

      def drain(i, c):
        pltpu.make_async_copy(out.at[0], rows.at[0], sem_o).wait()
        return c
      lax.fori_loop(0, kcur, drain, 0)

  return k(user_ids, device_ids, utT, dtT)


_TB = 2048


def _mlp_body(u_ref, d_ref, bid_ref, bt_ref, w1u_ref, w1d_ref, w1b_ref,
              b1_ref, w2_ref, b2_ref, w3_ref, b3_ref, o_ref):
  iota = lax.broadcasted_iota(jnp.int32, (_TB, 1024), 1)
  onehot = (bid_ref[...].reshape(_TB, 1) == iota).astype(jnp.float32)
  b = jnp.dot(onehot, bt_ref[...], preferred_element_type=jnp.float32)
  h = jnp.dot(u_ref[...], w1u_ref[...], preferred_element_type=jnp.float32)
  h = h + jnp.dot(d_ref[...], w1d_ref[...], preferred_element_type=jnp.float32)
  h = h + jnp.dot(b, w1b_ref[...], preferred_element_type=jnp.float32)
  h = jnp.maximum(h + b1_ref[...], 0.0)
  h2 = jnp.dot(h, w2_ref[...], preferred_element_type=jnp.float32)
  h2 = jnp.maximum(h2 + b2_ref[...], 0.0)
  o_ref[...] = jnp.sum(h2 * w3_ref[...], axis=1) + b3_ref[0, 0]


def _mlp(u, d, brand_ids, brand_table, W1, b1, W2, b2, W3, b3):
  w1u, w1d, w1b = W1[:EMB], W1[EMB:2 * EMB], W1[2 * EMB:]
  bt_pad = jnp.zeros((1024, EMB), jnp.float32).at[:N_BRAND].set(brand_table)
  grid = (BATCH // _TB,)
  full = lambda shape: pl.BlockSpec(shape, lambda i: (0, 0))
  tile = pl.BlockSpec((_TB, EMB), lambda i: (i, 0))
  return pl.pallas_call(
      _mlp_body,
      grid=grid,
      in_specs=[
          tile, tile,
          pl.BlockSpec((_TB,), lambda i: (i,)),
          full((1024, EMB)),
          full((EMB, 128)), full((EMB, 128)), full((EMB, 128)),
          full((1, 128)),
          full((128, 64)), full((1, 64)),
          full((1, 64)), full((1, 1)),
      ],
      out_specs=pl.BlockSpec((_TB,), lambda i: (i,)),
      out_shape=jax.ShapeDtypeStruct((BATCH,), jnp.float32),
  )(u, d, brand_ids, bt_pad, w1u, w1d, w1b, b1.reshape(1, 128), W2,
    b2.reshape(1, 64), W3.reshape(1, EMB), b3.reshape(1, 1))


def kernel(user_ids, device_ids, brand_ids, user_table, device_table,
           brand_table, W1, b1, W2, b2, W3, b3):
  u, d = _gather2(user_ids.astype(jnp.int32), device_ids.astype(jnp.int32),
                  user_table, device_table)
  return _mlp(u, d, brand_ids.astype(jnp.int32), brand_table,
              W1, b1, W2, b2, W3, b3)

# --- scband reference (transcript-rebuilt; emitter-appended) ---
"""Pipeline reference for scband-second-hand-device-recommender-17265768530826 (READ-ONLY COPY).

The authoritative reference and input builder live on the scoring server;
editing this copy changes nothing except your own understanding.
"""

import jax, jax.numpy as jnp
import numpy as np

N_USERS = 1000000
N_DEVICES = 100000
N_BRANDS = 1000
EMB = 64
BATCH = 16384


def _xavier(key, shape):
    fan_in, fan_out = shape[0], shape[1]
    limit = float(np.sqrt(6.0 / (fan_in + fan_out)))
    return jax.random.uniform(key, shape, dtype=jnp.float32, minval=-limit, maxval=limit)


def setup_inputs(seed: int = 0) -> dict:
    key = jax.random.key(seed)
    ks = jax.random.split(key, 9)
    user_ids = jax.random.randint(ks[0], (BATCH,), 0, N_USERS)
    device_ids = jax.random.randint(ks[1], (BATCH,), 0, N_DEVICES)
    brand_ids = jax.random.randint(ks[2], (BATCH,), 0, N_BRANDS)
    user_table = _xavier(ks[3], (N_USERS, EMB))
    device_table = _xavier(ks[4], (N_DEVICES, EMB))
    brand_table = _xavier(ks[5], (N_BRANDS, EMB))
    W1 = _xavier(ks[6], (EMB * 3, 128))
    b1 = jnp.zeros((128,), dtype=jnp.float32)
    W2 = _xavier(ks[7], (128, 64))
    b2 = jnp.zeros((64,), dtype=jnp.float32)
    W3 = _xavier(ks[8], (64, 1))
    b3 = jnp.zeros((1,), dtype=jnp.float32)
    return {
        'user_ids': user_ids,
        'device_ids': device_ids,
        'brand_ids': brand_ids,
        'user_table': user_table,
        'device_table': device_table,
        'brand_table': brand_table,
        'W1': W1, 'b1': b1,
        'W2': W2, 'b2': b2,
        'W3': W3, 'b3': b3,
    }


def reference(user_ids, device_ids, brand_ids, user_table, device_table, brand_table, W1, b1, W2, b2, W3, b3):
    # Embedding lookups (gather)
    user_emb = jnp.take(user_table, user_ids, axis=0)
    device_emb = jnp.take(device_table, device_ids, axis=0)
    brand_emb = jnp.take(brand_table, brand_ids, axis=0)
    combined = jnp.concatenate([user_emb, device_emb, brand_emb], axis=1)
    # Deep MLP (dropout is identity in eval mode)
    h = jax.nn.relu(combined @ W1 + b1)
    h = jax.nn.relu(h @ W2 + b2)
    out = (h @ W3 + b3)
    return jnp.squeeze(out)

if __name__ == "__main__":
    import jax
    _d = setup_inputs()
    print(jax.jit(kernel)(*tuple(_d.values())))

</pallas_src>

<mosaic_0001>
#map = affine_map<(d0, d1) -> (0)>
#map1 = affine_map<(d0, d1) -> (0, 0)>
module attributes {stable_mosaic.version = 14 : i64} {
  func.func @k(%arg0: i32, %arg1: i32, %arg2: memref<16384xi32, #tpu.memory_space<hbm>>, %arg3: memref<16384xi32, #tpu.memory_space<hbm>>, %arg4: memref<64x1000000xf32, #tpu.memory_space<hbm>>, %arg5: memref<64x100000xf32, #tpu.memory_space<hbm>>, %arg6: memref<16384x64xf32, #tpu.memory_space<hbm>>, %arg7: memref<16384x64xf32, #tpu.memory_space<hbm>>, %arg8: memref<4112xi32, #tpu.memory_space<vmem>>, %arg9: memref<672xi32, #tpu.memory_space<vmem>>, %arg10: memref<672xi32, #tpu.memory_space<vmem>>, %arg11: memref<2992xi32, #tpu.memory_space<vmem>>, %arg12: memref<2992xi32, #tpu.memory_space<vmem>>, %arg13: memref<64x256xf32, #tpu.memory_space<vmem>>, %arg14: memref<64x256xf32, #tpu.memory_space<vmem>>, %arg15: memref<656x64xf32, #tpu.memory_space<vmem>>, %arg16: memref<256xi32, #tpu.memory_space<smem>>, %arg17: memref<!tpu.dma_semaphore, #tpu.memory_space<semaphore_mem>>, %arg18: memref<!tpu.dma_semaphore, #tpu.memory_space<semaphore_mem>>, %arg19: memref<!tpu.dma_semaphore, #tpu.memory_space<semaphore_mem>>) attributes {dimension_semantics = [#tpu.dimension_semantics<core_parallel>, #tpu.dimension_semantics<subcore_parallel>], iteration_bounds = array<i64: 2, 16>, scalar_prefetch = 0 : i64, scratch_operands = 12 : i64, tpu.core_type = #tpu.core_type<sc_vector_subcore>, window_params = [{transform_indices = #map}, {transform_indices = #map}, {transform_indices = #map1}, {transform_indices = #map1}, {transform_indices = #map1}, {transform_indices = #map1}]} {
    %mul3A = arith.constant 2 : i32
    %mul3A_0 = arith.muli %arg1, %mul3A : i32
    %add3A = arith.addi %mul3A_0, %arg0 : i32
    %iota3A = tpu.iota {dimensions = array<i32: 0>} : vector<16xi32>
    %broadcast_in_dim3A = arith.constant 1 : i32
    %broadcast_in_dim3A_1 = vector.broadcast %broadcast_in_dim3A : i32 to vector<16xi32>
    %eq3A = arith.constant 0 : i32
    %eq3A_2 = vector.broadcast %eq3A : i32 to vector<16xi32>
    %eq3A_3 = arith.cmpi eq, %iota3A, %eq3A_2 : vector<16xi32>
    %mul3A_4 = arith.constant 124 : i32
    %mul3A_5 = arith.muli %add3A, %mul3A_4 : i32
    %mul3A_6 = vector.broadcast %mul3A_5 : i32 to vector<16xi32>
    %mul3A_7 = arith.muli %mul3A_6, %broadcast_in_dim3A_1 : vector<16xi32>
    %add3A_8 = arith.constant 124 : i32
    %add3A_9 = arith.addi %mul3A_5, %add3A_8 : i32
    %mul3A_10 = vector.broadcast %add3A_9 : i32 to vector<16xi32>
    %mul3A_11 = arith.muli %mul3A_10, %broadcast_in_dim3A_1 : vector<16xi32>
    %scan3A = arith.constant 0 : i32
    %scan3A_12 = arith.constant 0 : i32
    %scan3A_13 = arith.constant 4 : i32
    %scan3A_14 = arith.addi %scan3A_12, %scan3A_13 : i32
    %scan3A_15 = arith.constant 1 : i32
    %scan3A_16 = scf.for %scan3A_230 = %scan3A_12 to %scan3A_14 step %scan3A_15 iter_args(%scan3A_231 = %scan3A) -> (i32)  : i32 {
      %mul3A_232 = arith.constant 4096 : i32
      %mul3A_233 = arith.muli %scan3A_230, %mul3A_232 : i32
      "tpu.region"() ({
        %run_scoped3A = tpu.sem_alloc : memref<!tpu.dma_semaphore, #tpu.memory_space<semaphore_mem>>
        %dma_start3A_240 = arith.constant 0 : i32
        %dma_start3A_241 = tpu.memref_slice %arg8[%dma_start3A_240] : memref<4112xi32, #tpu.memory_space<vmem>> -> memref<4096xi32, #tpu.memory_space<vmem>>
        %dma_start3A_242 = tpu.memref_slice %arg2[%mul3A_233] : memref<16384xi32, #tpu.memory_space<hbm>> -> memref<4096xi32, #tpu.memory_space<hbm>>
        %dma_start3A_243 = arith.constant 0 : i32
        %dma_start3A_244 = tpu.memref_slice %arg8[%dma_start3A_243] : memref<4112xi32, #tpu.memory_space<vmem>> -> memref<4096xi32, #tpu.memory_space<vmem>>
        %dma_start3A_245 = tpu.memref_slice %arg2[%mul3A_233] : memref<16384xi32, #tpu.memory_space<hbm>> -> memref<4096xi32, #tpu.memory_space<hbm>>
        tpu.enqueue_dma source(%dma_start3A_245 : memref<4096xi32, #tpu.memory_space<hbm>>) target(%dma_start3A_244 : memref<4096xi32, #tpu.memory_space<vmem>>) target_semaphore(%run_scoped3A : memref<!tpu.dma_semaphore, #tpu.memory_space<semaphore_mem>>)
        %dma_wait3A_246 = arith.constant 0 : i32
        %dma_wait3A_247 = tpu.memref_slice %arg8[%dma_wait3A_246] : memref<4112xi32, #tpu.memory_space<vmem>> -> memref<4096xi32, #tpu.memory_space<vmem>>
        %dma_wait3A_248 = tpu.memref_slice %arg2[%mul3A_233] : memref<16384xi32, #tpu.memory_space<hbm>> -> memref<4096xi32, #tpu.memory_space<hbm>>
        %dma_wait3A_249 = arith.constant 0 : i32
        %dma_wait3A_250 = tpu.memref_slice %arg8[%dma_wait3A_249] : memref<4112xi32, #tpu.memory_space<vmem>> -> memref<4096xi32, #tpu.memory_space<vmem>>
        %dma_wait3A_251 = tpu.memref_slice %arg2[%mul3A_233] : memref<16384xi32, #tpu.memory_space<hbm>> -> memref<4096xi32, #tpu.memory_space<hbm>>
        tpu.wait_dma2 semaphore(%run_scoped3A : memref<!tpu.dma_semaphore, #tpu.memory_space<semaphore_mem>>) src(%dma_wait3A_251 : memref<4096xi32, #tpu.memory_space<hbm>>) dst(%dma_wait3A_250 : memref<4096xi32, #tpu.memory_space<vmem>>)
        tpu.yield
      }) : () -> ()
      %scan3A_234 = arith.constant 0 : i32
      %scan3A_235 = arith.constant 256 : i32
      %scan3A_236 = arith.addi %scan3A_234, %scan3A_235 : i32
      %scan3A_237 = arith.constant 1 : i32
      %scan3A_238 = scf.for %scan3A_240 = %scan3A_234 to %scan3A_236 step %scan3A_237 iter_args(%scan3A_241 = %scan3A_231) -> (i32)  : i32 {
        %mul3A_242 = arith.constant 16 : i32
        %mul3A_243 = arith.muli %scan3A_240, %mul3A_242 : i32
        %get3A_244 = arith.index_cast %mul3A_243 : i32 to index
        %get3A_245 = tpu.vector_load %arg8[%get3A_244] {strides = array<i32>} : memref<4112xi32, #tpu.memory_space<vmem>>, vector<16xi32>,
        %shift_right_logical3A = arith.constant 8 : i32
        %shift_right_logical3A_246 = vector.broadcast %shift_right_logical3A : i32 to vector<16xi32>
        %shift_right_logical3A_247 = arith.shrui %get3A_245, %shift_right_logical3A_246 : vector<16xi32>
        %ge3A = arith.cmpi sge, %shift_right_logical3A_247, %mul3A_7 : vector<16xi32>
        %lt3A = arith.cmpi slt, %shift_right_logical3A_247, %mul3A_11 : vector<16xi32>
        %and3A = arith.andi %ge3A, %lt3A : vector<16xi1>
        %swap3A = arith.index_cast %scan3A_241 : i32 to index
        %swap3A_248 = tpu.vector_load %arg9[%swap3A] masked %and3A {strides = array<i32>} : memref<672xi32, #tpu.memory_space<vmem>>, vector<16xi32>, vector<16xi1>
        tpu.vector_store %arg9[%swap3A], %get3A_245 masked %and3A {strides = array<i32>} : memref<672xi32, #tpu.memory_space<vmem>>, vector<16xi32>, vector<16xi1>
        %mul3A_249 = arith.constant 4096 : i32
        %mul3A_250 = arith.muli %scan3A_230, %mul3A_249 : i32
        %mul3A_251 = arith.constant 16 : i32
        %mul3A_252 = arith.muli %scan3A_240, %mul3A_251 : i32
        %add3A_253 = arith.addi %mul3A_250, %mul3A_252 : i32
        %add3A_254 = vector.broadcast %add3A_253 : i32 to vector<16xi32>
        %add3A_255 = arith.addi %iota3A, %add3A_254 : vector<16xi32>
        %swap3A_256 = arith.index_cast %scan3A_241 : i32 to index
        %swap3A_257 = tpu.vector_load %arg10[%swap3A_256] masked %and3A {strides = array<i32>} : memref<672xi32, #tpu.memory_space<vmem>>, vector<16xi32>, vector<16xi1>
        tpu.vector_store %arg10[%swap3A_256], %add3A_255 masked %and3A {strides = array<i32>} : memref<672xi32, #tpu.memory_space<vmem>>, vector<16xi32>, vector<16xi1>
        %all_reduce_population_count3A = tpu.all_reduce %and3A {dim = 0 : i64, kind = #tpu.reduction_kind<sum>} : vector<16xi1> -> vector<16xi32>
        %slice3A = vector.extract_strided_slice %all_reduce_population_count3A {offsets = [0], sizes = [1], strides = [1]} : vector<16xi32> to vector<1xi32>
        %squeeze3A = vector.extract %slice3A[0] : i32 from vector<1xi32>
        %add3A_258 = arith.addi %scan3A_241, %squeeze3A : i32
        scf.yield %add3A_258 : i32
      }
      %scan3A_239 = arith.constant 256 : i32
      scf.yield %scan3A_238 : i32
    }
    %scan3A_17 = arith.constant 4 : i32
    %scan3A_18 = arith.constant 0 : i32
    %scan3A_19 = arith.constant 0 : i32
    %scan3A_20 = arith.constant 124 : i32
    %scan3A_21 = arith.addi %scan3A_19, %scan3A_20 : i32
    %scan3A_22 = arith.constant 1 : i32
    scf.for %scan3A_230 = %scan3A_19 to %scan3A_21 step %scan3A_22  : i32 {
      %swap3A = arith.constant 0 : i32
      %swap3A_231 = arith.index_cast %scan3A_230 : i32 to index
      %swap3A_232 = memref.load %arg16[%swap3A_231] : memref<256xi32, #tpu.memory_space<smem>>
      memref.store %swap3A, %arg16[%swap3A_231] : memref<256xi32, #tpu.memory_space<smem>>
    }
    %scan3A_23 = arith.constant 124 : i32
    %while3A = arith.constant 0 : i32
    %while3A_24 = arith.constant 0 : i32
    %while3A_25 = arith.subi %scan3A_16, %while3A_24 : i32
    %while3A_26 = arith.addi %while3A_24, %while3A_25 : i32
    %while3A_27 = arith.constant 1 : i32
    %while3A_28 = arith.divsi %while3A_25, %while3A_27 : i32
    %while3A_29 = arith.muli %while3A_28, %while3A_27 : i32
    %while3A_30 = arith.addi %while3A_24, %while3A_29 : i32
    %while3A_31 = arith.constant 1 : i32
    scf.for %while3A_230 = %while3A_24 to %while3A_30 step %while3A_31  : i32 {
      %get3A_231 = arith.index_cast %while3A_230 : i32 to index
      %get3A_232 = tpu.vector_load %arg9[%get3A_231] {strides = array<i32>} : memref<672xi32, #tpu.memory_space<vmem>>, vector<16xi32>,
      %slice3A = vector.extract_strided_slice %get3A_232 {offsets = [0], sizes = [1], strides = [1]} : vector<16xi32> to vector<1xi32>
      %squeeze3A = vector.extract %slice3A[0] : i32 from vector<1xi32>
      %get3A_233 = arith.index_cast %while3A_230 : i32 to index
      %get3A_234 = tpu.vector_load %arg10[%get3A_233] {strides = array<i32>} : memref<672xi32, #tpu.memory_space<vmem>>, vector<16xi32>,
      %slice3A_235 = vector.extract_strided_slice %get3A_234 {offsets = [0], sizes = [1], strides = [1]} : vector<16xi32> to vector<1xi32>
      %squeeze3A_236 = vector.extract %slice3A_235[0] : i32 from vector<1xi32>
      %shift_right_logical3A = arith.constant 8 : i32
      %shift_right_logical3A_237 = arith.shrui %squeeze3A, %shift_right_logical3A : i32
      %sub3A = arith.subi %shift_right_logical3A_237, %mul3A_5 : i32
      %get3A_238 = arith.index_cast %sub3A : i32 to index
      %get3A_239 = memref.load %arg16[%get3A_238] : memref<256xi32, #tpu.memory_space<smem>>
      %mul3A_240 = arith.constant 24 : i32
      %mul3A_241 = arith.muli %sub3A, %mul3A_240 : i32
      %min3A_242 = arith.constant 23 : i32
      %min3A_243 = arith.minsi %get3A_239, %min3A_242 : i32
      %add3A_244 = arith.addi %mul3A_241, %min3A_243 : i32
      %mul3A_245 = vector.broadcast %add3A_244 : i32 to vector<16xi32>
      %mul3A_246 = arith.muli %mul3A_245, %broadcast_in_dim3A_1 : vector<16xi32>
      %mul3A_247 = vector.broadcast %squeeze3A : i32 to vector<16xi32>
      %mul3A_248 = arith.muli %mul3A_247, %broadcast_in_dim3A_1 : vector<16xi32>
      tpu.vector_store_idx %arg11[%mul3A_246], %mul3A_248 masked %eq3A_3 : memref<2992xi32, #tpu.memory_space<vmem>>[vector<16xi32>], vector<16xi32>, vector<16xi1>
      %mul3A_249 = vector.broadcast %squeeze3A_236 : i32 to vector<16xi32>
      %mul3A_250 = arith.muli %mul3A_249, %broadcast_in_dim3A_1 : vector<16xi32>
      tpu.vector_store_idx %arg12[%mul3A_246], %mul3A_250 masked %eq3A_3 : memref<2992xi32, #tpu.memory_space<vmem>>[vector<16xi32>], vector<16xi32>, vector<16xi1>
      %add3A_251 = arith.constant 1 : i32
      %add3A_252 = arith.addi %get3A_239, %add3A_251 : i32
      %swap3A = arith.index_cast %sub3A : i32 to index
      %swap3A_253 = memref.load %arg16[%swap3A] : memref<256xi32, #tpu.memory_space<smem>>
      memref.store %add3A_252, %arg16[%swap3A] : memref<256xi32, #tpu.memory_space<smem>>
    }
    %while3A_32 = arith.constant 1 : i32
    scf.for %while3A_230 = %while3A_30 to %while3A_26 step %while3A_32  : i32 {
      %get3A_231 = arith.index_cast %while3A_230 : i32 to index
      %get3A_232 = tpu.vector_load %arg9[%get3A_231] {strides = array<i32>} : memref<672xi32, #tpu.memory_space<vmem>>, vector<16xi32>,
      %slice3A = vector.extract_strided_slice %get3A_232 {offsets = [0], sizes = [1], strides = [1]} : vector<16xi32> to vector<1xi32>
      %squeeze3A = vector.extract %slice3A[0] : i32 from vector<1xi32>
      %get3A_233 = arith.index_cast %while3A_230 : i32 to index
      %get3A_234 = tpu.vector_load %arg10[%get3A_233] {strides = array<i32>} : memref<672xi32, #tpu.memory_space<vmem>>, vector<16xi32>,
      %slice3A_235 = vector.extract_strided_slice %get3A_234 {offsets = [0], sizes = [1], strides = [1]} : vector<16xi32> to vector<1xi32>
      %squeeze3A_236 = vector.extract %slice3A_235[0] : i32 from vector<1xi32>
      %shift_right_logical3A = arith.constant 8 : i32
      %shift_right_logical3A_237 = arith.shrui %squeeze3A, %shift_right_logical3A : i32
      %sub3A = arith.subi %shift_right_logical3A_237, %mul3A_5 : i32
      %get3A_238 = arith.index_cast %sub3A : i32 to index
      %get3A_239 = memref.load %arg16[%get3A_238] : memref<256xi32, #tpu.memory_space<smem>>
      %mul3A_240 = arith.constant 24 : i32
      %mul3A_241 = arith.muli %sub3A, %mul3A_240 : i32
      %min3A_242 = arith.constant 23 : i32
      %min3A_243 = arith.minsi %get3A_239, %min3A_242 : i32
      %add3A_244 = arith.addi %mul3A_241, %min3A_243 : i32
      %mul3A_245 = vector.broadcast %add3A_244 : i32 to vector<16xi32>
      %mul3A_246 = arith.muli %mul3A_245, %broadcast_in_dim3A_1 : vector<16xi32>
      %mul3A_247 = vector.broadcast %squeeze3A : i32 to vector<16xi32>
      %mul3A_248 = arith.muli %mul3A_247, %broadcast_in_dim3A_1 : vector<16xi32>
      tpu.vector_store_idx %arg11[%mul3A_246], %mul3A_248 masked %eq3A_3 : memref<2992xi32, #tpu.memory_space<vmem>>[vector<16xi32>], vector<16xi32>, vector<16xi1>
      %mul3A_249 = vector.broadcast %squeeze3A_236 : i32 to vector<16xi32>
      %mul3A_250 = arith.muli %mul3A_249, %broadcast_in_dim3A_1 : vector<16xi32>
      tpu.vector_store_idx %arg12[%mul3A_246], %mul3A_250 masked %eq3A_3 : memref<2992xi32, #tpu.memory_space<vmem>>[vector<16xi32>], vector<16xi32>, vector<16xi1>
      %add3A_251 = arith.constant 1 : i32
      %add3A_252 = arith.addi %get3A_239, %add3A_251 : i32
      %swap3A = arith.index_cast %sub3A : i32 to index
      %swap3A_253 = memref.load %arg16[%swap3A] : memref<256xi32, #tpu.memory_space<smem>>
      memref.store %add3A_252, %arg16[%swap3A] : memref<256xi32, #tpu.memory_space<smem>>
    }
    %add3A_33 = arith.constant 0 : i32
    %add3A_34 = arith.addi %mul3A_5, %add3A_33 : i32
    %mul3A_35 = arith.constant 2 : i32
    %mul3A_36 = arith.muli %add3A_34, %mul3A_35 : i32
    %min3A = arith.constant 7811 : i32
    %min3A_37 = arith.minsi %mul3A_36, %min3A : i32
    %mul3A_38 = arith.constant 128 : i32
    %mul3A_39 = arith.muli %min3A_37, %mul3A_38 : i32
    %dma_start3A = arith.constant 0 : i32
    %dma_start3A_40 = tpu.memref_slice %arg4[%dma_start3A, %mul3A_39] : memref<64x1000000xf32, #tpu.memory_space<hbm>> -> memref<64x256xf32, #tpu.memory_space<hbm>>
    %dma_start3A_41 = arith.constant 0 : i32
    %dma_start3A_42 = tpu.memref_slice %arg4[%dma_start3A_41, %mul3A_39] : memref<64x1000000xf32, #tpu.memory_space<hbm>> -> memref<64x256xf32, #tpu.memory_space<hbm>>
    tpu.enqueue_dma source(%dma_start3A_42 : memref<64x256xf32, #tpu.memory_space<hbm>>) target(%arg13 : memref<64x256xf32, #tpu.memory_space<vmem>>) target_semaphore(%arg17 : memref<!tpu.dma_semaphore, #tpu.memory_space<semaphore_mem>>)
    %add3A_43 = arith.constant 1 : i32
    %add3A_44 = arith.addi %mul3A_5, %add3A_43 : i32
    %mul3A_45 = arith.constant 2 : i32
    %mul3A_46 = arith.muli %add3A_44, %mul3A_45 : i32
    %min3A_47 = arith.constant 7811 : i32
    %min3A_48 = arith.minsi %mul3A_46, %min3A_47 : i32
    %mul3A_49 = arith.constant 128 : i32
    %mul3A_50 = arith.muli %min3A_48, %mul3A_49 : i32
    %dma_start3A_51 = arith.constant 0 : i32
    %dma_start3A_52 = tpu.memref_slice %arg4[%dma_start3A_51, %mul3A_50] : memref<64x1000000xf32, #tpu.memory_space<hbm>> -> memref<64x256xf32, #tpu.memory_space<hbm>>
    %dma_start3A_53 = arith.constant 0 : i32
    %dma_start3A_54 = tpu.memref_slice %arg4[%dma_start3A_53, %mul3A_50] : memref<64x1000000xf32, #tpu.memory_space<hbm>> -> memref<64x256xf32, #tpu.memory_space<hbm>>
    tpu.enqueue_dma source(%dma_start3A_54 : memref<64x256xf32, #tpu.memory_space<hbm>>) target(%arg14 : memref<64x256xf32, #tpu.memory_space<vmem>>) target_semaphore(%arg18 : memref<!tpu.dma_semaphore, #tpu.memory_space<semaphore_mem>>)
    %scan3A_55 = arith.constant 0 : i32
    %scan3A_56 = arith.constant 0 : i32
    %scan3A_57 = arith.constant 61 : i32
    %scan3A_58 = arith.addi %scan3A_56, %scan3A_57 : i32
    %scan3A_59 = arith.constant 1 : i32
    %scan3A_60 = scf.for %scan3A_230 = %scan3A_56 to %scan3A_58 step %scan3A_59 iter_args(%scan3A_231 = %scan3A_55) -> (i32)  : i32 {
      %mul3A_232 = arith.constant 2 : i32
      %mul3A_233 = arith.muli %scan3A_230, %mul3A_232 : i32
      %add3A_234 = arith.constant 0 : i32
      %add3A_235 = arith.addi %mul3A_233, %add3A_234 : i32
      %dma_wait3A_236 = arith.constant 0 : i32
      %dma_wait3A_237 = arith.constant 0 : i32
      %dma_wait3A_238 = tpu.memref_slice %arg4[%dma_wait3A_236, %dma_wait3A_237] : memref<64x1000000xf32, #tpu.memory_space<hbm>> -> memref<64x256xf32, #tpu.memory_space<hbm>>
      %dma_wait3A_239 = arith.constant 0 : i32
      %dma_wait3A_240 = arith.constant 0 : i32
      %dma_wait3A_241 = tpu.memref_slice %arg4[%dma_wait3A_239, %dma_wait3A_240] : memref<64x1000000xf32, #tpu.memory_space<hbm>> -> memref<64x256xf32, #tpu.memory_space<hbm>>
      tpu.wait_dma2 semaphore(%arg17 : memref<!tpu.dma_semaphore, #tpu.memory_space<semaphore_mem>>) src(%dma_wait3A_241 : memref<64x256xf32, #tpu.memory_space<hbm>>) dst(%arg13 : memref<64x256xf32, #tpu.memory_space<vmem>>)
      %get3A_242 = arith.index_cast %add3A_235 : i32 to index
      %get3A_243 = memref.load %arg16[%get3A_242] : memref<256xi32, #tpu.memory_space<smem>>
      %min3A_244 = arith.constant 24 : i32
      %min3A_245 = arith.minsi %get3A_243, %min3A_244 : i32
      %while3A_246 = arith.constant 0 : i32
      %while3A_247 = arith.subi %min3A_245, %while3A_246 : i32
      %while3A_248 = arith.addi %while3A_246, %while3A_247 : i32
      %while3A_249 = arith.constant 1 : i32
      %while3A_250 = arith.divsi %while3A_247, %while3A_249 : i32
      %while3A_251 = arith.muli %while3A_250, %while3A_249 : i32
      %while3A_252 = arith.addi %while3A_246, %while3A_251 : i32
      %while3A_253 = arith.constant 1 : i32
      %while3A_254 = scf.for %while3A_310 = %while3A_246 to %while3A_252 step %while3A_253 iter_args(%while3A_311 = %scan3A_231) -> (i32)  : i32 {
        %mul3A_312 = arith.constant 24 : i32
        %mul3A_313 = arith.muli %add3A_235, %mul3A_312 : i32
        %add3A_314 = arith.addi %mul3A_313, %while3A_310 : i32
        %get3A_315 = arith.index_cast %add3A_314 : i32 to index
        %get3A_316 = tpu.vector_load %arg11[%get3A_315] {strides = array<i32>} : memref<2992xi32, #tpu.memory_space<vmem>>, vector<16xi32>,
        %slice3A = vector.extract_strided_slice %get3A_316 {offsets = [0], sizes = [1], strides = [1]} : vector<16xi32> to vector<1xi32>
        %squeeze3A = vector.extract %slice3A[0] : i32 from vector<1xi32>
        %get3A_317 = arith.index_cast %add3A_314 : i32 to index
        %get3A_318 = tpu.vector_load %arg12[%get3A_317] {strides = array<i32>} : memref<2992xi32, #tpu.memory_space<vmem>>, vector<16xi32>,
        %slice3A_319 = vector.extract_strided_slice %get3A_318 {offsets = [0], sizes = [1], strides = [1]} : vector<16xi32> to vector<1xi32>
        %squeeze3A_320 = vector.extract %slice3A_319[0] : i32 from vector<1xi32>
        %shift_right_logical3A = arith.constant 8 : i32
        %shift_right_logical3A_321 = arith.shrui %squeeze3A, %shift_right_logical3A : i32
        %mul3A_322 = arith.constant 2 : i32
        %mul3A_323 = arith.muli %shift_right_logical3A_321, %mul3A_322 : i32
        %min3A_324 = arith.constant 7811 : i32
        %min3A_325 = arith.minsi %mul3A_323, %min3A_324 : i32
        %mul3A_326 = arith.constant 128 : i32
        %mul3A_327 = arith.muli %min3A_325, %mul3A_326 : i32
        %sub3A = arith.subi %squeeze3A, %mul3A_327 : i32
        %mul3A_328 = vector.broadcast %sub3A : i32 to vector<16xi32>
        %mul3A_329 = arith.muli %mul3A_328, %broadcast_in_dim3A_1 : vector<16xi32>
        %add3A_330 = arith.constant 0 : i32
        %add3A_331 = vector.broadcast %add3A_330 : i32 to vector<16xi32>
        %add3A_332 = arith.addi %iota3A, %add3A_331 : vector<16xi32>
        %gather3A = tpu.vector_load_idx %arg13[%add3A_332, %mul3A_329] : memref<64x256xf32, #tpu.memory_space<vmem>>[vector<16xi32>, vector<16xi32>], vector<16xf32>,
        %swap3A = arith.index_cast %while3A_311 : i32 to index
        %swap3A_333 = arith.constant 0 : index
        %swap3A_334 = tpu.vector_load %arg15[%swap3A, %swap3A_333] {strides = array<i32>} : memref<656x64xf32, #tpu.memory_space<vmem>>, vector<16xf32>,
        tpu.vector_store %arg15[%swap3A, %swap3A_333], %gather3A {strides = array<i32>} : memref<656x64xf32, #tpu.memory_space<vmem>>, vector<16xf32>,
        %add3A_335 = arith.constant 16 : i32
        %add3A_336 = vector.broadcast %add3A_335 : i32 to vector<16xi32>
        %add3A_337 = arith.addi %iota3A, %add3A_336 : vector<16xi32>
        %gather3A_338 = tpu.vector_load_idx %arg13[%add3A_337, %mul3A_329] : memref<64x256xf32, #tpu.memory_space<vmem>>[vector<16xi32>, vector<16xi32>], vector<16xf32>,
        %swap3A_339 = arith.index_cast %while3A_311 : i32 to index
        %swap3A_340 = arith.constant 16 : index
        %swap3A_341 = tpu.vector_load %arg15[%swap3A_339, %swap3A_340] {strides = array<i32>} : memref<656x64xf32, #tpu.memory_space<vmem>>, vector<16xf32>,
        tpu.vector_store %arg15[%swap3A_339, %swap3A_340], %gather3A_338 {strides = array<i32>} : memref<656x64xf32, #tpu.memory_space<vmem>>, vector<16xf32>,
        %add3A_342 = arith.constant 32 : i32
        %add3A_343 = vector.broadcast %add3A_342 : i32 to vector<16xi32>
        %add3A_344 = arith.addi %iota3A, %add3A_343 : vector<16xi32>
        %gather3A_345 = tpu.vector_load_idx %arg13[%add3A_344, %mul3A_329] : memref<64x256xf32, #tpu.memory_space<vmem>>[vector<16xi32>, vector<16xi32>], vector<16xf32>,
        %swap3A_346 = arith.index_cast %while3A_311 : i32 to index
        %swap3A_347 = arith.constant 32 : index
        %swap3A_348 = tpu.vector_load %arg15[%swap3A_346, %swap3A_347] {strides = array<i32>} : memref<656x64xf32, #tpu.memory_space<vmem>>, vector<16xf32>,
        tpu.vector_store %arg15[%swap3A_346, %swap3A_347], %gather3A_345 {strides = array<i32>} : memref<656x64xf32, #tpu.memory_space<vmem>>, vector<16xf32>,
        %add3A_349 = arith.constant 48 : i32
        %add3A_350 = vector.broadcast %add3A_349 : i32 to vector<16xi32>
        %add3A_351 = arith.addi %iota3A, %add3A_350 : vector<16xi32>
        %gather3A_352 = tpu.vector_load_idx %arg13[%add3A_351, %mul3A_329] : memref<64x256xf32, #tpu.memory_space<vmem>>[vector<16xi32>, vector<16xi32>], vector<16xf32>,
        %swap3A_353 = arith.index_cast %while3A_311 : i32 to index
        %swap3A_354 = arith.constant 48 : index
        %swap3A_355 = tpu.vector_load %arg15[%swap3A_353, %swap3A_354] {strides = array<i32>} : memref<656x64xf32, #tpu.memory_space<vmem>>, vector<16xf32>,
        tpu.vector_store %arg15[%swap3A_353, %swap3A_354], %gather3A_352 {strides = array<i32>} : memref<656x64xf32, #tpu.memory_space<vmem>>, vector<16xf32>,
        %dma_start3A_356 = arith.constant 0 : i32
        %dma_start3A_357 = tpu.memref_slice %arg15[%while3A_311, %dma_start3A_356] : memref<656x64xf32, #tpu.memory_space<vmem>> -> memref<1x64xf32, #tpu.memory_space<vmem>>
        %dma_start3A_358 = tpu.memref_squeeze %dma_start3A_357 : memref<1x64xf32, #tpu.memory_space<vmem>> -> memref<64xf32, #tpu.memory_space<vmem>>
        %dma_start3A_359 = arith.constant 0 : i32
        %dma_start3A_360 = tpu.memref_slice %arg6[%squeeze3A_320, %dma_start3A_359] : memref<16384x64xf32, #tpu.memory_space<hbm>> -> memref<1x64xf32, #tpu.memory_space<hbm>>
        %dma_start3A_361 = tpu.memref_squeeze %dma_start3A_360 : memref<1x64xf32, #tpu.memory_space<hbm>> -> memref<64xf32, #tpu.memory_space<hbm>>
        %dma_start3A_362 = arith.constant 0 : i32
        %dma_start3A_363 = tpu.memref_slice %arg6[%squeeze3A_320, %dma_start3A_362] : memref<16384x64xf32, #tpu.memory_space<hbm>> -> memref<1x64xf32, #tpu.memory_space<hbm>>
        %dma_start3A_364 = tpu.memref_squeeze %dma_start3A_363 : memref<1x64xf32, #tpu.memory_space<hbm>> -> memref<64xf32, #tpu.memory_space<hbm>>
        %dma_start3A_365 = arith.constant 0 : i32
        %dma_start3A_366 = tpu.memref_slice %arg15[%while3A_311, %dma_start3A_365] : memref<656x64xf32, #tpu.memory_space<vmem>> -> memref<1x64xf32, #tpu.memory_space<vmem>>
        %dma_start3A_367 = tpu.memref_squeeze %dma_start3A_366 : memref<1x64xf32, #tpu.memory_space<vmem>> -> memref<64xf32, #tpu.memory_space<vmem>>
        tpu.enqueue_dma source(%dma_start3A_367 : memref<64xf32, #tpu.memory_space<vmem>>) target(%dma_start3A_364 : memref<64xf32, #tpu.memory_space<hbm>>) target_semaphore(%arg19 : memref<!tpu.dma_semaphore, #tpu.memory_space<semaphore_mem>>)
        %add3A_368 = arith.constant 1 : i32
        %add3A_369 = arith.addi %while3A_311, %add3A_368 : i32
        scf.yield %add3A_369 : i32
      }
      %while3A_255 = arith.constant 1 : i32
      %while3A_256 = scf.for %while3A_310 = %while3A_252 to %while3A_248 step %while3A_255 iter_args(%while3A_311 = %while3A_254) -> (i32)  : i32 {
        %mul3A_312 = arith.constant 24 : i32
        %mul3A_313 = arith.muli %add3A_235, %mul3A_312 : i32
        %add3A_314 = arith.addi %mul3A_313, %while3A_310 : i32
        %get3A_315 = arith.index_cast %add3A_314 : i32 to index
        %get3A_316 = tpu.vector_load %arg11[%get3A_315] {strides = array<i32>} : memref<2992xi32, #tpu.memory_space<vmem>>, vector<16xi32>,
        %slice3A = vector.extract_strided_slice %get3A_316 {offsets = [0], sizes = [1], strides = [1]} : vector<16xi32> to vector<1xi32>
        %squeeze3A = vector.extract %slice3A[0] : i32 from vector<1xi32>
        %get3A_317 = arith.index_cast %add3A_314 : i32 to index
        %get3A_318 = tpu.vector_load %arg12[%get3A_317] {strides = array<i32>} : memref<2992xi32, #tpu.memory_space<vmem>>, vector<16xi32>,
        %slice3A_319 = vector.extract_strided_slice %get3A_318 {offsets = [0], sizes = [1], strides = [1]} : vector<16xi32> to vector<1xi32>
        %squeeze3A_320 = vector.extract %slice3A_319[0] : i32 from vector<1xi32>
        %shift_right_logical3A = arith.constant 8 : i32
        %shift_right_logical3A_321 = arith.shrui %squeeze3A, %shift_right_logical3A : i32
        %mul3A_322 = arith.constant 2 : i32
        %mul3A_323 = arith.muli %shift_right_logical3A_321, %mul3A_322 : i32
        %min3A_324 = arith.constant 7811 : i32
        %min3A_325 = arith.minsi %mul3A_323, %min3A_324 : i32
        %mul3A_326 = arith.constant 128 : i32
        %mul3A_327 = arith.muli %min3A_325, %mul3A_326 : i32
        %sub3A = arith.subi %squeeze3A, %mul3A_327 : i32
        %mul3A_328 = vector.broadcast %sub3A : i32 to vector<16xi32>
        %mul3A_329 = arith.muli %mul3A_328, %broadcast_in_dim3A_1 : vector<16xi32>
        %add3A_330 = arith.constant 0 : i32
        %add3A_331 = vector.broadcast %add3A_330 : i32 to vector<16xi32>
        %add3A_332 = arith.addi %iota3A, %add3A_331 : vector<16xi32>
        %gather3A = tpu.vector_load_idx %arg13[%add3A_332, %mul3A_329] : memref<64x256xf32, #tpu.memory_space<vmem>>[vector<16xi32>, vector<16xi32>], vector<16xf32>,
        %swap3A = arith.index_cast %while3A_311 : i32 to index
        %swap3A_333 = arith.constant 0 : index
        %swap3A_334 = tpu.vector_load %arg15[%swap3A, %swap3A_333] {strides = array<i32>} : memref<656x64xf32, #tpu.memory_space<vmem>>, vector<16xf32>,
        tpu.vector_store %arg15[%swap3A, %swap3A_333], %gather3A {strides = array<i32>} : memref<656x64xf32, #tpu.memory_space<vmem>>, vector<16xf32>,
        %add3A_335 = arith.constant 16 : i32
        %add3A_336 = vector.broadcast %add3A_335 : i32 to vector<16xi32>
        %add3A_337 = arith.addi %iota3A, %add3A_336 : vector<16xi32>
        %gather3A_338 = tpu.vector_load_idx %arg13[%add3A_337, %mul3A_329] : memref<64x256xf32, #tpu.memory_space<vmem>>[vector<16xi32>, vector<16xi32>], vector<16xf32>,
        %swap3A_339 = arith.index_cast %while3A_311 : i32 to index
        %swap3A_340 = arith.constant 16 : index
        %swap3A_341 = tpu.vector_load %arg15[%swap3A_339, %swap3A_340] {strides = array<i32>} : memref<656x64xf32, #tpu.memory_space<vmem>>, vector<16xf32>,
        tpu.vector_store %arg15[%swap3A_339, %swap3A_340], %gather3A_338 {strides = array<i32>} : memref<656x64xf32, #tpu.memory_space<vmem>>, vector<16xf32>,
        %add3A_342 = arith.constant 32 : i32
        %add3A_343 = vector.broadcast %add3A_342 : i32 to vector<16xi32>
        %add3A_344 = arith.addi %iota3A, %add3A_343 : vector<16xi32>
        %gather3A_345 = tpu.vector_load_idx %arg13[%add3A_344, %mul3A_329] : memref<64x256xf32, #tpu.memory_space<vmem>>[vector<16xi32>, vector<16xi32>], vector<16xf32>,
        %swap3A_346 = arith.index_cast %while3A_311 : i32 to index
        %swap3A_347 = arith.constant 32 : index
        %swap3A_348 = tpu.vector_load %arg15[%swap3A_346, %swap3A_347] {strides = array<i32>} : memref<656x64xf32, #tpu.memory_space<vmem>>, vector<16xf32>,
        tpu.vector_store %arg15[%swap3A_346, %swap3A_347], %gather3A_345 {strides = array<i32>} : memref<656x64xf32, #tpu.memory_space<vmem>>, vector<16xf32>,
        %add3A_349 = arith.constant 48 : i32
        %add3A_350 = vector.broadcast %add3A_349 : i32 to vector<16xi32>
        %add3A_351 = arith.addi %iota3A, %add3A_350 : vector<16xi32>
        %gather3A_352 = tpu.vector_load_idx %arg13[%add3A_351, %mul3A_329] : memref<64x256xf32, #tpu.memory_space<vmem>>[vector<16xi32>, vector<16xi32>], vector<16xf32>,
        %swap3A_353 = arith.index_cast %while3A_311 : i32 to index
        %swap3A_354 = arith.constant 48 : index
        %swap3A_355 = tpu.vector_load %arg15[%swap3A_353, %swap3A_354] {strides = array<i32>} : memref<656x64xf32, #tpu.memory_space<vmem>>, vector<16xf32>,
        tpu.vector_store %arg15[%swap3A_353, %swap3A_354], %gather3A_352 {strides = array<i32>} : memref<656x64xf32, #tpu.memory_space<vmem>>, vector<16xf32>,
        %dma_start3A_356 = arith.constant 0 : i32
        %dma_start3A_357 = tpu.memref_slice %arg15[%while3A_311, %dma_start3A_356] : memref<656x64xf32, #tpu.memory_space<vmem>> -> memref<1x64xf32, #tpu.memory_space<vmem>>
        %dma_start3A_358 = tpu.memref_squeeze %dma_start3A_357 : memref<1x64xf32, #tpu.memory_space<vmem>> -> memref<64xf32, #tpu.memory_space<vmem>>
        %dma_start3A_359 = arith.constant 0 : i32
        %dma_start3A_360 = tpu.memref_slice %arg6[%squeeze3A_320, %dma_start3A_359] : memref<16384x64xf32, #tpu.memory_space<hbm>> -> memref<1x64xf32, #tpu.memory_space<hbm>>
        %dma_start3A_361 = tpu.memref_squeeze %dma_start3A_360 : memref<1x64xf32, #tpu.memory_space<hbm>> -> memref<64xf32, #tpu.memory_space<hbm>>
        %dma_start3A_362 = arith.constant 0 : i32
        %dma_start3A_363 = tpu.memref_slice %arg6[%squeeze3A_320, %dma_start3A_362] : memref<16384x64xf32, #tpu.memory_space<hbm>> -> memref<1x64xf32, #tpu.memory_space<hbm>>
        %dma_start3A_364 = tpu.memref_squeeze %dma_start3A_363 : memref<1x64xf32, #tpu.memory_space<hbm>> -> memref<64xf32, #tpu.memory_space<hbm>>
        %dma_start3A_365 = arith.constant 0 : i32
        %dma_start3A_366 = tpu.memref_slice %arg15[%while3A_311, %dma_start3A_365] : memref<656x64xf32, #tpu.memory_space<vmem>> -> memref<1x64xf32, #tpu.memory_space<vmem>>
        %dma_start3A_367 = tpu.memref_squeeze %dma_start3A_366 : memref<1x64xf32, #tpu.memory_space<vmem>> -> memref<64xf32, #tpu.memory_space<vmem>>
        tpu.enqueue_dma source(%dma_start3A_367 : memref<64xf32, #tpu.memory_space<vmem>>) target(%dma_start3A_364 : memref<64xf32, #tpu.memory_space<hbm>>) target_semaphore(%arg19 : memref<!tpu.dma_semaphore, #tpu.memory_space<semaphore_mem>>)
        %add3A_368 = arith.constant 1 : i32
        %add3A_369 = arith.addi %while3A_311, %add3A_368 : i32
        scf.yield %add3A_369 : i32
      }
      %add3A_257 = arith.constant 0 : i32
      %add3A_258 = arith.addi %mul3A_233, %add3A_257 : i32
      %add3A_259 = arith.constant 2 : i32
      %add3A_260 = arith.addi %add3A_258, %add3A_259 : i32
      %add3A_261 = arith.addi %mul3A_5, %add3A_260 : i32
      %mul3A_262 = arith.constant 2 : i32
      %mul3A_263 = arith.muli %add3A_261, %mul3A_262 : i32
      %min3A_264 = arith.constant 7811 : i32
      %min3A_265 = arith.minsi %mul3A_263, %min3A_264 : i32
      %mul3A_266 = arith.constant 128 : i32
      %mul3A_267 = arith.muli %min3A_265, %mul3A_266 : i32
      %dma_start3A_268 = arith.constant 0 : i32
      %dma_start3A_269 = tpu.memref_slice %arg4[%dma_start3A_268, %mul3A_267] : memref<64x1000000xf32, #tpu.memory_space<hbm>> -> memref<64x256xf32, #tpu.memory_space<hbm>>
      %dma_start3A_270 = arith.constant 0 : i32
      %dma_start3A_271 = tpu.memref_slice %arg4[%dma_start3A_270, %mul3A_267] : memref<64x1000000xf32, #tpu.memory_space<hbm>> -> memref<64x256xf32, #tpu.memory_space<hbm>>
      tpu.enqueue_dma source(%dma_start3A_271 : memref<64x256xf32, #tpu.memory_space<hbm>>) target(%arg13 : memref<64x256xf32, #tpu.memory_space<vmem>>) target_semaphore(%arg17 : memref<!tpu.dma_semaphore, #tpu.memory_space<semaphore_mem>>)
      %add3A_272 = arith.constant 1 : i32
      %add3A_273 = arith.addi %mul3A_233, %add3A_272 : i32
      %dma_wait3A_274 = arith.constant 0 : i32
      %dma_wait3A_275 = arith.constant 0 : i32
      %dma_wait3A_276 = tpu.memref_slice %arg4[%dma_wait3A_274, %dma_wait3A_275] : memref<64x1000000xf32, #tpu.memory_space<hbm>> -> memref<64x256xf32, #tpu.memory_space<hbm>>
      %dma_wait3A_277 = arith.constant 0 : i32
      %dma_wait3A_278 = arith.constant 0 : i32
      %dma_wait3A_279 = tpu.memref_slice %arg4[%dma_wait3A_277, %dma_wait3A_278] : memref<64x1000000xf32, #tpu.memory_space<hbm>> -> memref<64x256xf32, #tpu.memory_space<hbm>>
      tpu.wait_dma2 semaphore(%arg18 : memref<!tpu.dma_semaphore, #tpu.memory_space<semaphore_mem>>) src(%dma_wait3A_279 : memref<64x256xf32, #tpu.memory_space<hbm>>) dst(%arg14 : memref<64x256xf32, #tpu.memory_space<vmem>>)
      %get3A_280 = arith.index_cast %add3A_273 : i32 to index
      %get3A_281 = memref.load %arg16[%get3A_280] : memref<256xi32, #tpu.memory_space<smem>>
      %min3A_282 = arith.constant 24 : i32
      %min3A_283 = arith.minsi %get3A_281, %min3A_282 : i32
      %while3A_284 = arith.constant 0 : i32
      %while3A_285 = arith.subi %min3A_283, %while3A_284 : i32
      %while3A_286 = arith.addi %while3A_284, %while3A_285 : i32
      %while3A_287 = arith.constant 1 : i32
      %while3A_288 = arith.divsi %while3A_285, %while3A_287 : i32
      %while3A_289 = arith.muli %while3A_288, %while3A_287 : i32
      %while3A_290 = arith.addi %while3A_284, %while3A_289 : i32
      %while3A_291 = arith.constant 1 : i32
      %while3A_292 = scf.for %while3A_310 = %while3A_284 to %while3A_290 step %while3A_291 iter_args(%while3A_311 = %while3A_256) -> (i32)  : i32 {
        %mul3A_312 = arith.constant 24 : i32
        %mul3A_313 = arith.muli %add3A_273, %mul3A_312 : i32
        %add3A_314 = arith.addi %mul3A_313, %while3A_310 : i32
        %get3A_315 = arith.index_cast %add3A_314 : i32 to index
        %get3A_316 = tpu.vector_load %arg11[%get3A_315] {strides = array<i32>} : memref<2992xi32, #tpu.memory_space<vmem>>, vector<16xi32>,
        %slice3A = vector.extract_strided_slice %get3A_316 {offsets = [0], sizes = [1], strides = [1]} : vector<16xi32> to vector<1xi32>
        %squeeze3A = vector.extract %slice3A[0] : i32 from vector<1xi32>
        %get3A_317 = arith.index_cast %add3A_314 : i32 to index
        %get3A_318 = tpu.vector_load %arg12[%get3A_317] {strides = array<i32>} : memref<2992xi32, #tpu.memory_space<vmem>>, vector<16xi32>,
        %slice3A_319 = vector.extract_strided_slice %get3A_318 {offsets = [0], sizes = [1], strides = [1]} : vector<16xi32> to vector<1xi32>
        %squeeze3A_320 = vector.extract %slice3A_319[0] : i32 from vector<1xi32>
        %shift_right_logical3A = arith.constant 8 : i32
        %shift_right_logical3A_321 = arith.shrui %squeeze3A, %shift_right_logical3A : i32
        %mul3A_322 = arith.constant 2 : i32
        %mul3A_323 = arith.muli %shift_right_logical3A_321, %mul3A_322 : i32
        %min3A_324 = arith.constant 7811 : i32
        %min3A_325 = arith.minsi %mul3A_323, %min3A_324 : i32
        %mul3A_326 = arith.constant 128 : i32
        %mul3A_327 = arith.muli %min3A_325, %mul3A_326 : i32
        %sub3A = arith.subi %squeeze3A, %mul3A_327 : i32
        %mul3A_328 = vector.broadcast %sub3A : i32 to vector<16xi32>
        %mul3A_329 = arith.muli %mul3A_328, %broadcast_in_dim3A_1 : vector<16xi32>
        %add3A_330 = arith.constant 0 : i32
        %add3A_331 = vector.broadcast %add3A_330 : i32 to vector<16xi32>
        %add3A_332 = arith.addi %iota3A, %add3A_331 : vector<16xi32>
        %gather3A = tpu.vector_load_idx %arg14[%add3A_332, %mul3A_329] : memref<64x256xf32, #tpu.memory_space<vmem>>[vector<16xi32>, vector<16xi32>], vector<16xf32>,
        %swap3A = arith.index_cast %while3A_311 : i32 to index
        %swap3A_333 = arith.constant 0 : index
        %swap3A_334 = tpu.vector_load %arg15[%swap3A, %swap3A_333] {strides = array<i32>} : memref<656x64xf32, #tpu.memory_space<vmem>>, vector<16xf32>,
        tpu.vector_store %arg15[%swap3A, %swap3A_333], %gather3A {strides = array<i32>} : memref<656x64xf32, #tpu.memory_space<vmem>>, vector<16xf32>,
        %add3A_335 = arith.constant 16 : i32
        %add3A_336 = vector.broadcast %add3A_335 : i32 to vector<16xi32>
        %add3A_337 = arith.addi %iota3A, %add3A_336 : vector<16xi32>
        %gather3A_338 = tpu.vector_load_idx %arg14[%add3A_337, %mul3A_329] : memref<64x256xf32, #tpu.memory_space<vmem>>[vector<16xi32>, vector<16xi32>], vector<16xf32>,
        %swap3A_339 = arith.index_cast %while3A_311 : i32 to index
        %swap3A_340 = arith.constant 16 : index
        %swap3A_341 = tpu.vector_load %arg15[%swap3A_339, %swap3A_340] {strides = array<i32>} : memref<656x64xf32, #tpu.memory_space<vmem>>, vector<16xf32>,
        tpu.vector_store %arg15[%swap3A_339, %swap3A_340], %gather3A_338 {strides = array<i32>} : memref<656x64xf32, #tpu.memory_space<vmem>>, vector<16xf32>,
        %add3A_342 = arith.constant 32 : i32
        %add3A_343 = vector.broadcast %add3A_342 : i32 to vector<16xi32>
        %add3A_344 = arith.addi %iota3A, %add3A_343 : vector<16xi32>
        %gather3A_345 = tpu.vector_load_idx %arg14[%add3A_344, %mul3A_329] : memref<64x256xf32, #tpu.memory_space<vmem>>[vector<16xi32>, vector<16xi32>], vector<16xf32>,
        %swap3A_346 = arith.index_cast %while3A_311 : i32 to index
        %swap3A_347 = arith.constant 32 : index
        %swap3A_348 = tpu.vector_load %arg15[%swap3A_346, %swap3A_347] {strides = array<i32>} : memref<656x64xf32, #tpu.memory_space<vmem>>, vector<16xf32>,
        tpu.vector_store %arg15[%swap3A_346, %swap3A_347], %gather3A_345 {strides = array<i32>} : memref<656x64xf32, #tpu.memory_space<vmem>>, vector<16xf32>,
        %add3A_349 = arith.constant 48 : i32
        %add3A_350 = vector.broadcast %add3A_349 : i32 to vector<16xi32>
        %add3A_351 = arith.addi %iota3A, %add3A_350 : vector<16xi32>
        %gather3A_352 = tpu.vector_load_idx %arg14[%add3A_351, %mul3A_329] : memref<64x256xf32, #tpu.memory_space<vmem>>[vector<16xi32>, vector<16xi32>], vector<16xf32>,
        %swap3A_353 = arith.index_cast %while3A_311 : i32 to index
        %swap3A_354 = arith.constant 48 : index
        %swap3A_355 = tpu.vector_load %arg15[%swap3A_353, %swap3A_354] {strides = array<i32>} : memref<656x64xf32, #tpu.memory_space<vmem>>, vector<16xf32>,
        tpu.vector_store %arg15[%swap3A_353, %swap3A_354], %gather3A_352 {strides = array<i32>} : memref<656x64xf32, #tpu.memory_space<vmem>>, vector<16xf32>,
        %dma_start3A_356 = arith.constant 0 : i32
        %dma_start3A_357 = tpu.memref_slice %arg15[%while3A_311, %dma_start3A_356] : memref<656x64xf32, #tpu.memory_space<vmem>> -> memref<1x64xf32, #tpu.memory_space<vmem>>
        %dma_start3A_358 = tpu.memref_squeeze %dma_start3A_357 : memref<1x64xf32, #tpu.memory_space<vmem>> -> memref<64xf32, #tpu.memory_space<vmem>>
        %dma_start3A_359 = arith.constant 0 : i32
        %dma_start3A_360 = tpu.memref_slice %arg6[%squeeze3A_320, %dma_start3A_359] : memref<16384x64xf32, #tpu.memory_space<hbm>> -> memref<1x64xf32, #tpu.memory_space<hbm>>
        %dma_start3A_361 = tpu.memref_squeeze %dma_start3A_360 : memref<1x64xf32, #tpu.memory_space<hbm>> -> memref<64xf32, #tpu.memory_space<hbm>>
        %dma_start3A_362 = arith.constant 0 : i32
        %dma_start3A_363 = tpu.memref_slice %arg6[%squeeze3A_320, %dma_start3A_362] : memref<16384x64xf32, #tpu.memory_space<hbm>> -> memref<1x64xf32, #tpu.memory_space<hbm>>
        %dma_start3A_364 = tpu.memref_squeeze %dma_start3A_363 : memref<1x64xf32, #tpu.memory_space<hbm>> -> memref<64xf32, #tpu.memory_space<hbm>>
        %dma_start3A_365 = arith.constant 0 : i32
        %dma_start3A_366 = tpu.memref_slice %arg15[%while3A_311, %dma_start3A_365] : memref<656x64xf32, #tpu.memory_space<vmem>> -> memref<1x64xf32, #tpu.memory_space<vmem>>
        %dma_start3A_367 = tpu.memref_squeeze %dma_start3A_366 : memref<1x64xf32, #tpu.memory_space<vmem>> -> memref<64xf32, #tpu.memory_space<vmem>>
        tpu.enqueue_dma source(%dma_start3A_367 : memref<64xf32, #tpu.memory_space<vmem>>) target(%dma_start3A_364 : memref<64xf32, #tpu.memory_space<hbm>>) target_semaphore(%arg19 : memref<!tpu.dma_semaphore, #tpu.memory_space<semaphore_mem>>)
        %add3A_368 = arith.constant 1 : i32
        %add3A_369 = arith.addi %while3A_311, %add3A_368 : i32
        scf.yield %add3A_369 : i32
      }
      %while3A_293 = arith.constant 1 : i32
      %while3A_294 = scf.for %while3A_310 = %while3A_290 to %while3A_286 step %while3A_293 iter_args(%while3A_311 = %while3A_292) -> (i32)  : i32 {
        %mul3A_312 = arith.constant 24 : i32
        %mul3A_313 = arith.muli %add3A_273, %mul3A_312 : i32
        %add3A_314 = arith.addi %mul3A_313, %while3A_310 : i32
        %get3A_315 = arith.index_cast %add3A_314 : i32 to index
        %get3A_316 = tpu.vector_load %arg11[%get3A_315] {strides = array<i32>} : memref<2992xi32, #tpu.memory_space<vmem>>, vector<16xi32>,
        %slice3A = vector.extract_strided_slice %get3A_316 {offsets = [0], sizes = [1], strides = [1]} : vector<16xi32> to vector<1xi32>
        %squeeze3A = vector.extract %slice3A[0] : i32 from vector<1xi32>
        %get3A_317 = arith.index_cast %add3A_314 : i32 to index
        %get3A_318 = tpu.vector_load %arg12[%get3A_317] {strides = array<i32>} : memref<2992xi32, #tpu.memory_space<vmem>>, vector<16xi32>,
        %slice3A_319 = vector.extract_strided_slice %get3A_318 {offsets = [0], sizes = [1], strides = [1]} : vector<16xi32> to vector<1xi32>
        %squeeze3A_320 = vector.extract %slice3A_319[0] : i32 from vector<1xi32>
        %shift_right_logical3A = arith.constant 8 : i32
        %shift_right_logical3A_321 = arith.shrui %squeeze3A, %shift_right_logical3A : i32
        %mul3A_322 = arith.constant 2 : i32
        %mul3A_323 = arith.muli %shift_right_logical3A_321, %mul3A_322 : i32
        %min3A_324 = arith.constant 7811 : i32
        %min3A_325 = arith.minsi %mul3A_323, %min3A_324 : i32
        %mul3A_326 = arith.constant 128 : i32
        %mul3A_327 = arith.muli %min3A_325, %mul3A_326 : i32
        %sub3A = arith.subi %squeeze3A, %mul3A_327 : i32
        %mul3A_328 = vector.broadcast %sub3A : i32 to vector<16xi32>
        %mul3A_329 = arith.muli %mul3A_328, %broadcast_in_dim3A_1 : vector<16xi32>
        %add3A_330 = arith.constant 0 : i32
        %add3A_331 = vector.broadcast %add3A_330 : i32 to vector<16xi32>
        %add3A_332 = arith.addi %iota3A, %add3A_331 : vector<16xi32>
        %gather3A = tpu.vector_load_idx %arg14[%add3A_332, %mul3A_329] : memref<64x256xf32, #tpu.memory_space<vmem>>[vector<16xi32>, vector<16xi32>], vector<16xf32>,
        %swap3A = arith.index_cast %while3A_311 : i32 to index
        %swap3A_333 = arith.constant 0 : index
        %swap3A_334 = tpu.vector_load %arg15[%swap3A, %swap3A_333] {strides = array<i32>} : memref<656x64xf32, #tpu.memory_space<vmem>>, vector<16xf32>,
        tpu.vector_store %arg15[%swap3A, %swap3A_333], %gather3A {strides = array<i32>} : memref<656x64xf32, #tpu.memory_space<vmem>>, vector<16xf32>,
        %add3A_335 = arith.constant 16 : i32
        %add3A_336 = vector.broadcast %add3A_335 : i32 to vector<16xi32>
        %add3A_337 = arith.addi %iota3A, %add3A_336 : vector<16xi32>
        %gather3A_338 = tpu.vector_load_idx %arg14[%add3A_337, %mul3A_329] : memref<64x256xf32, #tpu.memory_space<vmem>>[vector<16xi32>, vector<16xi32>], vector<16xf32>,
        %swap3A_339 = arith.index_cast %while3A_311 : i32 to index
        %swap3A_340 = arith.constant 16 : index
        %swap3A_341 = tpu.vector_load %arg15[%swap3A_339, %swap3A_340] {strides = array<i32>} : memref<656x64xf32, #tpu.memory_space<vmem>>, vector<16xf32>,
        tpu.vector_store %arg15[%swap3A_339, %swap3A_340], %gather3A_338 {strides = array<i32>} : memref<656x64xf32, #tpu.memory_space<vmem>>, vector<16xf32>,
        %add3A_342 = arith.constant 32 : i32
        %add3A_343 = vector.broadcast %add3A_342 : i32 to vector<16xi32>
        %add3A_344 = arith.addi %iota3A, %add3A_343 : vector<16xi32>
        %gather3A_345 = tpu.vector_load_idx %arg14[%add3A_344, %mul3A_329] : memref<64x256xf32, #tpu.memory_space<vmem>>[vector<16xi32>, vector<16xi32>], vector<16xf32>,
        %swap3A_346 = arith.index_cast %while3A_311 : i32 to index
        %swap3A_347 = arith.constant 32 : index
        %swap3A_348 = tpu.vector_load %arg15[%swap3A_346, %swap3A_347] {strides = array<i32>} : memref<656x64xf32, #tpu.memory_space<vmem>>, vector<16xf32>,
        tpu.vector_store %arg15[%swap3A_346, %swap3A_347], %gather3A_345 {strides = array<i32>} : memref<656x64xf32, #tpu.memory_space<vmem>>, vector<16xf32>,
        %add3A_349 = arith.constant 48 : i32
        %add3A_350 = vector.broadcast %add3A_349 : i32 to vector<16xi32>
        %add3A_351 = arith.addi %iota3A, %add3A_350 : vector<16xi32>
        %gather3A_352 = tpu.vector_load_idx %arg14[%add3A_351, %mul3A_329] : memref<64x256xf32, #tpu.memory_space<vmem>>[vector<16xi32>, vector<16xi32>], vector<16xf32>,
        %swap3A_353 = arith.index_cast %while3A_311 : i32 to index
        %swap3A_354 = arith.constant 48 : index
        %swap3A_355 = tpu.vector_load %arg15[%swap3A_353, %swap3A_354] {strides = array<i32>} : memref<656x64xf32, #tpu.memory_space<vmem>>, vector<16xf32>,
        tpu.vector_store %arg15[%swap3A_353, %swap3A_354], %gather3A_352 {strides = array<i32>} : memref<656x64xf32, #tpu.memory_space<vmem>>, vector<16xf32>,
        %dma_start3A_356 = arith.constant 0 : i32
        %dma_start3A_357 = tpu.memref_slice %arg15[%while3A_311, %dma_start3A_356] : memref<656x64xf32, #tpu.memory_space<vmem>> -> memref<1x64xf32, #tpu.memory_space<vmem>>
        %dma_start3A_358 = tpu.memref_squeeze %dma_start3A_357 : memref<1x64xf32, #tpu.memory_space<vmem>> -> memref<64xf32, #tpu.memory_space<vmem>>
        %dma_start3A_359 = arith.constant 0 : i32
        %dma_start3A_360 = tpu.memref_slice %arg6[%squeeze3A_320, %dma_start3A_359] : memref<16384x64xf32, #tpu.memory_space<hbm>> -> memref<1x64xf32, #tpu.memory_space<hbm>>
        %dma_start3A_361 = tpu.memref_squeeze %dma_start3A_360 : memref<1x64xf32, #tpu.memory_space<hbm>> -> memref<64xf32, #tpu.memory_space<hbm>>
        %dma_start3A_362 = arith.constant 0 : i32
        %dma_start3A_363 = tpu.memref_slice %arg6[%squeeze3A_320, %dma_start3A_362] : memref<16384x64xf32, #tpu.memory_space<hbm>> -> memref<1x64xf32, #tpu.memory_space<hbm>>
        %dma_start3A_364 = tpu.memref_squeeze %dma_start3A_363 : memref<1x64xf32, #tpu.memory_space<hbm>> -> memref<64xf32, #tpu.memory_space<hbm>>
        %dma_start3A_365 = arith.constant 0 : i32
        %dma_start3A_366 = tpu.memref_slice %arg15[%while3A_311, %dma_start3A_365] : memref<656x64xf32, #tpu.memory_space<vmem>> -> memref<1x64xf32, #tpu.memory_space<vmem>>
        %dma_start3A_367 = tpu.memref_squeeze %dma_start3A_366 : memref<1x64xf32, #tpu.memory_space<vmem>> -> memref<64xf32, #tpu.memory_space<vmem>>
        tpu.enqueue_dma source(%dma_start3A_367 : memref<64xf32, #tpu.memory_space<vmem>>) target(%dma_start3A_364 : memref<64xf32, #tpu.memory_space<hbm>>) target_semaphore(%arg19 : memref<!tpu.dma_semaphore, #tpu.memory_space<semaphore_mem>>)
        %add3A_368 = arith.constant 1 : i32
        %add3A_369 = arith.addi %while3A_311, %add3A_368 : i32
        scf.yield %add3A_369 : i32
      }
      %add3A_295 = arith.constant 1 : i32
      %add3A_296 = arith.addi %mul3A_233, %add3A_295 : i32
      %add3A_297 = arith.constant 2 : i32
      %add3A_298 = arith.addi %add3A_296, %add3A_297 : i32
      %add3A_299 = arith.addi %mul3A_5, %add3A_298 : i32
      %mul3A_300 = arith.constant 2 : i32
      %mul3A_301 = arith.muli %add3A_299, %mul3A_300 : i32
      %min3A_302 = arith.constant 7811 : i32
      %min3A_303 = arith.minsi %mul3A_301, %min3A_302 : i32
      %mul3A_304 = arith.constant 128 : i32
      %mul3A_305 = arith.muli %min3A_303, %mul3A_304 : i32
      %dma_start3A_306 = arith.constant 0 : i32
      %dma_start3A_307 = tpu.memref_slice %arg4[%dma_start3A_306, %mul3A_305] : memref<64x1000000xf32, #tpu.memory_space<hbm>> -> memref<64x256xf32, #tpu.memory_space<hbm>>
      %dma_start3A_308 = arith.constant 0 : i32
      %dma_start3A_309 = tpu.memref_slice %arg4[%dma_start3A_308, %mul3A_305] : memref<64x1000000xf32, #tpu.memory_space<hbm>> -> memref<64x256xf32, #tpu.memory_space<hbm>>
      tpu.enqueue_dma source(%dma_start3A_309 : memref<64x256xf32, #tpu.memory_space<hbm>>) target(%arg14 : memref<64x256xf32, #tpu.memory_space<vmem>>) target_semaphore(%arg18 : memref<!tpu.dma_semaphore, #tpu.memory_space<semaphore_mem>>)
      scf.yield %while3A_294 : i32
    }
    %scan3A_61 = arith.constant 61 : i32
    %dma_wait3A = arith.constant 0 : i32
    %dma_wait3A_62 = arith.constant 0 : i32
    %dma_wait3A_63 = tpu.memref_slice %arg4[%dma_wait3A, %dma_wait3A_62] : memref<64x1000000xf32, #tpu.memory_space<hbm>> -> memref<64x256xf32, #tpu.memory_space<hbm>>
    %dma_wait3A_64 = arith.constant 0 : i32
    %dma_wait3A_65 = arith.constant 0 : i32
    %dma_wait3A_66 = tpu.memref_slice %arg4[%dma_wait3A_64, %dma_wait3A_65] : memref<64x1000000xf32, #tpu.memory_space<hbm>> -> memref<64x256xf32, #tpu.memory_space<hbm>>
    tpu.wait_dma2 semaphore(%arg17 : memref<!tpu.dma_semaphore, #tpu.memory_space<semaphore_mem>>) src(%dma_wait3A_66 : memref<64x256xf32, #tpu.memory_space<hbm>>) dst(%arg13 : memref<64x256xf32, #tpu.memory_space<vmem>>)
    %get3A = arith.constant 122 : i32
    %get3A_67 = arith.index_cast %get3A : i32 to index
    %get3A_68 = memref.load %arg16[%get3A_67] : memref<256xi32, #tpu.memory_space<smem>>
    %min3A_69 = arith.constant 24 : i32
    %min3A_70 = arith.minsi %get3A_68, %min3A_69 : i32
    %while3A_71 = arith.constant 0 : i32
    %while3A_72 = arith.subi %min3A_70, %while3A_71 : i32
    %while3A_73 = arith.addi %while3A_71, %while3A_72 : i32
    %while3A_74 = arith.constant 1 : i32
    %while3A_75 = arith.divsi %while3A_72, %while3A_74 : i32
    %while3A_76 = arith.muli %while3A_75, %while3A_74 : i32
    %while3A_77 = arith.addi %while3A_71, %while3A_76 : i32
    %while3A_78 = arith.constant 1 : i32
    %while3A_79 = scf.for %while3A_230 = %while3A_71 to %while3A_77 step %while3A_78 iter_args(%while3A_231 = %scan3A_60) -> (i32)  : i32 {
      %add3A_232 = arith.constant 2928 : i32
      %add3A_233 = arith.addi %add3A_232, %while3A_230 : i32
      %get3A_234 = arith.index_cast %add3A_233 : i32 to index
      %get3A_235 = tpu.vector_load %arg11[%get3A_234] {strides = array<i32>} : memref<2992xi32, #tpu.memory_space<vmem>>, vector<16xi32>,
      %slice3A = vector.extract_strided_slice %get3A_235 {offsets = [0], sizes = [1], strides = [1]} : vector<16xi32> to vector<1xi32>
      %squeeze3A = vector.extract %slice3A[0] : i32 from vector<1xi32>
      %get3A_236 = arith.index_cast %add3A_233 : i32 to index
      %get3A_237 = tpu.vector_load %arg12[%get3A_236] {strides = array<i32>} : memref<2992xi32, #tpu.memory_space<vmem>>, vector<16xi32>,
      %slice3A_238 = vector.extract_strided_slice %get3A_237 {offsets = [0], sizes = [1], strides = [1]} : vector<16xi32> to vector<1xi32>
      %squeeze3A_239 = vector.extract %slice3A_238[0] : i32 from vector<1xi32>
      %shift_right_logical3A = arith.constant 8 : i32
      %shift_right_logical3A_240 = arith.shrui %squeeze3A, %shift_right_logical3A : i32
      %mul3A_241 = arith.constant 2 : i32
      %mul3A_242 = arith.muli %shift_right_logical3A_240, %mul3A_241 : i32
      %min3A_243 = arith.constant 7811 : i32
      %min3A_244 = arith.minsi %mul3A_242, %min3A_243 : i32
      %mul3A_245 = arith.constant 128 : i32
      %mul3A_246 = arith.muli %min3A_244, %mul3A_245 : i32
      %sub3A = arith.subi %squeeze3A, %mul3A_246 : i32
      %mul3A_247 = vector.broadcast %sub3A : i32 to vector<16xi32>
      %mul3A_248 = arith.muli %mul3A_247, %broadcast_in_dim3A_1 : vector<16xi32>
      %add3A_249 = arith.constant 0 : i32
      %add3A_250 = vector.broadcast %add3A_249 : i32 to vector<16xi32>
      %add3A_251 = arith.addi %iota3A, %add3A_250 : vector<16xi32>
      %gather3A = tpu.vector_load_idx %arg13[%add3A_251, %mul3A_248] : memref<64x256xf32, #tpu.memory_space<vmem>>[vector<16xi32>, vector<16xi32>], vector<16xf32>,
      %swap3A = arith.index_cast %while3A_231 : i32 to index
      %swap3A_252 = arith.constant 0 : index
      %swap3A_253 = tpu.vector_load %arg15[%swap3A, %swap3A_252] {strides = array<i32>} : memref<656x64xf32, #tpu.memory_space<vmem>>, vector<16xf32>,
      tpu.vector_store %arg15[%swap3A, %swap3A_252], %gather3A {strides = array<i32>} : memref<656x64xf32, #tpu.memory_space<vmem>>, vector<16xf32>,
      %add3A_254 = arith.constant 16 : i32
      %add3A_255 = vector.broadcast %add3A_254 : i32 to vector<16xi32>
      %add3A_256 = arith.addi %iota3A, %add3A_255 : vector<16xi32>
      %gather3A_257 = tpu.vector_load_idx %arg13[%add3A_256, %mul3A_248] : memref<64x256xf32, #tpu.memory_space<vmem>>[vector<16xi32>, vector<16xi32>], vector<16xf32>,
      %swap3A_258 = arith.index_cast %while3A_231 : i32 to index
      %swap3A_259 = arith.constant 16 : index
      %swap3A_260 = tpu.vector_load %arg15[%swap3A_258, %swap3A_259] {strides = array<i32>} : memref<656x64xf32, #tpu.memory_space<vmem>>, vector<16xf32>,
      tpu.vector_store %arg15[%swap3A_258, %swap3A_259], %gather3A_257 {strides = array<i32>} : memref<656x64xf32, #tpu.memory_space<vmem>>, vector<16xf32>,
      %add3A_261 = arith.constant 32 : i32
      %add3A_262 = vector.broadcast %add3A_261 : i32 to vector<16xi32>
      %add3A_263 = arith.addi %iota3A, %add3A_262 : vector<16xi32>
      %gather3A_264 = tpu.vector_load_idx %arg13[%add3A_263, %mul3A_248] : memref<64x256xf32, #tpu.memory_space<vmem>>[vector<16xi32>, vector<16xi32>], vector<16xf32>,
      %swap3A_265 = arith.index_cast %while3A_231 : i32 to index
      %swap3A_266 = arith.constant 32 : index
      %swap3A_267 = tpu.vector_load %arg15[%swap3A_265, %swap3A_266] {strides = array<i32>} : memref<656x64xf32, #tpu.memory_space<vmem>>, vector<16xf32>,
      tpu.vector_store %arg15[%swap3A_265, %swap3A_266], %gather3A_264 {strides = array<i32>} : memref<656x64xf32, #tpu.memory_space<vmem>>, vector<16xf32>,
      %add3A_268 = arith.constant 48 : i32
      %add3A_269 = vector.broadcast %add3A_268 : i32 to vector<16xi32>
      %add3A_270 = arith.addi %iota3A, %add3A_269 : vector<16xi32>
      %gather3A_271 = tpu.vector_load_idx %arg13[%add3A_270, %mul3A_248] : memref<64x256xf32, #tpu.memory_space<vmem>>[vector<16xi32>, vector<16xi32>], vector<16xf32>,
      %swap3A_272 = arith.index_cast %while3A_231 : i32 to index
      %swap3A_273 = arith.constant 48 : index
      %swap3A_274 = tpu.vector_load %arg15[%swap3A_272, %swap3A_273] {strides = array<i32>} : memref<656x64xf32, #tpu.memory_space<vmem>>, vector<16xf32>,
      tpu.vector_store %arg15[%swap3A_272, %swap3A_273], %gather3A_271 {strides = array<i32>} : memref<656x64xf32, #tpu.memory_space<vmem>>, vector<16xf32>,
      %dma_start3A_275 = arith.constant 0 : i32
      %dma_start3A_276 = tpu.memref_slice %arg15[%while3A_231, %dma_start3A_275] : memref<656x64xf32, #tpu.memory_space<vmem>> -> memref<1x64xf32, #tpu.memory_space<vmem>>
      %dma_start3A_277 = tpu.memref_squeeze %dma_start3A_276 : memref<1x64xf32, #tpu.memory_space<vmem>> -> memref<64xf32, #tpu.memory_space<vmem>>
      %dma_start3A_278 = arith.constant 0 : i32
      %dma_start3A_279 = tpu.memref_slice %arg6[%squeeze3A_239, %dma_start3A_278] : memref<16384x64xf32, #tpu.memory_space<hbm>> -> memref<1x64xf32, #tpu.memory_space<hbm>>
      %dma_start3A_280 = tpu.memref_squeeze %dma_start3A_279 : memref<1x64xf32, #tpu.memory_space<hbm>> -> memref<64xf32, #tpu.memory_space<hbm>>
      %dma_start3A_281 = arith.constant 0 : i32
      %dma_start3A_282 = tpu.memref_slice %arg6[%squeeze3A_239, %dma_start3A_281] : memref<16384x64xf32, #tpu.memory_space<hbm>> -> memref<1x64xf32, #tpu.memory_space<hbm>>
      %dma_start3A_283 = tpu.memref_squeeze %dma_start3A_282 : memref<1x64xf32, #tpu.memory_space<hbm>> -> memref<64xf32, #tpu.memory_space<hbm>>
      %dma_start3A_284 = arith.constant 0 : i32
      %dma_start3A_285 = tpu.memref_slice %arg15[%while3A_231, %dma_start3A_284] : memref<656x64xf32, #tpu.memory_space<vmem>> -> memref<1x64xf32, #tpu.memory_space<vmem>>
      %dma_start3A_286 = tpu.memref_squeeze %dma_start3A_285 : memref<1x64xf32, #tpu.memory_space<vmem>> -> memref<64xf32, #tpu.memory_space<vmem>>
      tpu.enqueue_dma source(%dma_start3A_286 : memref<64xf32, #tpu.memory_space<vmem>>) target(%dma_start3A_283 : memref<64xf32, #tpu.memory_space<hbm>>) target_semaphore(%arg19 : memref<!tpu.dma_semaphore, #tpu.memory_space<semaphore_mem>>)
      %add3A_287 = arith.constant 1 : i32
      %add3A_288 = arith.addi %while3A_231, %add3A_287 : i32
      scf.yield %add3A_288 : i32
    }
    %while3A_80 = arith.constant 1 : i32
    %while3A_81 = scf.for %while3A_230 = %while3A_77 to %while3A_73 step %while3A_80 iter_args(%while3A_231 = %while3A_79) -> (i32)  : i32 {
      %add3A_232 = arith.constant 2928 : i32
      %add3A_233 = arith.addi %add3A_232, %while3A_230 : i32
      %get3A_234 = arith.index_cast %add3A_233 : i32 to index
      %get3A_235 = tpu.vector_load %arg11[%get3A_234] {strides = array<i32>} : memref<2992xi32, #tpu.memory_space<vmem>>, vector<16xi32>,
      %slice3A = vector.extract_strided_slice %get3A_235 {offsets = [0], sizes = [1], strides = [1]} : vector<16xi32> to vector<1xi32>
      %squeeze3A = vector.extract %slice3A[0] : i32 from vector<1xi32>
      %get3A_236 = arith.index_cast %add3A_233 : i32 to index
      %get3A_237 = tpu.vector_load %arg12[%get3A_236] {strides = array<i32>} : memref<2992xi32, #tpu.memory_space<vmem>>, vector<16xi32>,
      %slice3A_238 = vector.extract_strided_slice %get3A_237 {offsets = [0], sizes = [1], strides = [1]} : vector<16xi32> to vector<1xi32>
      %squeeze3A_239 = vector.extract %slice3A_238[0] : i32 from vector<1xi32>
      %shift_right_logical3A = arith.constant 8 : i32
      %shift_right_logical3A_240 = arith.shrui %squeeze3A, %shift_right_logical3A : i32
      %mul3A_241 = arith.constant 2 : i32
      %mul3A_242 = arith.muli %shift_right_logical3A_240, %mul3A_241 : i32
      %min3A_243 = arith.constant 7811 : i32
      %min3A_244 = arith.minsi %mul3A_242, %min3A_243 : i32
      %mul3A_245 = arith.constant 128 : i32
      %mul3A_246 = arith.muli %min3A_244, %mul3A_245 : i32
      %sub3A = arith.subi %squeeze3A, %mul3A_246 : i32
      %mul3A_247 = vector.broadcast %sub3A : i32 to vector<16xi32>
      %mul3A_248 = arith.muli %mul3A_247, %broadcast_in_dim3A_1 : vector<16xi32>
      %add3A_249 = arith.constant 0 : i32
      %add3A_250 = vector.broadcast %add3A_249 : i32 to vector<16xi32>
      %add3A_251 = arith.addi %iota3A, %add3A_250 : vector<16xi32>
      %gather3A = tpu.vector_load_idx %arg13[%add3A_251, %mul3A_248] : memref<64x256xf32, #tpu.memory_space<vmem>>[vector<16xi32>, vector<16xi32>], vector<16xf32>,
      %swap3A = arith.index_cast %while3A_231 : i32 to index
      %swap3A_252 = arith.constant 0 : index
      %swap3A_253 = tpu.vector_load %arg15[%swap3A, %swap3A_252] {strides = array<i32>} : memref<656x64xf32, #tpu.memory_space<vmem>>, vector<16xf32>,
      tpu.vector_store %arg15[%swap3A, %swap3A_252], %gather3A {strides = array<i32>} : memref<656x64xf32, #tpu.memory_space<vmem>>, vector<16xf32>,
      %add3A_254 = arith.constant 16 : i32
      %add3A_255 = vector.broadcast %add3A_254 : i32 to vector<16xi32>
      %add3A_256 = arith.addi %iota3A, %add3A_255 : vector<16xi32>
      %gather3A_257 = tpu.vector_load_idx %arg13[%add3A_256, %mul3A_248] : memref<64x256xf32, #tpu.memory_space<vmem>>[vector<16xi32>, vector<16xi32>], vector<16xf32>,
      %swap3A_258 = arith.index_cast %while3A_231 : i32 to index
      %swap3A_259 = arith.constant 16 : index
      %swap3A_260 = tpu.vector_load %arg15[%swap3A_258, %swap3A_259] {strides = array<i32>} : memref<656x64xf32, #tpu.memory_space<vmem>>, vector<16xf32>,
      tpu.vector_store %arg15[%swap3A_258, %swap3A_259], %gather3A_257 {strides = array<i32>} : memref<656x64xf32, #tpu.memory_space<vmem>>, vector<16xf32>,
      %add3A_261 = arith.constant 32 : i32
      %add3A_262 = vector.broadcast %add3A_261 : i32 to vector<16xi32>
      %add3A_263 = arith.addi %iota3A, %add3A_262 : vector<16xi32>
      %gather3A_264 = tpu.vector_load_idx %arg13[%add3A_263, %mul3A_248] : memref<64x256xf32, #tpu.memory_space<vmem>>[vector<16xi32>, vector<16xi32>], vector<16xf32>,
      %swap3A_265 = arith.index_cast %while3A_231 : i32 to index
      %swap3A_266 = arith.constant 32 : index
      %swap3A_267 = tpu.vector_load %arg15[%swap3A_265, %swap3A_266] {strides = array<i32>} : memref<656x64xf32, #tpu.memory_space<vmem>>, vector<16xf32>,
      tpu.vector_store %arg15[%swap3A_265, %swap3A_266], %gather3A_264 {strides = array<i32>} : memref<656x64xf32, #tpu.memory_space<vmem>>, vector<16xf32>,
      %add3A_268 = arith.constant 48 : i32
      %add3A_269 = vector.broadcast %add3A_268 : i32 to vector<16xi32>
      %add3A_270 = arith.addi %iota3A, %add3A_269 : vector<16xi32>
      %gather3A_271 = tpu.vector_load_idx %arg13[%add3A_270, %mul3A_248] : memref<64x256xf32, #tpu.memory_space<vmem>>[vector<16xi32>, vector<16xi32>], vector<16xf32>,
      %swap3A_272 = arith.index_cast %while3A_231 : i32 to index
      %swap3A_273 = arith.constant 48 : index
      %swap3A_274 = tpu.vector_load %arg15[%swap3A_272, %swap3A_273] {strides = array<i32>} : memref<656x64xf32, #tpu.memory_space<vmem>>, vector<16xf32>,
      tpu.vector_store %arg15[%swap3A_272, %swap3A_273], %gather3A_271 {strides = array<i32>} : memref<656x64xf32, #tpu.memory_space<vmem>>, vector<16xf32>,
      %dma_start3A_275 = arith.constant 0 : i32
      %dma_start3A_276 = tpu.memref_slice %arg15[%while3A_231, %dma_start3A_275] : memref<656x64xf32, #tpu.memory_space<vmem>> -> memref<1x64xf32, #tpu.memory_space<vmem>>
      %dma_start3A_277 = tpu.memref_squeeze %dma_start3A_276 : memref<1x64xf32, #tpu.memory_space<vmem>> -> memref<64xf32, #tpu.memory_space<vmem>>
      %dma_start3A_278 = arith.constant 0 : i32
      %dma_start3A_279 = tpu.memref_slice %arg6[%squeeze3A_239, %dma_start3A_278] : memref<16384x64xf32, #tpu.memory_space<hbm>> -> memref<1x64xf32, #tpu.memory_space<hbm>>
      %dma_start3A_280 = tpu.memref_squeeze %dma_start3A_279 : memref<1x64xf32, #tpu.memory_space<hbm>> -> memref<64xf32, #tpu.memory_space<hbm>>
      %dma_start3A_281 = arith.constant 0 : i32
      %dma_start3A_282 = tpu.memref_slice %arg6[%squeeze3A_239, %dma_start3A_281] : memref<16384x64xf32, #tpu.memory_space<hbm>> -> memref<1x64xf32, #tpu.memory_space<hbm>>
      %dma_start3A_283 = tpu.memref_squeeze %dma_start3A_282 : memref<1x64xf32, #tpu.memory_space<hbm>> -> memref<64xf32, #tpu.memory_space<hbm>>
      %dma_start3A_284 = arith.constant 0 : i32
      %dma_start3A_285 = tpu.memref_slice %arg15[%while3A_231, %dma_start3A_284] : memref<656x64xf32, #tpu.memory_space<vmem>> -> memref<1x64xf32, #tpu.memory_space<vmem>>
      %dma_start3A_286 = tpu.memref_squeeze %dma_start3A_285 : memref<1x64xf32, #tpu.memory_space<vmem>> -> memref<64xf32, #tpu.memory_space<vmem>>
      tpu.enqueue_dma source(%dma_start3A_286 : memref<64xf32, #tpu.memory_space<vmem>>) target(%dma_start3A_283 : memref<64xf32, #tpu.memory_space<hbm>>) target_semaphore(%arg19 : memref<!tpu.dma_semaphore, #tpu.memory_space<semaphore_mem>>)
      %add3A_287 = arith.constant 1 : i32
      %add3A_288 = arith.addi %while3A_231, %add3A_287 : i32
      scf.yield %add3A_288 : i32
    }
    %dma_wait3A_82 = arith.constant 0 : i32
    %dma_wait3A_83 = arith.constant 0 : i32
    %dma_wait3A_84 = tpu.memref_slice %arg4[%dma_wait3A_82, %dma_wait3A_83] : memref<64x1000000xf32, #tpu.memory_space<hbm>> -> memref<64x256xf32, #tpu.memory_space<hbm>>
    %dma_wait3A_85 = arith.constant 0 : i32
    %dma_wait3A_86 = arith.constant 0 : i32
    %dma_wait3A_87 = tpu.memref_slice %arg4[%dma_wait3A_85, %dma_wait3A_86] : memref<64x1000000xf32, #tpu.memory_space<hbm>> -> memref<64x256xf32, #tpu.memory_space<hbm>>
    tpu.wait_dma2 semaphore(%arg18 : memref<!tpu.dma_semaphore, #tpu.memory_space<semaphore_mem>>) src(%dma_wait3A_87 : memref<64x256xf32, #tpu.memory_space<hbm>>) dst(%arg14 : memref<64x256xf32, #tpu.memory_space<vmem>>)
    %get3A_88 = arith.constant 123 : i32
    %get3A_89 = arith.index_cast %get3A_88 : i32 to index
    %get3A_90 = memref.load %arg16[%get3A_89] : memref<256xi32, #tpu.memory_space<smem>>
    %min3A_91 = arith.constant 24 : i32
    %min3A_92 = arith.minsi %get3A_90, %min3A_91 : i32
    %while3A_93 = arith.constant 0 : i32
    %while3A_94 = arith.subi %min3A_92, %while3A_93 : i32
    %while3A_95 = arith.addi %while3A_93, %while3A_94 : i32
    %while3A_96 = arith.constant 1 : i32
    %while3A_97 = arith.divsi %while3A_94, %while3A_96 : i32
    %while3A_98 = arith.muli %while3A_97, %while3A_96 : i32
    %while3A_99 = arith.addi %while3A_93, %while3A_98 : i32
    %while3A_100 = arith.constant 1 : i32
    %while3A_101 = scf.for %while3A_230 = %while3A_93 to %while3A_99 step %while3A_100 iter_args(%while3A_231 = %while3A_81) -> (i32)  : i32 {
      %add3A_232 = arith.constant 2952 : i32
      %add3A_233 = arith.addi %add3A_232, %while3A_230 : i32
      %get3A_234 = arith.index_cast %add3A_233 : i32 to index
      %get3A_235 = tpu.vector_load %arg11[%get3A_234] {strides = array<i32>} : memref<2992xi32, #tpu.memory_space<vmem>>, vector<16xi32>,
      %slice3A = vector.extract_strided_slice %get3A_235 {offsets = [0], sizes = [1], strides = [1]} : vector<16xi32> to vector<1xi32>
      %squeeze3A = vector.extract %slice3A[0] : i32 from vector<1xi32>
      %get3A_236 = arith.index_cast %add3A_233 : i32 to index
      %get3A_237 = tpu.vector_load %arg12[%get3A_236] {strides = array<i32>} : memref<2992xi32, #tpu.memory_space<vmem>>, vector<16xi32>,
      %slice3A_238 = vector.extract_strided_slice %get3A_237 {offsets = [0], sizes = [1], strides = [1]} : vector<16xi32> to vector<1xi32>
      %squeeze3A_239 = vector.extract %slice3A_238[0] : i32 from vector<1xi32>
      %shift_right_logical3A = arith.constant 8 : i32
      %shift_right_logical3A_240 = arith.shrui %squeeze3A, %shift_right_logical3A : i32
      %mul3A_241 = arith.constant 2 : i32
      %mul3A_242 = arith.muli %shift_right_logical3A_240, %mul3A_241 : i32
      %min3A_243 = arith.constant 7811 : i32
      %min3A_244 = arith.minsi %mul3A_242, %min3A_243 : i32
      %mul3A_245 = arith.constant 128 : i32
      %mul3A_246 = arith.muli %min3A_244, %mul3A_245 : i32
      %sub3A = arith.subi %squeeze3A, %mul3A_246 : i32
      %mul3A_247 = vector.broadcast %sub3A : i32 to vector<16xi32>
      %mul3A_248 = arith.muli %mul3A_247, %broadcast_in_dim3A_1 : vector<16xi32>
      %add3A_249 = arith.constant 0 : i32
      %add3A_250 = vector.broadcast %add3A_249 : i32 to vector<16xi32>
      %add3A_251 = arith.addi %iota3A, %add3A_250 : vector<16xi32>
      %gather3A = tpu.vector_load_idx %arg14[%add3A_251, %mul3A_248] : memref<64x256xf32, #tpu.memory_space<vmem>>[vector<16xi32>, vector<16xi32>], vector<16xf32>,
      %swap3A = arith.index_cast %while3A_231 : i32 to index
      %swap3A_252 = arith.constant 0 : index
      %swap3A_253 = tpu.vector_load %arg15[%swap3A, %swap3A_252] {strides = array<i32>} : memref<656x64xf32, #tpu.memory_space<vmem>>, vector<16xf32>,
      tpu.vector_store %arg15[%swap3A, %swap3A_252], %gather3A {strides = array<i32>} : memref<656x64xf32, #tpu.memory_space<vmem>>, vector<16xf32>,
      %add3A_254 = arith.constant 16 : i32
      %add3A_255 = vector.broadcast %add3A_254 : i32 to vector<16xi32>
      %add3A_256 = arith.addi %iota3A, %add3A_255 : vector<16xi32>
      %gather3A_257 = tpu.vector_load_idx %arg14[%add3A_256, %mul3A_248] : memref<64x256xf32, #tpu.memory_space<vmem>>[vector<16xi32>, vector<16xi32>], vector<16xf32>,
      %swap3A_258 = arith.index_cast %while3A_231 : i32 to index
      %swap3A_259 = arith.constant 16 : index
      %swap3A_260 = tpu.vector_load %arg15[%swap3A_258, %swap3A_259] {strides = array<i32>} : memref<656x64xf32, #tpu.memory_space<vmem>>, vector<16xf32>,
      tpu.vector_store %arg15[%swap3A_258, %swap3A_259], %gather3A_257 {strides = array<i32>} : memref<656x64xf32, #tpu.memory_space<vmem>>, vector<16xf32>,
      %add3A_261 = arith.constant 32 : i32
      %add3A_262 = vector.broadcast %add3A_261 : i32 to vector<16xi32>
      %add3A_263 = arith.addi %iota3A, %add3A_262 : vector<16xi32>
      %gather3A_264 = tpu.vector_load_idx %arg14[%add3A_263, %mul3A_248] : memref<64x256xf32, #tpu.memory_space<vmem>>[vector<16xi32>, vector<16xi32>], vector<16xf32>,
      %swap3A_265 = arith.index_cast %while3A_231 : i32 to index
      %swap3A_266 = arith.constant 32 : index
      %swap3A_267 = tpu.vector_load %arg15[%swap3A_265, %swap3A_266] {strides = array<i32>} : memref<656x64xf32, #tpu.memory_space<vmem>>, vector<16xf32>,
      tpu.vector_store %arg15[%swap3A_265, %swap3A_266], %gather3A_264 {strides = array<i32>} : memref<656x64xf32, #tpu.memory_space<vmem>>, vector<16xf32>,
      %add3A_268 = arith.constant 48 : i32
      %add3A_269 = vector.broadcast %add3A_268 : i32 to vector<16xi32>
      %add3A_270 = arith.addi %iota3A, %add3A_269 : vector<16xi32>
      %gather3A_271 = tpu.vector_load_idx %arg14[%add3A_270, %mul3A_248] : memref<64x256xf32, #tpu.memory_space<vmem>>[vector<16xi32>, vector<16xi32>], vector<16xf32>,
      %swap3A_272 = arith.index_cast %while3A_231 : i32 to index
      %swap3A_273 = arith.constant 48 : index
      %swap3A_274 = tpu.vector_load %arg15[%swap3A_272, %swap3A_273] {strides = array<i32>} : memref<656x64xf32, #tpu.memory_space<vmem>>, vector<16xf32>,
      tpu.vector_store %arg15[%swap3A_272, %swap3A_273], %gather3A_271 {strides = array<i32>} : memref<656x64xf32, #tpu.memory_space<vmem>>, vector<16xf32>,
      %dma_start3A_275 = arith.constant 0 : i32
      %dma_start3A_276 = tpu.memref_slice %arg15[%while3A_231, %dma_start3A_275] : memref<656x64xf32, #tpu.memory_space<vmem>> -> memref<1x64xf32, #tpu.memory_space<vmem>>
      %dma_start3A_277 = tpu.memref_squeeze %dma_start3A_276 : memref<1x64xf32, #tpu.memory_space<vmem>> -> memref<64xf32, #tpu.memory_space<vmem>>
      %dma_start3A_278 = arith.constant 0 : i32
      %dma_start3A_279 = tpu.memref_slice %arg6[%squeeze3A_239, %dma_start3A_278] : memref<16384x64xf32, #tpu.memory_space<hbm>> -> memref<1x64xf32, #tpu.memory_space<hbm>>
      %dma_start3A_280 = tpu.memref_squeeze %dma_start3A_279 : memref<1x64xf32, #tpu.memory_space<hbm>> -> memref<64xf32, #tpu.memory_space<hbm>>
      %dma_start3A_281 = arith.constant 0 : i32
      %dma_start3A_282 = tpu.memref_slice %arg6[%squeeze3A_239, %dma_start3A_281] : memref<16384x64xf32, #tpu.memory_space<hbm>> -> memref<1x64xf32, #tpu.memory_space<hbm>>
      %dma_start3A_283 = tpu.memref_squeeze %dma_start3A_282 : memref<1x64xf32, #tpu.memory_space<hbm>> -> memref<64xf32, #tpu.memory_space<hbm>>
      %dma_start3A_284 = arith.constant 0 : i32
      %dma_start3A_285 = tpu.memref_slice %arg15[%while3A_231, %dma_start3A_284] : memref<656x64xf32, #tpu.memory_space<vmem>> -> memref<1x64xf32, #tpu.memory_space<vmem>>
      %dma_start3A_286 = tpu.memref_squeeze %dma_start3A_285 : memref<1x64xf32, #tpu.memory_space<vmem>> -> memref<64xf32, #tpu.memory_space<vmem>>
      tpu.enqueue_dma source(%dma_start3A_286 : memref<64xf32, #tpu.memory_space<vmem>>) target(%dma_start3A_283 : memref<64xf32, #tpu.memory_space<hbm>>) target_semaphore(%arg19 : memref<!tpu.dma_semaphore, #tpu.memory_space<semaphore_mem>>)
      %add3A_287 = arith.constant 1 : i32
      %add3A_288 = arith.addi %while3A_231, %add3A_287 : i32
      scf.yield %add3A_288 : i32
    }
    %while3A_102 = arith.constant 1 : i32
    %while3A_103 = scf.for %while3A_230 = %while3A_99 to %while3A_95 step %while3A_102 iter_args(%while3A_231 = %while3A_101) -> (i32)  : i32 {
      %add3A_232 = arith.constant 2952 : i32
      %add3A_233 = arith.addi %add3A_232, %while3A_230 : i32
      %get3A_234 = arith.index_cast %add3A_233 : i32 to index
      %get3A_235 = tpu.vector_load %arg11[%get3A_234] {strides = array<i32>} : memref<2992xi32, #tpu.memory_space<vmem>>, vector<16xi32>,
      %slice3A = vector.extract_strided_slice %get3A_235 {offsets = [0], sizes = [1], strides = [1]} : vector<16xi32> to vector<1xi32>
      %squeeze3A = vector.extract %slice3A[0] : i32 from vector<1xi32>
      %get3A_236 = arith.index_cast %add3A_233 : i32 to index
      %get3A_237 = tpu.vector_load %arg12[%get3A_236] {strides = array<i32>} : memref<2992xi32, #tpu.memory_space<vmem>>, vector<16xi32>,
      %slice3A_238 = vector.extract_strided_slice %get3A_237 {offsets = [0], sizes = [1], strides = [1]} : vector<16xi32> to vector<1xi32>
      %squeeze3A_239 = vector.extract %slice3A_238[0] : i32 from vector<1xi32>
      %shift_right_logical3A = arith.constant 8 : i32
      %shift_right_logical3A_240 = arith.shrui %squeeze3A, %shift_right_logical3A : i32
      %mul3A_241 = arith.constant 2 : i32
      %mul3A_242 = arith.muli %shift_right_logical3A_240, %mul3A_241 : i32
      %min3A_243 = arith.constant 7811 : i32
      %min3A_244 = arith.minsi %mul3A_242, %min3A_243 : i32
      %mul3A_245 = arith.constant 128 : i32
      %mul3A_246 = arith.muli %min3A_244, %mul3A_245 : i32
      %sub3A = arith.subi %squeeze3A, %mul3A_246 : i32
      %mul3A_247 = vector.broadcast %sub3A : i32 to vector<16xi32>
      %mul3A_248 = arith.muli %mul3A_247, %broadcast_in_dim3A_1 : vector<16xi32>
      %add3A_249 = arith.constant 0 : i32
      %add3A_250 = vector.broadcast %add3A_249 : i32 to vector<16xi32>
      %add3A_251 = arith.addi %iota3A, %add3A_250 : vector<16xi32>
      %gather3A = tpu.vector_load_idx %arg14[%add3A_251, %mul3A_248] : memref<64x256xf32, #tpu.memory_space<vmem>>[vector<16xi32>, vector<16xi32>], vector<16xf32>,
      %swap3A = arith.index_cast %while3A_231 : i32 to index
      %swap3A_252 = arith.constant 0 : index
      %swap3A_253 = tpu.vector_load %arg15[%swap3A, %swap3A_252] {strides = array<i32>} : memref<656x64xf32, #tpu.memory_space<vmem>>, vector<16xf32>,
      tpu.vector_store %arg15[%swap3A, %swap3A_252], %gather3A {strides = array<i32>} : memref<656x64xf32, #tpu.memory_space<vmem>>, vector<16xf32>,
      %add3A_254 = arith.constant 16 : i32
      %add3A_255 = vector.broadcast %add3A_254 : i32 to vector<16xi32>
      %add3A_256 = arith.addi %iota3A, %add3A_255 : vector<16xi32>
      %gather3A_257 = tpu.vector_load_idx %arg14[%add3A_256, %mul3A_248] : memref<64x256xf32, #tpu.memory_space<vmem>>[vector<16xi32>, vector<16xi32>], vector<16xf32>,
      %swap3A_258 = arith.index_cast %while3A_231 : i32 to index
      %swap3A_259 = arith.constant 16 : index
      %swap3A_260 = tpu.vector_load %arg15[%swap3A_258, %swap3A_259] {strides = array<i32>} : memref<656x64xf32, #tpu.memory_space<vmem>>, vector<16xf32>,
      tpu.vector_store %arg15[%swap3A_258, %swap3A_259], %gather3A_257 {strides = array<i32>} : memref<656x64xf32, #tpu.memory_space<vmem>>, vector<16xf32>,
      %add3A_261 = arith.constant 32 : i32
      %add3A_262 = vector.broadcast %add3A_261 : i32 to vector<16xi32>
      %add3A_263 = arith.addi %iota3A, %add3A_262 : vector<16xi32>
      %gather3A_264 = tpu.vector_load_idx %arg14[%add3A_263, %mul3A_248] : memref<64x256xf32, #tpu.memory_space<vmem>>[vector<16xi32>, vector<16xi32>], vector<16xf32>,
      %swap3A_265 = arith.index_cast %while3A_231 : i32 to index
      %swap3A_266 = arith.constant 32 : index
      %swap3A_267 = tpu.vector_load %arg15[%swap3A_265, %swap3A_266] {strides = array<i32>} : memref<656x64xf32, #tpu.memory_space<vmem>>, vector<16xf32>,
      tpu.vector_store %arg15[%swap3A_265, %swap3A_266], %gather3A_264 {strides = array<i32>} : memref<656x64xf32, #tpu.memory_space<vmem>>, vector<16xf32>,
      %add3A_268 = arith.constant 48 : i32
      %add3A_269 = vector.broadcast %add3A_268 : i32 to vector<16xi32>
      %add3A_270 = arith.addi %iota3A, %add3A_269 : vector<16xi32>
      %gather3A_271 = tpu.vector_load_idx %arg14[%add3A_270, %mul3A_248] : memref<64x256xf32, #tpu.memory_space<vmem>>[vector<16xi32>, vector<16xi32>], vector<16xf32>,
      %swap3A_272 = arith.index_cast %while3A_231 : i32 to index
      %swap3A_273 = arith.constant 48 : index
      %swap3A_274 = tpu.vector_load %arg15[%swap3A_272, %swap3A_273] {strides = array<i32>} : memref<656x64xf32, #tpu.memory_space<vmem>>, vector<16xf32>,
      tpu.vector_store %arg15[%swap3A_272, %swap3A_273], %gather3A_271 {strides = array<i32>} : memref<656x64xf32, #tpu.memory_space<vmem>>, vector<16xf32>,
      %dma_start3A_275 = arith.constant 0 : i32
      %dma_start3A_276 = tpu.memref_slice %arg15[%while3A_231, %dma_start3A_275] : memref<656x64xf32, #tpu.memory_space<vmem>> -> memref<1x64xf32, #tpu.memory_space<vmem>>
      %dma_start3A_277 = tpu.memref_squeeze %dma_start3A_276 : memref<1x64xf32, #tpu.memory_space<vmem>> -> memref<64xf32, #tpu.memory_space<vmem>>
      %dma_start3A_278 = arith.constant 0 : i32
      %dma_start3A_279 = tpu.memref_slice %arg6[%squeeze3A_239, %dma_start3A_278] : memref<16384x64xf32, #tpu.memory_space<hbm>> -> memref<1x64xf32, #tpu.memory_space<hbm>>
      %dma_start3A_280 = tpu.memref_squeeze %dma_start3A_279 : memref<1x64xf32, #tpu.memory_space<hbm>> -> memref<64xf32, #tpu.memory_space<hbm>>
      %dma_start3A_281 = arith.constant 0 : i32
      %dma_start3A_282 = tpu.memref_slice %arg6[%squeeze3A_239, %dma_start3A_281] : memref<16384x64xf32, #tpu.memory_space<hbm>> -> memref<1x64xf32, #tpu.memory_space<hbm>>
      %dma_start3A_283 = tpu.memref_squeeze %dma_start3A_282 : memref<1x64xf32, #tpu.memory_space<hbm>> -> memref<64xf32, #tpu.memory_space<hbm>>
      %dma_start3A_284 = arith.constant 0 : i32
      %dma_start3A_285 = tpu.memref_slice %arg15[%while3A_231, %dma_start3A_284] : memref<656x64xf32, #tpu.memory_space<vmem>> -> memref<1x64xf32, #tpu.memory_space<vmem>>
      %dma_start3A_286 = tpu.memref_squeeze %dma_start3A_285 : memref<1x64xf32, #tpu.memory_space<vmem>> -> memref<64xf32, #tpu.memory_space<vmem>>
      tpu.enqueue_dma source(%dma_start3A_286 : memref<64xf32, #tpu.memory_space<vmem>>) target(%dma_start3A_283 : memref<64xf32, #tpu.memory_space<hbm>>) target_semaphore(%arg19 : memref<!tpu.dma_semaphore, #tpu.memory_space<semaphore_mem>>)
      %add3A_287 = arith.constant 1 : i32
      %add3A_288 = arith.addi %while3A_231, %add3A_287 : i32
      scf.yield %add3A_288 : i32
    }
    %while3A_104 = arith.constant 0 : i32
    %while3A_105 = arith.constant 0 : i32
    %while3A_106 = arith.subi %while3A_103, %while3A_105 : i32
    %while3A_107 = arith.addi %while3A_105, %while3A_106 : i32
    %while3A_108 = arith.constant 1 : i32
    %while3A_109 = arith.divsi %while3A_106, %while3A_108 : i32
    %while3A_110 = arith.muli %while3A_109, %while3A_108 : i32
    %while3A_111 = arith.addi %while3A_105, %while3A_110 : i32
    %while3A_112 = arith.constant 1 : i32
    scf.for %while3A_230 = %while3A_105 to %while3A_111 step %while3A_112  : i32 {
      %dma_wait3A_231 = arith.constant 0 : i32
      %dma_wait3A_232 = arith.constant 0 : i32
      %dma_wait3A_233 = arith.constant 0 : i32
      %dma_wait3A_234 = tpu.memref_slice %arg15[%dma_wait3A_232, %dma_wait3A_233] : memref<656x64xf32, #tpu.memory_space<vmem>> -> memref<1x64xf32, #tpu.memory_space<vmem>>
      %dma_wait3A_235 = tpu.memref_squeeze %dma_wait3A_234 : memref<1x64xf32, #tpu.memory_space<vmem>> -> memref<64xf32, #tpu.memory_space<vmem>>
      %dma_wait3A_236 = arith.constant 0 : i32
      %dma_wait3A_237 = tpu.memref_slice %arg6[%dma_wait3A_231, %dma_wait3A_236] : memref<16384x64xf32, #tpu.memory_space<hbm>> -> memref<1x64xf32, #tpu.memory_space<hbm>>
      %dma_wait3A_238 = tpu.memref_squeeze %dma_wait3A_237 : memref<1x64xf32, #tpu.memory_space<hbm>> -> memref<64xf32, #tpu.memory_space<hbm>>
      %dma_wait3A_239 = arith.constant 0 : i32
      %dma_wait3A_240 = tpu.memref_slice %arg15[%dma_wait3A_232, %dma_wait3A_239] : memref<656x64xf32, #tpu.memory_space<vmem>> -> memref<1x64xf32, #tpu.memory_space<vmem>>
      %dma_wait3A_241 = tpu.memref_squeeze %dma_wait3A_240 : memref<1x64xf32, #tpu.memory_space<vmem>> -> memref<64xf32, #tpu.memory_space<vmem>>
      %dma_wait3A_242 = arith.constant 0 : i32
      %dma_wait3A_243 = tpu.memref_slice %arg6[%dma_wait3A_231, %dma_wait3A_242] : memref<16384x64xf32, #tpu.memory_space<hbm>> -> memref<1x64xf32, #tpu.memory_space<hbm>>
      %dma_wait3A_244 = tpu.memref_squeeze %dma_wait3A_243 : memref<1x64xf32, #tpu.memory_space<hbm>> -> memref<64xf32, #tpu.memory_space<hbm>>
      tpu.wait_dma2 semaphore(%arg19 : memref<!tpu.dma_semaphore, #tpu.memory_space<semaphore_mem>>) src(%dma_wait3A_244 : memref<64xf32, #tpu.memory_space<hbm>>) dst(%dma_wait3A_241 : memref<64xf32, #tpu.memory_space<vmem>>)
    }
    %while3A_113 = arith.constant 1 : i32
    scf.for %while3A_230 = %while3A_111 to %while3A_107 step %while3A_113  : i32 {
      %dma_wait3A_231 = arith.constant 0 : i32
      %dma_wait3A_232 = arith.constant 0 : i32
      %dma_wait3A_233 = arith.constant 0 : i32
      %dma_wait3A_234 = tpu.memref_slice %arg15[%dma_wait3A_232, %dma_wait3A_233] : memref<656x64xf32, #tpu.memory_space<vmem>> -> memref<1x64xf32, #tpu.memory_space<vmem>>
      %dma_wait3A_235 = tpu.memref_squeeze %dma_wait3A_234 : memref<1x64xf32, #tpu.memory_space<vmem>> -> memref<64xf32, #tpu.memory_space<vmem>>
      %dma_wait3A_236 = arith.constant 0 : i32
      %dma_wait3A_237 = tpu.memref_slice %arg6[%dma_wait3A_231, %dma_wait3A_236] : memref<16384x64xf32, #tpu.memory_space<hbm>> -> memref<1x64xf32, #tpu.memory_space<hbm>>
      %dma_wait3A_238 = tpu.memref_squeeze %dma_wait3A_237 : memref<1x64xf32, #tpu.memory_space<hbm>> -> memref<64xf32, #tpu.memory_space<hbm>>
      %dma_wait3A_239 = arith.constant 0 : i32
      %dma_wait3A_240 = tpu.memref_slice %arg15[%dma_wait3A_232, %dma_wait3A_239] : memref<656x64xf32, #tpu.memory_space<vmem>> -> memref<1x64xf32, #tpu.memory_space<vmem>>
      %dma_wait3A_241 = tpu.memref_squeeze %dma_wait3A_240 : memref<1x64xf32, #tpu.memory_space<vmem>> -> memref<64xf32, #tpu.memory_space<vmem>>
      %dma_wait3A_242 = arith.constant 0 : i32
      %dma_wait3A_243 = tpu.memref_slice %arg6[%dma_wait3A_231, %dma_wait3A_242] : memref<16384x64xf32, #tpu.memory_space<hbm>> -> memref<1x64xf32, #tpu.memory_space<hbm>>
      %dma_wait3A_244 = tpu.memref_squeeze %dma_wait3A_243 : memref<1x64xf32, #tpu.memory_space<hbm>> -> memref<64xf32, #tpu.memory_space<hbm>>
      tpu.wait_dma2 semaphore(%arg19 : memref<!tpu.dma_semaphore, #tpu.memory_space<semaphore_mem>>) src(%dma_wait3A_244 : memref<64xf32, #tpu.memory_space<hbm>>) dst(%dma_wait3A_241 : memref<64xf32, #tpu.memory_space<vmem>>)
    }
    %mul3A_114 = arith.constant 14 : i32
    %mul3A_115 = arith.muli %add3A, %mul3A_114 : i32
    %mul3A_116 = vector.broadcast %mul3A_115 : i32 to vector<16xi32>
    %mul3A_117 = arith.muli %mul3A_116, %broadcast_in_dim3A_1 : vector<16xi32>
    %add3A_118 = arith.constant 14 : i32
    %add3A_119 = arith.addi %mul3A_115, %add3A_118 : i32
    %mul3A_120 = vector.broadcast %add3A_119 : i32 to vector<16xi32>
    %mul3A_121 = arith.muli %mul3A_120, %broadcast_in_dim3A_1 : vector<16xi32>
    %scan3A_122 = arith.constant 0 : i32
    %scan3A_123 = arith.constant 0 : i32
    %scan3A_124 = arith.constant 4 : i32
    %scan3A_125 = arith.addi %scan3A_123, %scan3A_124 : i32
    %scan3A_126 = arith.constant 1 : i32
    %scan3A_127 = scf.for %scan3A_230 = %scan3A_123 to %scan3A_125 step %scan3A_126 iter_args(%scan3A_231 = %scan3A_122) -> (i32)  : i32 {
      %mul3A_232 = arith.constant 4096 : i32
      %mul3A_233 = arith.muli %scan3A_230, %mul3A_232 : i32
      "tpu.region"() ({
        %run_scoped3A = tpu.sem_alloc : memref<!tpu.dma_semaphore, #tpu.memory_space<semaphore_mem>>
        %dma_start3A_240 = arith.constant 0 : i32
        %dma_start3A_241 = tpu.memref_slice %arg8[%dma_start3A_240] : memref<4112xi32, #tpu.memory_space<vmem>> -> memref<4096xi32, #tpu.memory_space<vmem>>
        %dma_start3A_242 = tpu.memref_slice %arg3[%mul3A_233] : memref<16384xi32, #tpu.memory_space<hbm>> -> memref<4096xi32, #tpu.memory_space<hbm>>
        %dma_start3A_243 = arith.constant 0 : i32
        %dma_start3A_244 = tpu.memref_slice %arg8[%dma_start3A_243] : memref<4112xi32, #tpu.memory_space<vmem>> -> memref<4096xi32, #tpu.memory_space<vmem>>
        %dma_start3A_245 = tpu.memref_slice %arg3[%mul3A_233] : memref<16384xi32, #tpu.memory_space<hbm>> -> memref<4096xi32, #tpu.memory_space<hbm>>
        tpu.enqueue_dma source(%dma_start3A_245 : memref<4096xi32, #tpu.memory_space<hbm>>) target(%dma_start3A_244 : memref<4096xi32, #tpu.memory_space<vmem>>) target_semaphore(%run_scoped3A : memref<!tpu.dma_semaphore, #tpu.memory_space<semaphore_mem>>)
        %dma_wait3A_246 = arith.constant 0 : i32
        %dma_wait3A_247 = tpu.memref_slice %arg8[%dma_wait3A_246] : memref<4112xi32, #tpu.memory_space<vmem>> -> memref<4096xi32, #tpu.memory_space<vmem>>
        %dma_wait3A_248 = tpu.memref_slice %arg3[%mul3A_233] : memref<16384xi32, #tpu.memory_space<hbm>> -> memref<4096xi32, #tpu.memory_space<hbm>>
        %dma_wait3A_249 = arith.constant 0 : i32
        %dma_wait3A_250 = tpu.memref_slice %arg8[%dma_wait3A_249] : memref<4112xi32, #tpu.memory_space<vmem>> -> memref<4096xi32, #tpu.memory_space<vmem>>
        %dma_wait3A_251 = tpu.memref_slice %arg3[%mul3A_233] : memref<16384xi32, #tpu.memory_space<hbm>> -> memref<4096xi32, #tpu.memory_space<hbm>>
        tpu.wait_dma2 semaphore(%run_scoped3A : memref<!tpu.dma_semaphore, #tpu.memory_space<semaphore_mem>>) src(%dma_wait3A_251 : memref<4096xi32, #tpu.memory_space<hbm>>) dst(%dma_wait3A_250 : memref<4096xi32, #tpu.memory_space<vmem>>)
        tpu.yield
      }) : () -> ()
      %scan3A_234 = arith.constant 0 : i32
      %scan3A_235 = arith.constant 256 : i32
      %scan3A_236 = arith.addi %scan3A_234, %scan3A_235 : i32
      %scan3A_237 = arith.constant 1 : i32
      %scan3A_238 = scf.for %scan3A_240 = %scan3A_234 to %scan3A_236 step %scan3A_237 iter_args(%scan3A_241 = %scan3A_231) -> (i32)  : i32 {
        %mul3A_242 = arith.constant 16 : i32
        %mul3A_243 = arith.muli %scan3A_240, %mul3A_242 : i32
        %get3A_244 = arith.index_cast %mul3A_243 : i32 to index
        %get3A_245 = tpu.vector_load %arg8[%get3A_244] {strides = array<i32>} : memref<4112xi32, #tpu.memory_space<vmem>>, vector<16xi32>,
        %shift_right_logical3A = arith.constant 8 : i32
        %shift_right_logical3A_246 = vector.broadcast %shift_right_logical3A : i32 to vector<16xi32>
        %shift_right_logical3A_247 = arith.shrui %get3A_245, %shift_right_logical3A_246 : vector<16xi32>
        %ge3A = arith.cmpi sge, %shift_right_logical3A_247, %mul3A_117 : vector<16xi32>
        %lt3A = arith.cmpi slt, %shift_right_logical3A_247, %mul3A_121 : vector<16xi32>
        %and3A = arith.andi %ge3A, %lt3A : vector<16xi1>
        %swap3A = arith.index_cast %scan3A_241 : i32 to index
        %swap3A_248 = tpu.vector_load %arg9[%swap3A] masked %and3A {strides = array<i32>} : memref<672xi32, #tpu.memory_space<vmem>>, vector<16xi32>, vector<16xi1>
        tpu.vector_store %arg9[%swap3A], %get3A_245 masked %and3A {strides = array<i32>} : memref<672xi32, #tpu.memory_space<vmem>>, vector<16xi32>, vector<16xi1>
        %mul3A_249 = arith.constant 4096 : i32
        %mul3A_250 = arith.muli %scan3A_230, %mul3A_249 : i32
        %mul3A_251 = arith.constant 16 : i32
        %mul3A_252 = arith.muli %scan3A_240, %mul3A_251 : i32
        %add3A_253 = arith.addi %mul3A_250, %mul3A_252 : i32
        %add3A_254 = vector.broadcast %add3A_253 : i32 to vector<16xi32>
        %add3A_255 = arith.addi %iota3A, %add3A_254 : vector<16xi32>
        %swap3A_256 = arith.index_cast %scan3A_241 : i32 to index
        %swap3A_257 = tpu.vector_load %arg10[%swap3A_256] masked %and3A {strides = array<i32>} : memref<672xi32, #tpu.memory_space<vmem>>, vector<16xi32>, vector<16xi1>
        tpu.vector_store %arg10[%swap3A_256], %add3A_255 masked %and3A {strides = array<i32>} : memref<672xi32, #tpu.memory_space<vmem>>, vector<16xi32>, vector<16xi1>
        %all_reduce_population_count3A = tpu.all_reduce %and3A {dim = 0 : i64, kind = #tpu.reduction_kind<sum>} : vector<16xi1> -> vector<16xi32>
        %slice3A = vector.extract_strided_slice %all_reduce_population_count3A {offsets = [0], sizes = [1], strides = [1]} : vector<16xi32> to vector<1xi32>
        %squeeze3A = vector.extract %slice3A[0] : i32 from vector<1xi32>
        %add3A_258 = arith.addi %scan3A_241, %squeeze3A : i32
        scf.yield %add3A_258 : i32
      }
      %scan3A_239 = arith.constant 256 : i32
      scf.yield %scan3A_238 : i32
    }
    %scan3A_128 = arith.constant 4 : i32
    %scan3A_129 = arith.constant 0 : i32
    %scan3A_130 = arith.constant 0 : i32
    %scan3A_131 = arith.constant 14 : i32
    %scan3A_132 = arith.addi %scan3A_130, %scan3A_131 : i32
    %scan3A_133 = arith.constant 1 : i32
    scf.for %scan3A_230 = %scan3A_130 to %scan3A_132 step %scan3A_133  : i32 {
      %swap3A = arith.constant 0 : i32
      %swap3A_231 = arith.index_cast %scan3A_230 : i32 to index
      %swap3A_232 = memref.load %arg16[%swap3A_231] : memref<256xi32, #tpu.memory_space<smem>>
      memref.store %swap3A, %arg16[%swap3A_231] : memref<256xi32, #tpu.memory_space<smem>>
    }
    %scan3A_134 = arith.constant 14 : i32
    %while3A_135 = arith.constant 0 : i32
    %while3A_136 = arith.constant 0 : i32
    %while3A_137 = arith.subi %scan3A_127, %while3A_136 : i32
    %while3A_138 = arith.addi %while3A_136, %while3A_137 : i32
    %while3A_139 = arith.constant 1 : i32
    %while3A_140 = arith.divsi %while3A_137, %while3A_139 : i32
    %while3A_141 = arith.muli %while3A_140, %while3A_139 : i32
    %while3A_142 = arith.addi %while3A_136, %while3A_141 : i32
    %while3A_143 = arith.constant 1 : i32
    scf.for %while3A_230 = %while3A_136 to %while3A_142 step %while3A_143  : i32 {
      %get3A_231 = arith.index_cast %while3A_230 : i32 to index
      %get3A_232 = tpu.vector_load %arg9[%get3A_231] {strides = array<i32>} : memref<672xi32, #tpu.memory_space<vmem>>, vector<16xi32>,
      %slice3A = vector.extract_strided_slice %get3A_232 {offsets = [0], sizes = [1], strides = [1]} : vector<16xi32> to vector<1xi32>
      %squeeze3A = vector.extract %slice3A[0] : i32 from vector<1xi32>
      %get3A_233 = arith.index_cast %while3A_230 : i32 to index
      %get3A_234 = tpu.vector_load %arg10[%get3A_233] {strides = array<i32>} : memref<672xi32, #tpu.memory_space<vmem>>, vector<16xi32>,
      %slice3A_235 = vector.extract_strided_slice %get3A_234 {offsets = [0], sizes = [1], strides = [1]} : vector<16xi32> to vector<1xi32>
      %squeeze3A_236 = vector.extract %slice3A_235[0] : i32 from vector<1xi32>
      %shift_right_logical3A = arith.constant 8 : i32
      %shift_right_logical3A_237 = arith.shrui %squeeze3A, %shift_right_logical3A : i32
      %sub3A = arith.subi %shift_right_logical3A_237, %mul3A_115 : i32
      %get3A_238 = arith.index_cast %sub3A : i32 to index
      %get3A_239 = memref.load %arg16[%get3A_238] : memref<256xi32, #tpu.memory_space<smem>>
      %mul3A_240 = arith.constant 96 : i32
      %mul3A_241 = arith.muli %sub3A, %mul3A_240 : i32
      %min3A_242 = arith.constant 95 : i32
      %min3A_243 = arith.minsi %get3A_239, %min3A_242 : i32
      %add3A_244 = arith.addi %mul3A_241, %min3A_243 : i32
      %mul3A_245 = vector.broadcast %add3A_244 : i32 to vector<16xi32>
      %mul3A_246 = arith.muli %mul3A_245, %broadcast_in_dim3A_1 : vector<16xi32>
      %mul3A_247 = vector.broadcast %squeeze3A : i32 to vector<16xi32>
      %mul3A_248 = arith.muli %mul3A_247, %broadcast_in_dim3A_1 : vector<16xi32>
      tpu.vector_store_idx %arg11[%mul3A_246], %mul3A_248 masked %eq3A_3 : memref<2992xi32, #tpu.memory_space<vmem>>[vector<16xi32>], vector<16xi32>, vector<16xi1>
      %mul3A_249 = vector.broadcast %squeeze3A_236 : i32 to vector<16xi32>
      %mul3A_250 = arith.muli %mul3A_249, %broadcast_in_dim3A_1 : vector<16xi32>
      tpu.vector_store_idx %arg12[%mul3A_246], %mul3A_250 masked %eq3A_3 : memref<2992xi32, #tpu.memory_space<vmem>>[vector<16xi32>], vector<16xi32>, vector<16xi1>
      %add3A_251 = arith.constant 1 : i32
      %add3A_252 = arith.addi %get3A_239, %add3A_251 : i32
      %swap3A = arith.index_cast %sub3A : i32 to index
      %swap3A_253 = memref.load %arg16[%swap3A] : memref<256xi32, #tpu.memory_space<smem>>
      memref.store %add3A_252, %arg16[%swap3A] : memref<256xi32, #tpu.memory_space<smem>>
    }
    %while3A_144 = arith.constant 1 : i32
    scf.for %while3A_230 = %while3A_142 to %while3A_138 step %while3A_144  : i32 {
      %get3A_231 = arith.index_cast %while3A_230 : i32 to index
      %get3A_232 = tpu.vector_load %arg9[%get3A_231] {strides = array<i32>} : memref<672xi32, #tpu.memory_space<vmem>>, vector<16xi32>,
      %slice3A = vector.extract_strided_slice %get3A_232 {offsets = [0], sizes = [1], strides = [1]} : vector<16xi32> to vector<1xi32>
      %squeeze3A = vector.extract %slice3A[0] : i32 from vector<1xi32>
      %get3A_233 = arith.index_cast %while3A_230 : i32 to index
      %get3A_234 = tpu.vector_load %arg10[%get3A_233] {strides = array<i32>} : memref<672xi32, #tpu.memory_space<vmem>>, vector<16xi32>,
      %slice3A_235 = vector.extract_strided_slice %get3A_234 {offsets = [0], sizes = [1], strides = [1]} : vector<16xi32> to vector<1xi32>
      %squeeze3A_236 = vector.extract %slice3A_235[0] : i32 from vector<1xi32>
      %shift_right_logical3A = arith.constant 8 : i32
      %shift_right_logical3A_237 = arith.shrui %squeeze3A, %shift_right_logical3A : i32
      %sub3A = arith.subi %shift_right_logical3A_237, %mul3A_115 : i32
      %get3A_238 = arith.index_cast %sub3A : i32 to index
      %get3A_239 = memref.load %arg16[%get3A_238] : memref<256xi32, #tpu.memory_space<smem>>
      %mul3A_240 = arith.constant 96 : i32
      %mul3A_241 = arith.muli %sub3A, %mul3A_240 : i32
      %min3A_242 = arith.constant 95 : i32
      %min3A_243 = arith.minsi %get3A_239, %min3A_242 : i32
      %add3A_244 = arith.addi %mul3A_241, %min3A_243 : i32
      %mul3A_245 = vector.broadcast %add3A_244 : i32 to vector<16xi32>
      %mul3A_246 = arith.muli %mul3A_245, %broadcast_in_dim3A_1 : vector<16xi32>
      %mul3A_247 = vector.broadcast %squeeze3A : i32 to vector<16xi32>
      %mul3A_248 = arith.muli %mul3A_247, %broadcast_in_dim3A_1 : vector<16xi32>
      tpu.vector_store_idx %arg11[%mul3A_246], %mul3A_248 masked %eq3A_3 : memref<2992xi32, #tpu.memory_space<vmem>>[vector<16xi32>], vector<16xi32>, vector<16xi1>
      %mul3A_249 = vector.broadcast %squeeze3A_236 : i32 to vector<16xi32>
      %mul3A_250 = arith.muli %mul3A_249, %broadcast_in_dim3A_1 : vector<16xi32>
      tpu.vector_store_idx %arg12[%mul3A_246], %mul3A_250 masked %eq3A_3 : memref<2992xi32, #tpu.memory_space<vmem>>[vector<16xi32>], vector<16xi32>, vector<16xi1>
      %add3A_251 = arith.constant 1 : i32
      %add3A_252 = arith.addi %get3A_239, %add3A_251 : i32
      %swap3A = arith.index_cast %sub3A : i32 to index
      %swap3A_253 = memref.load %arg16[%swap3A] : memref<256xi32, #tpu.memory_space<smem>>
      memref.store %add3A_252, %arg16[%swap3A] : memref<256xi32, #tpu.memory_space<smem>>
    }
    %add3A_145 = arith.constant 0 : i32
    %add3A_146 = arith.addi %mul3A_115, %add3A_145 : i32
    %mul3A_147 = arith.constant 2 : i32
    %mul3A_148 = arith.muli %add3A_146, %mul3A_147 : i32
    %min3A_149 = arith.constant 780 : i32
    %min3A_150 = arith.minsi %mul3A_148, %min3A_149 : i32
    %mul3A_151 = arith.constant 128 : i32
    %mul3A_152 = arith.muli %min3A_150, %mul3A_151 : i32
    %dma_start3A_153 = arith.constant 0 : i32
    %dma_start3A_154 = tpu.memref_slice %arg5[%dma_start3A_153, %mul3A_152] : memref<64x100000xf32, #tpu.memory_space<hbm>> -> memref<64x256xf32, #tpu.memory_space<hbm>>
    %dma_start3A_155 = arith.constant 0 : i32
    %dma_start3A_156 = tpu.memref_slice %arg5[%dma_start3A_155, %mul3A_152] : memref<64x100000xf32, #tpu.memory_space<hbm>> -> memref<64x256xf32, #tpu.memory_space<hbm>>
    tpu.enqueue_dma source(%dma_start3A_156 : memref<64x256xf32, #tpu.memory_space<hbm>>) target(%arg13 : memref<64x256xf32, #tpu.memory_space<vmem>>) target_semaphore(%arg17 : memref<!tpu.dma_semaphore, #tpu.memory_space<semaphore_mem>>)
    %add3A_157 = arith.constant 1 : i32
    %add3A_158 = arith.addi %mul3A_115, %add3A_157 : i32
    %mul3A_159 = arith.constant 2 : i32
    %mul3A_160 = arith.muli %add3A_158, %mul3A_159 : i32
    %min3A_161 = arith.constant 780 : i32
    %min3A_162 = arith.minsi %mul3A_160, %min3A_161 : i32
    %mul3A_163 = arith.constant 128 : i32
    %mul3A_164 = arith.muli %min3A_162, %mul3A_163 : i32
    %dma_start3A_165 = arith.constant 0 : i32
    %dma_start3A_166 = tpu.memref_slice %arg5[%dma_start3A_165, %mul3A_164] : memref<64x100000xf32, #tpu.memory_space<hbm>> -> memref<64x256xf32, #tpu.memory_space<hbm>>
    %dma_start3A_167 = arith.constant 0 : i32
    %dma_start3A_168 = tpu.memref_slice %arg5[%dma_start3A_167, %mul3A_164] : memref<64x100000xf32, #tpu.memory_space<hbm>> -> memref<64x256xf32, #tpu.memory_space<hbm>>
    tpu.enqueue_dma source(%dma_start3A_168 : memref<64x256xf32, #tpu.memory_space<hbm>>) target(%arg14 : memref<64x256xf32, #tpu.memory_space<vmem>>) target_semaphore(%arg18 : memref<!tpu.dma_semaphore, #tpu.memory_space<semaphore_mem>>)
    %scan3A_169 = arith.constant 0 : i32
    %scan3A_170 = arith.constant 0 : i32
    %scan3A_171 = arith.constant 6 : i32
    %scan3A_172 = arith.addi %scan3A_170, %scan3A_171 : i32
    %scan3A_173 = arith.constant 1 : i32
    %scan3A_174 = scf.for %scan3A_230 = %scan3A_170 to %scan3A_172 step %scan3A_173 iter_args(%scan3A_231 = %scan3A_169) -> (i32)  : i32 {
      %mul3A_232 = arith.constant 2 : i32
      %mul3A_233 = arith.muli %scan3A_230, %mul3A_232 : i32
      %add3A_234 = arith.constant 0 : i32
      %add3A_235 = arith.addi %mul3A_233, %add3A_234 : i32
      %dma_wait3A_236 = arith.constant 0 : i32
      %dma_wait3A_237 = arith.constant 0 : i32
      %dma_wait3A_238 = tpu.memref_slice %arg5[%dma_wait3A_236, %dma_wait3A_237] : memref<64x100000xf32, #tpu.memory_space<hbm>> -> memref<64x256xf32, #tpu.memory_space<hbm>>
      %dma_wait3A_239 = arith.constant 0 : i32
      %dma_wait3A_240 = arith.constant 0 : i32
      %dma_wait3A_241 = tpu.memref_slice %arg5[%dma_wait3A_239, %dma_wait3A_240] : memref<64x100000xf32, #tpu.memory_space<hbm>> -> memref<64x256xf32, #tpu.memory_space<hbm>>
      tpu.wait_dma2 semaphore(%arg17 : memref<!tpu.dma_semaphore, #tpu.memory_space<semaphore_mem>>) src(%dma_wait3A_241 : memref<64x256xf32, #tpu.memory_space<hbm>>) dst(%arg13 : memref<64x256xf32, #tpu.memory_space<vmem>>)
      %get3A_242 = arith.index_cast %add3A_235 : i32 to index
      %get3A_243 = memref.load %arg16[%get3A_242] : memref<256xi32, #tpu.memory_space<smem>>
      %min3A_244 = arith.constant 96 : i32
      %min3A_245 = arith.minsi %get3A_243, %min3A_244 : i32
      %while3A_246 = arith.constant 0 : i32
      %while3A_247 = arith.subi %min3A_245, %while3A_246 : i32
      %while3A_248 = arith.addi %while3A_246, %while3A_247 : i32
      %while3A_249 = arith.constant 1 : i32
      %while3A_250 = arith.divsi %while3A_247, %while3A_249 : i32
      %while3A_251 = arith.muli %while3A_250, %while3A_249 : i32
      %while3A_252 = arith.addi %while3A_246, %while3A_251 : i32
      %while3A_253 = arith.constant 1 : i32
      %while3A_254 = scf.for %while3A_310 = %while3A_246 to %while3A_252 step %while3A_253 iter_args(%while3A_311 = %scan3A_231) -> (i32)  : i32 {
        %mul3A_312 = arith.constant 96 : i32
        %mul3A_313 = arith.muli %add3A_235, %mul3A_312 : i32
        %add3A_314 = arith.addi %mul3A_313, %while3A_310 : i32
        %get3A_315 = arith.index_cast %add3A_314 : i32 to index
        %get3A_316 = tpu.vector_load %arg11[%get3A_315] {strides = array<i32>} : memref<2992xi32, #tpu.memory_space<vmem>>, vector<16xi32>,
        %slice3A = vector.extract_strided_slice %get3A_316 {offsets = [0], sizes = [1], strides = [1]} : vector<16xi32> to vector<1xi32>
        %squeeze3A = vector.extract %slice3A[0] : i32 from vector<1xi32>
        %get3A_317 = arith.index_cast %add3A_314 : i32 to index
        %get3A_318 = tpu.vector_load %arg12[%get3A_317] {strides = array<i32>} : memref<2992xi32, #tpu.memory_space<vmem>>, vector<16xi32>,
        %slice3A_319 = vector.extract_strided_slice %get3A_318 {offsets = [0], sizes = [1], strides = [1]} : vector<16xi32> to vector<1xi32>
        %squeeze3A_320 = vector.extract %slice3A_319[0] : i32 from vector<1xi32>
        %shift_right_logical3A = arith.constant 8 : i32
        %shift_right_logical3A_321 = arith.shrui %squeeze3A, %shift_right_logical3A : i32
        %mul3A_322 = arith.constant 2 : i32
        %mul3A_323 = arith.muli %shift_right_logical3A_321, %mul3A_322 : i32
        %min3A_324 = arith.constant 780 : i32
        %min3A_325 = arith.minsi %mul3A_323, %min3A_324 : i32
        %mul3A_326 = arith.constant 128 : i32
        %mul3A_327 = arith.muli %min3A_325, %mul3A_326 : i32
        %sub3A = arith.subi %squeeze3A, %mul3A_327 : i32
        %mul3A_328 = vector.broadcast %sub3A : i32 to vector<16xi32>
        %mul3A_329 = arith.muli %mul3A_328, %broadcast_in_dim3A_1 : vector<16xi32>
        %add3A_330 = arith.constant 0 : i32
        %add3A_331 = vector.broadcast %add3A_330 : i32 to vector<16xi32>
        %add3A_332 = arith.addi %iota3A, %add3A_331 : vector<16xi32>
        %gather3A = tpu.vector_load_idx %arg13[%add3A_332, %mul3A_329] : memref<64x256xf32, #tpu.memory_space<vmem>>[vector<16xi32>, vector<16xi32>], vector<16xf32>,
        %swap3A = arith.index_cast %while3A_311 : i32 to index
        %swap3A_333 = arith.constant 0 : index
        %swap3A_334 = tpu.vector_load %arg15[%swap3A, %swap3A_333] {strides = array<i32>} : memref<656x64xf32, #tpu.memory_space<vmem>>, vector<16xf32>,
        tpu.vector_store %arg15[%swap3A, %swap3A_333], %gather3A {strides = array<i32>} : memref<656x64xf32, #tpu.memory_space<vmem>>, vector<16xf32>,
        %add3A_335 = arith.constant 16 : i32
        %add3A_336 = vector.broadcast %add3A_335 : i32 to vector<16xi32>
        %add3A_337 = arith.addi %iota3A, %add3A_336 : vector<16xi32>
        %gather3A_338 = tpu.vector_load_idx %arg13[%add3A_337, %mul3A_329] : memref<64x256xf32, #tpu.memory_space<vmem>>[vector<16xi32>, vector<16xi32>], vector<16xf32>,
        %swap3A_339 = arith.index_cast %while3A_311 : i32 to index
        %swap3A_340 = arith.constant 16 : index
        %swap3A_341 = tpu.vector_load %arg15[%swap3A_339, %swap3A_340] {strides = array<i32>} : memref<656x64xf32, #tpu.memory_space<vmem>>, vector<16xf32>,
        tpu.vector_store %arg15[%swap3A_339, %swap3A_340], %gather3A_338 {strides = array<i32>} : memref<656x64xf32, #tpu.memory_space<vmem>>, vector<16xf32>,
        %add3A_342 = arith.constant 32 : i32
        %add3A_343 = vector.broadcast %add3A_342 : i32 to vector<16xi32>
        %add3A_344 = arith.addi %iota3A, %add3A_343 : vector<16xi32>
        %gather3A_345 = tpu.vector_load_idx %arg13[%add3A_344, %mul3A_329] : memref<64x256xf32, #tpu.memory_space<vmem>>[vector<16xi32>, vector<16xi32>], vector<16xf32>,
        %swap3A_346 = arith.index_cast %while3A_311 : i32 to index
        %swap3A_347 = arith.constant 32 : index
        %swap3A_348 = tpu.vector_load %arg15[%swap3A_346, %swap3A_347] {strides = array<i32>} : memref<656x64xf32, #tpu.memory_space<vmem>>, vector<16xf32>,
        tpu.vector_store %arg15[%swap3A_346, %swap3A_347], %gather3A_345 {strides = array<i32>} : memref<656x64xf32, #tpu.memory_space<vmem>>, vector<16xf32>,
        %add3A_349 = arith.constant 48 : i32
        %add3A_350 = vector.broadcast %add3A_349 : i32 to vector<16xi32>
        %add3A_351 = arith.addi %iota3A, %add3A_350 : vector<16xi32>
        %gather3A_352 = tpu.vector_load_idx %arg13[%add3A_351, %mul3A_329] : memref<64x256xf32, #tpu.memory_space<vmem>>[vector<16xi32>, vector<16xi32>], vector<16xf32>,
        %swap3A_353 = arith.index_cast %while3A_311 : i32 to index
        %swap3A_354 = arith.constant 48 : index
        %swap3A_355 = tpu.vector_load %arg15[%swap3A_353, %swap3A_354] {strides = array<i32>} : memref<656x64xf32, #tpu.memory_space<vmem>>, vector<16xf32>,
        tpu.vector_store %arg15[%swap3A_353, %swap3A_354], %gather3A_352 {strides = array<i32>} : memref<656x64xf32, #tpu.memory_space<vmem>>, vector<16xf32>,
        %dma_start3A_356 = arith.constant 0 : i32
        %dma_start3A_357 = tpu.memref_slice %arg15[%while3A_311, %dma_start3A_356] : memref<656x64xf32, #tpu.memory_space<vmem>> -> memref<1x64xf32, #tpu.memory_space<vmem>>
        %dma_start3A_358 = tpu.memref_squeeze %dma_start3A_357 : memref<1x64xf32, #tpu.memory_space<vmem>> -> memref<64xf32, #tpu.memory_space<vmem>>
        %dma_start3A_359 = arith.constant 0 : i32
        %dma_start3A_360 = tpu.memref_slice %arg7[%squeeze3A_320, %dma_start3A_359] : memref<16384x64xf32, #tpu.memory_space<hbm>> -> memref<1x64xf32, #tpu.memory_space<hbm>>
        %dma_start3A_361 = tpu.memref_squeeze %dma_start3A_360 : memref<1x64xf32, #tpu.memory_space<hbm>> -> memref<64xf32, #tpu.memory_space<hbm>>
        %dma_start3A_362 = arith.constant 0 : i32
        %dma_start3A_363 = tpu.memref_slice %arg7[%squeeze3A_320, %dma_start3A_362] : memref<16384x64xf32, #tpu.memory_space<hbm>> -> memref<1x64xf32, #tpu.memory_space<hbm>>
        %dma_start3A_364 = tpu.memref_squeeze %dma_start3A_363 : memref<1x64xf32, #tpu.memory_space<hbm>> -> memref<64xf32, #tpu.memory_space<hbm>>
        %dma_start3A_365 = arith.constant 0 : i32
        %dma_start3A_366 = tpu.memref_slice %arg15[%while3A_311, %dma_start3A_365] : memref<656x64xf32, #tpu.memory_space<vmem>> -> memref<1x64xf32, #tpu.memory_space<vmem>>
        %dma_start3A_367 = tpu.memref_squeeze %dma_start3A_366 : memref<1x64xf32, #tpu.memory_space<vmem>> -> memref<64xf32, #tpu.memory_space<vmem>>
        tpu.enqueue_dma source(%dma_start3A_367 : memref<64xf32, #tpu.memory_space<vmem>>) target(%dma_start3A_364 : memref<64xf32, #tpu.memory_space<hbm>>) target_semaphore(%arg19 : memref<!tpu.dma_semaphore, #tpu.memory_space<semaphore_mem>>)
        %add3A_368 = arith.constant 1 : i32
        %add3A_369 = arith.addi %while3A_311, %add3A_368 : i32
        scf.yield %add3A_369 : i32
      }
      %while3A_255 = arith.constant 1 : i32
      %while3A_256 = scf.for %while3A_310 = %while3A_252 to %while3A_248 step %while3A_255 iter_args(%while3A_311 = %while3A_254) -> (i32)  : i32 {
        %mul3A_312 = arith.constant 96 : i32
        %mul3A_313 = arith.muli %add3A_235, %mul3A_312 : i32
        %add3A_314 = arith.addi %mul3A_313, %while3A_310 : i32
        %get3A_315 = arith.index_cast %add3A_314 : i32 to index
        %get3A_316 = tpu.vector_load %arg11[%get3A_315] {strides = array<i32>} : memref<2992xi32, #tpu.memory_space<vmem>>, vector<16xi32>,
        %slice3A = vector.extract_strided_slice %get3A_316 {offsets = [0], sizes = [1], strides = [1]} : vector<16xi32> to vector<1xi32>
        %squeeze3A = vector.extract %slice3A[0] : i32 from vector<1xi32>
        %get3A_317 = arith.index_cast %add3A_314 : i32 to index
        %get3A_318 = tpu.vector_load %arg12[%get3A_317] {strides = array<i32>} : memref<2992xi32, #tpu.memory_space<vmem>>, vector<16xi32>,
        %slice3A_319 = vector.extract_strided_slice %get3A_318 {offsets = [0], sizes = [1], strides = [1]} : vector<16xi32> to vector<1xi32>
        %squeeze3A_320 = vector.extract %slice3A_319[0] : i32 from vector<1xi32>
        %shift_right_logical3A = arith.constant 8 : i32
        %shift_right_logical3A_321 = arith.shrui %squeeze3A, %shift_right_logical3A : i32
        %mul3A_322 = arith.constant 2 : i32
        %mul3A_323 = arith.muli %shift_right_logical3A_321, %mul3A_322 : i32
        %min3A_324 = arith.constant 780 : i32
        %min3A_325 = arith.minsi %mul3A_323, %min3A_324 : i32
        %mul3A_326 = arith.constant 128 : i32
        %mul3A_327 = arith.muli %min3A_325, %mul3A_326 : i32
        %sub3A = arith.subi %squeeze3A, %mul3A_327 : i32
        %mul3A_328 = vector.broadcast %sub3A : i32 to vector<16xi32>
        %mul3A_329 = arith.muli %mul3A_328, %broadcast_in_dim3A_1 : vector<16xi32>
        %add3A_330 = arith.constant 0 : i32
        %add3A_331 = vector.broadcast %add3A_330 : i32 to vector<16xi32>
        %add3A_332 = arith.addi %iota3A, %add3A_331 : vector<16xi32>
        %gather3A = tpu.vector_load_idx %arg13[%add3A_332, %mul3A_329] : memref<64x256xf32, #tpu.memory_space<vmem>>[vector<16xi32>, vector<16xi32>], vector<16xf32>,
        %swap3A = arith.index_cast %while3A_311 : i32 to index
        %swap3A_333 = arith.constant 0 : index
        %swap3A_334 = tpu.vector_load %arg15[%swap3A, %swap3A_333] {strides = array<i32>} : memref<656x64xf32, #tpu.memory_space<vmem>>, vector<16xf32>,
        tpu.vector_store %arg15[%swap3A, %swap3A_333], %gather3A {strides = array<i32>} : memref<656x64xf32, #tpu.memory_space<vmem>>, vector<16xf32>,
        %add3A_335 = arith.constant 16 : i32
        %add3A_336 = vector.broadcast %add3A_335 : i32 to vector<16xi32>
        %add3A_337 = arith.addi %iota3A, %add3A_336 : vector<16xi32>
        %gather3A_338 = tpu.vector_load_idx %arg13[%add3A_337, %mul3A_329] : memref<64x256xf32, #tpu.memory_space<vmem>>[vector<16xi32>, vector<16xi32>], vector<16xf32>,
        %swap3A_339 = arith.index_cast %while3A_311 : i32 to index
        %swap3A_340 = arith.constant 16 : index
        %swap3A_341 = tpu.vector_load %arg15[%swap3A_339, %swap3A_340] {strides = array<i32>} : memref<656x64xf32, #tpu.memory_space<vmem>>, vector<16xf32>,
        tpu.vector_store %arg15[%swap3A_339, %swap3A_340], %gather3A_338 {strides = array<i32>} : memref<656x64xf32, #tpu.memory_space<vmem>>, vector<16xf32>,
        %add3A_342 = arith.constant 32 : i32
        %add3A_343 = vector.broadcast %add3A_342 : i32 to vector<16xi32>
        %add3A_344 = arith.addi %iota3A, %add3A_343 : vector<16xi32>
        %gather3A_345 = tpu.vector_load_idx %arg13[%add3A_344, %mul3A_329] : memref<64x256xf32, #tpu.memory_space<vmem>>[vector<16xi32>, vector<16xi32>], vector<16xf32>,
        %swap3A_346 = arith.index_cast %while3A_311 : i32 to index
        %swap3A_347 = arith.constant 32 : index
        %swap3A_348 = tpu.vector_load %arg15[%swap3A_346, %swap3A_347] {strides = array<i32>} : memref<656x64xf32, #tpu.memory_space<vmem>>, vector<16xf32>,
        tpu.vector_store %arg15[%swap3A_346, %swap3A_347], %gather3A_345 {strides = array<i32>} : memref<656x64xf32, #tpu.memory_space<vmem>>, vector<16xf32>,
        %add3A_349 = arith.constant 48 : i32
        %add3A_350 = vector.broadcast %add3A_349 : i32 to vector<16xi32>
        %add3A_351 = arith.addi %iota3A, %add3A_350 : vector<16xi32>
        %gather3A_352 = tpu.vector_load_idx %arg13[%add3A_351, %mul3A_329] : memref<64x256xf32, #tpu.memory_space<vmem>>[vector<16xi32>, vector<16xi32>], vector<16xf32>,
        %swap3A_353 = arith.index_cast %while3A_311 : i32 to index
        %swap3A_354 = arith.constant 48 : index
        %swap3A_355 = tpu.vector_load %arg15[%swap3A_353, %swap3A_354] {strides = array<i32>} : memref<656x64xf32, #tpu.memory_space<vmem>>, vector<16xf32>,
        tpu.vector_store %arg15[%swap3A_353, %swap3A_354], %gather3A_352 {strides = array<i32>} : memref<656x64xf32, #tpu.memory_space<vmem>>, vector<16xf32>,
        %dma_start3A_356 = arith.constant 0 : i32
        %dma_start3A_357 = tpu.memref_slice %arg15[%while3A_311, %dma_start3A_356] : memref<656x64xf32, #tpu.memory_space<vmem>> -> memref<1x64xf32, #tpu.memory_space<vmem>>
        %dma_start3A_358 = tpu.memref_squeeze %dma_start3A_357 : memref<1x64xf32, #tpu.memory_space<vmem>> -> memref<64xf32, #tpu.memory_space<vmem>>
        %dma_start3A_359 = arith.constant 0 : i32
        %dma_start3A_360 = tpu.memref_slice %arg7[%squeeze3A_320, %dma_start3A_359] : memref<16384x64xf32, #tpu.memory_space<hbm>> -> memref<1x64xf32, #tpu.memory_space<hbm>>
        %dma_start3A_361 = tpu.memref_squeeze %dma_start3A_360 : memref<1x64xf32, #tpu.memory_space<hbm>> -> memref<64xf32, #tpu.memory_space<hbm>>
        %dma_start3A_362 = arith.constant 0 : i32
        %dma_start3A_363 = tpu.memref_slice %arg7[%squeeze3A_320, %dma_start3A_362] : memref<16384x64xf32, #tpu.memory_space<hbm>> -> memref<1x64xf32, #tpu.memory_space<hbm>>
        %dma_start3A_364 = tpu.memref_squeeze %dma_start3A_363 : memref<1x64xf32, #tpu.memory_space<hbm>> -> memref<64xf32, #tpu.memory_space<hbm>>
        %dma_start3A_365 = arith.constant 0 : i32
        %dma_start3A_366 = tpu.memref_slice %arg15[%while3A_311, %dma_start3A_365] : memref<656x64xf32, #tpu.memory_space<vmem>> -> memref<1x64xf32, #tpu.memory_space<vmem>>
        %dma_start3A_367 = tpu.memref_squeeze %dma_start3A_366 : memref<1x64xf32, #tpu.memory_space<vmem>> -> memref<64xf32, #tpu.memory_space<vmem>>
        tpu.enqueue_dma source(%dma_start3A_367 : memref<64xf32, #tpu.memory_space<vmem>>) target(%dma_start3A_364 : memref<64xf32, #tpu.memory_space<hbm>>) target_semaphore(%arg19 : memref<!tpu.dma_semaphore, #tpu.memory_space<semaphore_mem>>)
        %add3A_368 = arith.constant 1 : i32
        %add3A_369 = arith.addi %while3A_311, %add3A_368 : i32
        scf.yield %add3A_369 : i32
      }
      %add3A_257 = arith.constant 0 : i32
      %add3A_258 = arith.addi %mul3A_233, %add3A_257 : i32
      %add3A_259 = arith.constant 2 : i32
      %add3A_260 = arith.addi %add3A_258, %add3A_259 : i32
      %add3A_261 = arith.addi %mul3A_115, %add3A_260 : i32
      %mul3A_262 = arith.constant 2 : i32
      %mul3A_263 = arith.muli %add3A_261, %mul3A_262 : i32
      %min3A_264 = arith.constant 780 : i32
      %min3A_265 = arith.minsi %mul3A_263, %min3A_264 : i32
      %mul3A_266 = arith.constant 128 : i32
      %mul3A_267 = arith.muli %min3A_265, %mul3A_266 : i32
      %dma_start3A_268 = arith.constant 0 : i32
      %dma_start3A_269 = tpu.memref_slice %arg5[%dma_start3A_268, %mul3A_267] : memref<64x100000xf32, #tpu.memory_space<hbm>> -> memref<64x256xf32, #tpu.memory_space<hbm>>
      %dma_start3A_270 = arith.constant 0 : i32
      %dma_start3A_271 = tpu.memref_slice %arg5[%dma_start3A_270, %mul3A_267] : memref<64x100000xf32, #tpu.memory_space<hbm>> -> memref<64x256xf32, #tpu.memory_space<hbm>>
      tpu.enqueue_dma source(%dma_start3A_271 : memref<64x256xf32, #tpu.memory_space<hbm>>) target(%arg13 : memref<64x256xf32, #tpu.memory_space<vmem>>) target_semaphore(%arg17 : memref<!tpu.dma_semaphore, #tpu.memory_space<semaphore_mem>>)
      %add3A_272 = arith.constant 1 : i32
      %add3A_273 = arith.addi %mul3A_233, %add3A_272 : i32
      %dma_wait3A_274 = arith.constant 0 : i32
      %dma_wait3A_275 = arith.constant 0 : i32
      %dma_wait3A_276 = tpu.memref_slice %arg5[%dma_wait3A_274, %dma_wait3A_275] : memref<64x100000xf32, #tpu.memory_space<hbm>> -> memref<64x256xf32, #tpu.memory_space<hbm>>
      %dma_wait3A_277 = arith.constant 0 : i32
      %dma_wait3A_278 = arith.constant 0 : i32
      %dma_wait3A_279 = tpu.memref_slice %arg5[%dma_wait3A_277, %dma_wait3A_278] : memref<64x100000xf32, #tpu.memory_space<hbm>> -> memref<64x256xf32, #tpu.memory_space<hbm>>
      tpu.wait_dma2 semaphore(%arg18 : memref<!tpu.dma_semaphore, #tpu.memory_space<semaphore_mem>>) src(%dma_wait3A_279 : memref<64x256xf32, #tpu.memory_space<hbm>>) dst(%arg14 : memref<64x256xf32, #tpu.memory_space<vmem>>)
      %get3A_280 = arith.index_cast %add3A_273 : i32 to index
      %get3A_281 = memref.load %arg16[%get3A_280] : memref<256xi32, #tpu.memory_space<smem>>
      %min3A_282 = arith.constant 96 : i32
      %min3A_283 = arith.minsi %get3A_281, %min3A_282 : i32
      %while3A_284 = arith.constant 0 : i32
      %while3A_285 = arith.subi %min3A_283, %while3A_284 : i32
      %while3A_286 = arith.addi %while3A_284, %while3A_285 : i32
      %while3A_287 = arith.constant 1 : i32
      %while3A_288 = arith.divsi %while3A_285, %while3A_287 : i32
      %while3A_289 = arith.muli %while3A_288, %while3A_287 : i32
      %while3A_290 = arith.addi %while3A_284, %while3A_289 : i32
      %while3A_291 = arith.constant 1 : i32
      %while3A_292 = scf.for %while3A_310 = %while3A_284 to %while3A_290 step %while3A_291 iter_args(%while3A_311 = %while3A_256) -> (i32)  : i32 {
        %mul3A_312 = arith.constant 96 : i32
        %mul3A_313 = arith.muli %add3A_273, %mul3A_312 : i32
        %add3A_314 = arith.addi %mul3A_313, %while3A_310 : i32
        %get3A_315 = arith.index_cast %add3A_314 : i32 to index
        %get3A_316 = tpu.vector_load %arg11[%get3A_315] {strides = array<i32>} : memref<2992xi32, #tpu.memory_space<vmem>>, vector<16xi32>,
        %slice3A = vector.extract_strided_slice %get3A_316 {offsets = [0], sizes = [1], strides = [1]} : vector<16xi32> to vector<1xi32>
        %squeeze3A = vector.extract %slice3A[0] : i32 from vector<1xi32>
        %get3A_317 = arith.index_cast %add3A_314 : i32 to index
        %get3A_318 = tpu.vector_load %arg12[%get3A_317] {strides = array<i32>} : memref<2992xi32, #tpu.memory_space<vmem>>, vector<16xi32>,
        %slice3A_319 = vector.extract_strided_slice %get3A_318 {offsets = [0], sizes = [1], strides = [1]} : vector<16xi32> to vector<1xi32>
        %squeeze3A_320 = vector.extract %slice3A_319[0] : i32 from vector<1xi32>
        %shift_right_logical3A = arith.constant 8 : i32
        %shift_right_logical3A_321 = arith.shrui %squeeze3A, %shift_right_logical3A : i32
        %mul3A_322 = arith.constant 2 : i32
        %mul3A_323 = arith.muli %shift_right_logical3A_321, %mul3A_322 : i32
        %min3A_324 = arith.constant 780 : i32
        %min3A_325 = arith.minsi %mul3A_323, %min3A_324 : i32
        %mul3A_326 = arith.constant 128 : i32
        %mul3A_327 = arith.muli %min3A_325, %mul3A_326 : i32
        %sub3A = arith.subi %squeeze3A, %mul3A_327 : i32
        %mul3A_328 = vector.broadcast %sub3A : i32 to vector<16xi32>
        %mul3A_329 = arith.muli %mul3A_328, %broadcast_in_dim3A_1 : vector<16xi32>
        %add3A_330 = arith.constant 0 : i32
        %add3A_331 = vector.broadcast %add3A_330 : i32 to vector<16xi32>
        %add3A_332 = arith.addi %iota3A, %add3A_331 : vector<16xi32>
        %gather3A = tpu.vector_load_idx %arg14[%add3A_332, %mul3A_329] : memref<64x256xf32, #tpu.memory_space<vmem>>[vector<16xi32>, vector<16xi32>], vector<16xf32>,
        %swap3A = arith.index_cast %while3A_311 : i32 to index
        %swap3A_333 = arith.constant 0 : index
        %swap3A_334 = tpu.vector_load %arg15[%swap3A, %swap3A_333] {strides = array<i32>} : memref<656x64xf32, #tpu.memory_space<vmem>>, vector<16xf32>,
        tpu.vector_store %arg15[%swap3A, %swap3A_333], %gather3A {strides = array<i32>} : memref<656x64xf32, #tpu.memory_space<vmem>>, vector<16xf32>,
        %add3A_335 = arith.constant 16 : i32
        %add3A_336 = vector.broadcast %add3A_335 : i32 to vector<16xi32>
        %add3A_337 = arith.addi %iota3A, %add3A_336 : vector<16xi32>
        %gather3A_338 = tpu.vector_load_idx %arg14[%add3A_337, %mul3A_329] : memref<64x256xf32, #tpu.memory_space<vmem>>[vector<16xi32>, vector<16xi32>], vector<16xf32>,
        %swap3A_339 = arith.index_cast %while3A_311 : i32 to index
        %swap3A_340 = arith.constant 16 : index
        %swap3A_341 = tpu.vector_load %arg15[%swap3A_339, %swap3A_340] {strides = array<i32>} : memref<656x64xf32, #tpu.memory_space<vmem>>, vector<16xf32>,
        tpu.vector_store %arg15[%swap3A_339, %swap3A_340], %gather3A_338 {strides = array<i32>} : memref<656x64xf32, #tpu.memory_space<vmem>>, vector<16xf32>,
        %add3A_342 = arith.constant 32 : i32
        %add3A_343 = vector.broadcast %add3A_342 : i32 to vector<16xi32>
        %add3A_344 = arith.addi %iota3A, %add3A_343 : vector<16xi32>
        %gather3A_345 = tpu.vector_load_idx %arg14[%add3A_344, %mul3A_329] : memref<64x256xf32, #tpu.memory_space<vmem>>[vector<16xi32>, vector<16xi32>], vector<16xf32>,
        %swap3A_346 = arith.index_cast %while3A_311 : i32 to index
        %swap3A_347 = arith.constant 32 : index
        %swap3A_348 = tpu.vector_load %arg15[%swap3A_346, %swap3A_347] {strides = array<i32>} : memref<656x64xf32, #tpu.memory_space<vmem>>, vector<16xf32>,
        tpu.vector_store %arg15[%swap3A_346, %swap3A_347], %gather3A_345 {strides = array<i32>} : memref<656x64xf32, #tpu.memory_space<vmem>>, vector<16xf32>,
        %add3A_349 = arith.constant 48 : i32
        %add3A_350 = vector.broadcast %add3A_349 : i32 to vector<16xi32>
        %add3A_351 = arith.addi %iota3A, %add3A_350 : vector<16xi32>
        %gather3A_352 = tpu.vector_load_idx %arg14[%add3A_351, %mul3A_329] : memref<64x256xf32, #tpu.memory_space<vmem>>[vector<16xi32>, vector<16xi32>], vector<16xf32>,
        %swap3A_353 = arith.index_cast %while3A_311 : i32 to index
        %swap3A_354 = arith.constant 48 : index
        %swap3A_355 = tpu.vector_load %arg15[%swap3A_353, %swap3A_354] {strides = array<i32>} : memref<656x64xf32, #tpu.memory_space<vmem>>, vector<16xf32>,
        tpu.vector_store %arg15[%swap3A_353, %swap3A_354], %gather3A_352 {strides = array<i32>} : memref<656x64xf32, #tpu.memory_space<vmem>>, vector<16xf32>,
        %dma_start3A_356 = arith.constant 0 : i32
        %dma_start3A_357 = tpu.memref_slice %arg15[%while3A_311, %dma_start3A_356] : memref<656x64xf32, #tpu.memory_space<vmem>> -> memref<1x64xf32, #tpu.memory_space<vmem>>
        %dma_start3A_358 = tpu.memref_squeeze %dma_start3A_357 : memref<1x64xf32, #tpu.memory_space<vmem>> -> memref<64xf32, #tpu.memory_space<vmem>>
        %dma_start3A_359 = arith.constant 0 : i32
        %dma_start3A_360 = tpu.memref_slice %arg7[%squeeze3A_320, %dma_start3A_359] : memref<16384x64xf32, #tpu.memory_space<hbm>> -> memref<1x64xf32, #tpu.memory_space<hbm>>
        %dma_start3A_361 = tpu.memref_squeeze %dma_start3A_360 : memref<1x64xf32, #tpu.memory_space<hbm>> -> memref<64xf32, #tpu.memory_space<hbm>>
        %dma_start3A_362 = arith.constant 0 : i32
        %dma_start3A_363 = tpu.memref_slice %arg7[%squeeze3A_320, %dma_start3A_362] : memref<16384x64xf32, #tpu.memory_space<hbm>> -> memref<1x64xf32, #tpu.memory_space<hbm>>
        %dma_start3A_364 = tpu.memref_squeeze %dma_start3A_363 : memref<1x64xf32, #tpu.memory_space<hbm>> -> memref<64xf32, #tpu.memory_space<hbm>>
        %dma_start3A_365 = arith.constant 0 : i32
        %dma_start3A_366 = tpu.memref_slice %arg15[%while3A_311, %dma_start3A_365] : memref<656x64xf32, #tpu.memory_space<vmem>> -> memref<1x64xf32, #tpu.memory_space<vmem>>
        %dma_start3A_367 = tpu.memref_squeeze %dma_start3A_366 : memref<1x64xf32, #tpu.memory_space<vmem>> -> memref<64xf32, #tpu.memory_space<vmem>>
        tpu.enqueue_dma source(%dma_start3A_367 : memref<64xf32, #tpu.memory_space<vmem>>) target(%dma_start3A_364 : memref<64xf32, #tpu.memory_space<hbm>>) target_semaphore(%arg19 : memref<!tpu.dma_semaphore, #tpu.memory_space<semaphore_mem>>)
        %add3A_368 = arith.constant 1 : i32
        %add3A_369 = arith.addi %while3A_311, %add3A_368 : i32
        scf.yield %add3A_369 : i32
      }
      %while3A_293 = arith.constant 1 : i32
      %while3A_294 = scf.for %while3A_310 = %while3A_290 to %while3A_286 step %while3A_293 iter_args(%while3A_311 = %while3A_292) -> (i32)  : i32 {
        %mul3A_312 = arith.constant 96 : i32
        %mul3A_313 = arith.muli %add3A_273, %mul3A_312 : i32
        %add3A_314 = arith.addi %mul3A_313, %while3A_310 : i32
        %get3A_315 = arith.index_cast %add3A_314 : i32 to index
        %get3A_316 = tpu.vector_load %arg11[%get3A_315] {strides = array<i32>} : memref<2992xi32, #tpu.memory_space<vmem>>, vector<16xi32>,
        %slice3A = vector.extract_strided_slice %get3A_316 {offsets = [0], sizes = [1], strides = [1]} : vector<16xi32> to vector<1xi32>
        %squeeze3A = vector.extract %slice3A[0] : i32 from vector<1xi32>
        %get3A_317 = arith.index_cast %add3A_314 : i32 to index
        %get3A_318 = tpu.vector_load %arg12[%get3A_317] {strides = array<i32>} : memref<2992xi32, #tpu.memory_space<vmem>>, vector<16xi32>,
        %slice3A_319 = vector.extract_strided_slice %get3A_318 {offsets = [0], sizes = [1], strides = [1]} : vector<16xi32> to vector<1xi32>
        %squeeze3A_320 = vector.extract %slice3A_319[0] : i32 from vector<1xi32>
        %shift_right_logical3A = arith.constant 8 : i32
        %shift_right_logical3A_321 = arith.shrui %squeeze3A, %shift_right_logical3A : i32
        %mul3A_322 = arith.constant 2 : i32
        %mul3A_323 = arith.muli %shift_right_logical3A_321, %mul3A_322 : i32
        %min3A_324 = arith.constant 780 : i32
        %min3A_325 = arith.minsi %mul3A_323, %min3A_324 : i32
        %mul3A_326 = arith.constant 128 : i32
        %mul3A_327 = arith.muli %min3A_325, %mul3A_326 : i32
        %sub3A = arith.subi %squeeze3A, %mul3A_327 : i32
        %mul3A_328 = vector.broadcast %sub3A : i32 to vector<16xi32>
        %mul3A_329 = arith.muli %mul3A_328, %broadcast_in_dim3A_1 : vector<16xi32>
        %add3A_330 = arith.constant 0 : i32
        %add3A_331 = vector.broadcast %add3A_330 : i32 to vector<16xi32>
        %add3A_332 = arith.addi %iota3A, %add3A_331 : vector<16xi32>
        %gather3A = tpu.vector_load_idx %arg14[%add3A_332, %mul3A_329] : memref<64x256xf32, #tpu.memory_space<vmem>>[vector<16xi32>, vector<16xi32>], vector<16xf32>,
        %swap3A = arith.index_cast %while3A_311 : i32 to index
        %swap3A_333 = arith.constant 0 : index
        %swap3A_334 = tpu.vector_load %arg15[%swap3A, %swap3A_333] {strides = array<i32>} : memref<656x64xf32, #tpu.memory_space<vmem>>, vector<16xf32>,
        tpu.vector_store %arg15[%swap3A, %swap3A_333], %gather3A {strides = array<i32>} : memref<656x64xf32, #tpu.memory_space<vmem>>, vector<16xf32>,
        %add3A_335 = arith.constant 16 : i32
        %add3A_336 = vector.broadcast %add3A_335 : i32 to vector<16xi32>
        %add3A_337 = arith.addi %iota3A, %add3A_336 : vector<16xi32>
        %gather3A_338 = tpu.vector_load_idx %arg14[%add3A_337, %mul3A_329] : memref<64x256xf32, #tpu.memory_space<vmem>>[vector<16xi32>, vector<16xi32>], vector<16xf32>,
        %swap3A_339 = arith.index_cast %while3A_311 : i32 to index
        %swap3A_340 = arith.constant 16 : index
        %swap3A_341 = tpu.vector_load %arg15[%swap3A_339, %swap3A_340] {strides = array<i32>} : memref<656x64xf32, #tpu.memory_space<vmem>>, vector<16xf32>,
        tpu.vector_store %arg15[%swap3A_339, %swap3A_340], %gather3A_338 {strides = array<i32>} : memref<656x64xf32, #tpu.memory_space<vmem>>, vector<16xf32>,
        %add3A_342 = arith.constant 32 : i32
        %add3A_343 = vector.broadcast %add3A_342 : i32 to vector<16xi32>
        %add3A_344 = arith.addi %iota3A, %add3A_343 : vector<16xi32>
        %gather3A_345 = tpu.vector_load_idx %arg14[%add3A_344, %mul3A_329] : memref<64x256xf32, #tpu.memory_space<vmem>>[vector<16xi32>, vector<16xi32>], vector<16xf32>,
        %swap3A_346 = arith.index_cast %while3A_311 : i32 to index
        %swap3A_347 = arith.constant 32 : index
        %swap3A_348 = tpu.vector_load %arg15[%swap3A_346, %swap3A_347] {strides = array<i32>} : memref<656x64xf32, #tpu.memory_space<vmem>>, vector<16xf32>,
        tpu.vector_store %arg15[%swap3A_346, %swap3A_347], %gather3A_345 {strides = array<i32>} : memref<656x64xf32, #tpu.memory_space<vmem>>, vector<16xf32>,
        %add3A_349 = arith.constant 48 : i32
        %add3A_350 = vector.broadcast %add3A_349 : i32 to vector<16xi32>
        %add3A_351 = arith.addi %iota3A, %add3A_350 : vector<16xi32>
        %gather3A_352 = tpu.vector_load_idx %arg14[%add3A_351, %mul3A_329] : memref<64x256xf32, #tpu.memory_space<vmem>>[vector<16xi32>, vector<16xi32>], vector<16xf32>,
        %swap3A_353 = arith.index_cast %while3A_311 : i32 to index
        %swap3A_354 = arith.constant 48 : index
        %swap3A_355 = tpu.vector_load %arg15[%swap3A_353, %swap3A_354] {strides = array<i32>} : memref<656x64xf32, #tpu.memory_space<vmem>>, vector<16xf32>,
        tpu.vector_store %arg15[%swap3A_353, %swap3A_354], %gather3A_352 {strides = array<i32>} : memref<656x64xf32, #tpu.memory_space<vmem>>, vector<16xf32>,
        %dma_start3A_356 = arith.constant 0 : i32
        %dma_start3A_357 = tpu.memref_slice %arg15[%while3A_311, %dma_start3A_356] : memref<656x64xf32, #tpu.memory_space<vmem>> -> memref<1x64xf32, #tpu.memory_space<vmem>>
        %dma_start3A_358 = tpu.memref_squeeze %dma_start3A_357 : memref<1x64xf32, #tpu.memory_space<vmem>> -> memref<64xf32, #tpu.memory_space<vmem>>
        %dma_start3A_359 = arith.constant 0 : i32
        %dma_start3A_360 = tpu.memref_slice %arg7[%squeeze3A_320, %dma_start3A_359] : memref<16384x64xf32, #tpu.memory_space<hbm>> -> memref<1x64xf32, #tpu.memory_space<hbm>>
        %dma_start3A_361 = tpu.memref_squeeze %dma_start3A_360 : memref<1x64xf32, #tpu.memory_space<hbm>> -> memref<64xf32, #tpu.memory_space<hbm>>
        %dma_start3A_362 = arith.constant 0 : i32
        %dma_start3A_363 = tpu.memref_slice %arg7[%squeeze3A_320, %dma_start3A_362] : memref<16384x64xf32, #tpu.memory_space<hbm>> -> memref<1x64xf32, #tpu.memory_space<hbm>>
        %dma_start3A_364 = tpu.memref_squeeze %dma_start3A_363 : memref<1x64xf32, #tpu.memory_space<hbm>> -> memref<64xf32, #tpu.memory_space<hbm>>
        %dma_start3A_365 = arith.constant 0 : i32
        %dma_start3A_366 = tpu.memref_slice %arg15[%while3A_311, %dma_start3A_365] : memref<656x64xf32, #tpu.memory_space<vmem>> -> memref<1x64xf32, #tpu.memory_space<vmem>>
        %dma_start3A_367 = tpu.memref_squeeze %dma_start3A_366 : memref<1x64xf32, #tpu.memory_space<vmem>> -> memref<64xf32, #tpu.memory_space<vmem>>
        tpu.enqueue_dma source(%dma_start3A_367 : memref<64xf32, #tpu.memory_space<vmem>>) target(%dma_start3A_364 : memref<64xf32, #tpu.memory_space<hbm>>) target_semaphore(%arg19 : memref<!tpu.dma_semaphore, #tpu.memory_space<semaphore_mem>>)
        %add3A_368 = arith.constant 1 : i32
        %add3A_369 = arith.addi %while3A_311, %add3A_368 : i32
        scf.yield %add3A_369 : i32
      }
      %add3A_295 = arith.constant 1 : i32
      %add3A_296 = arith.addi %mul3A_233, %add3A_295 : i32
      %add3A_297 = arith.constant 2 : i32
      %add3A_298 = arith.addi %add3A_296, %add3A_297 : i32
      %add3A_299 = arith.addi %mul3A_115, %add3A_298 : i32
      %mul3A_300 = arith.constant 2 : i32
      %mul3A_301 = arith.muli %add3A_299, %mul3A_300 : i32
      %min3A_302 = arith.constant 780 : i32
      %min3A_303 = arith.minsi %mul3A_301, %min3A_302 : i32
      %mul3A_304 = arith.constant 128 : i32
      %mul3A_305 = arith.muli %min3A_303, %mul3A_304 : i32
      %dma_start3A_306 = arith.constant 0 : i32
      %dma_start3A_307 = tpu.memref_slice %arg5[%dma_start3A_306, %mul3A_305] : memref<64x100000xf32, #tpu.memory_space<hbm>> -> memref<64x256xf32, #tpu.memory_space<hbm>>
      %dma_start3A_308 = arith.constant 0 : i32
      %dma_start3A_309 = tpu.memref_slice %arg5[%dma_start3A_308, %mul3A_305] : memref<64x100000xf32, #tpu.memory_space<hbm>> -> memref<64x256xf32, #tpu.memory_space<hbm>>
      tpu.enqueue_dma source(%dma_start3A_309 : memref<64x256xf32, #tpu.memory_space<hbm>>) target(%arg14 : memref<64x256xf32, #tpu.memory_space<vmem>>) target_semaphore(%arg18 : memref<!tpu.dma_semaphore, #tpu.memory_space<semaphore_mem>>)
      scf.yield %while3A_294 : i32
    }
    %scan3A_175 = arith.constant 6 : i32
    %dma_wait3A_176 = arith.constant 0 : i32
    %dma_wait3A_177 = arith.constant 0 : i32
    %dma_wait3A_178 = tpu.memref_slice %arg5[%dma_wait3A_176, %dma_wait3A_177] : memref<64x100000xf32, #tpu.memory_space<hbm>> -> memref<64x256xf32, #tpu.memory_space<hbm>>
    %dma_wait3A_179 = arith.constant 0 : i32
    %dma_wait3A_180 = arith.constant 0 : i32
    %dma_wait3A_181 = tpu.memref_slice %arg5[%dma_wait3A_179, %dma_wait3A_180] : memref<64x100000xf32, #tpu.memory_space<hbm>> -> memref<64x256xf32, #tpu.memory_space<hbm>>
    tpu.wait_dma2 semaphore(%arg17 : memref<!tpu.dma_semaphore, #tpu.memory_space<semaphore_mem>>) src(%dma_wait3A_181 : memref<64x256xf32, #tpu.memory_space<hbm>>) dst(%arg13 : memref<64x256xf32, #tpu.memory_space<vmem>>)
    %get3A_182 = arith.constant 12 : i32
    %get3A_183 = arith.index_cast %get3A_182 : i32 to index
    %get3A_184 = memref.load %arg16[%get3A_183] : memref<256xi32, #tpu.memory_space<smem>>
    %min3A_185 = arith.constant 96 : i32
    %min3A_186 = arith.minsi %get3A_184, %min3A_185 : i32
    %while3A_187 = arith.constant 0 : i32
    %while3A_188 = arith.subi %min3A_186, %while3A_187 : i32
    %while3A_189 = arith.addi %while3A_187, %while3A_188 : i32
    %while3A_190 = arith.constant 1 : i32
    %while3A_191 = arith.divsi %while3A_188, %while3A_190 : i32
    %while3A_192 = arith.muli %while3A_191, %while3A_190 : i32
    %while3A_193 = arith.addi %while3A_187, %while3A_192 : i32
    %while3A_194 = arith.constant 1 : i32
    %while3A_195 = scf.for %while3A_230 = %while3A_187 to %while3A_193 step %while3A_194 iter_args(%while3A_231 = %scan3A_174) -> (i32)  : i32 {
      %add3A_232 = arith.constant 1152 : i32
      %add3A_233 = arith.addi %add3A_232, %while3A_230 : i32
      %get3A_234 = arith.index_cast %add3A_233 : i32 to index
      %get3A_235 = tpu.vector_load %arg11[%get3A_234] {strides = array<i32>} : memref<2992xi32, #tpu.memory_space<vmem>>, vector<16xi32>,
      %slice3A = vector.extract_strided_slice %get3A_235 {offsets = [0], sizes = [1], strides = [1]} : vector<16xi32> to vector<1xi32>
      %squeeze3A = vector.extract %slice3A[0] : i32 from vector<1xi32>
      %get3A_236 = arith.index_cast %add3A_233 : i32 to index
      %get3A_237 = tpu.vector_load %arg12[%get3A_236] {strides = array<i32>} : memref<2992xi32, #tpu.memory_space<vmem>>, vector<16xi32>,
      %slice3A_238 = vector.extract_strided_slice %get3A_237 {offsets = [0], sizes = [1], strides = [1]} : vector<16xi32> to vector<1xi32>
      %squeeze3A_239 = vector.extract %slice3A_238[0] : i32 from vector<1xi32>
      %shift_right_logical3A = arith.constant 8 : i32
      %shift_right_logical3A_240 = arith.shrui %squeeze3A, %shift_right_logical3A : i32
      %mul3A_241 = arith.constant 2 : i32
      %mul3A_242 = arith.muli %shift_right_logical3A_240, %mul3A_241 : i32
      %min3A_243 = arith.constant 780 : i32
      %min3A_244 = arith.minsi %mul3A_242, %min3A_243 : i32
      %mul3A_245 = arith.constant 128 : i32
      %mul3A_246 = arith.muli %min3A_244, %mul3A_245 : i32
      %sub3A = arith.subi %squeeze3A, %mul3A_246 : i32
      %mul3A_247 = vector.broadcast %sub3A : i32 to vector<16xi32>
      %mul3A_248 = arith.muli %mul3A_247, %broadcast_in_dim3A_1 : vector<16xi32>
      %add3A_249 = arith.constant 0 : i32
      %add3A_250 = vector.broadcast %add3A_249 : i32 to vector<16xi32>
      %add3A_251 = arith.addi %iota3A, %add3A_250 : vector<16xi32>
      %gather3A = tpu.vector_load_idx %arg13[%add3A_251, %mul3A_248] : memref<64x256xf32, #tpu.memory_space<vmem>>[vector<16xi32>, vector<16xi32>], vector<16xf32>,
      %swap3A = arith.index_cast %while3A_231 : i32 to index
      %swap3A_252 = arith.constant 0 : index
      %swap3A_253 = tpu.vector_load %arg15[%swap3A, %swap3A_252] {strides = array<i32>} : memref<656x64xf32, #tpu.memory_space<vmem>>, vector<16xf32>,
      tpu.vector_store %arg15[%swap3A, %swap3A_252], %gather3A {strides = array<i32>} : memref<656x64xf32, #tpu.memory_space<vmem>>, vector<16xf32>,
      %add3A_254 = arith.constant 16 : i32
      %add3A_255 = vector.broadcast %add3A_254 : i32 to vector<16xi32>
      %add3A_256 = arith.addi %iota3A, %add3A_255 : vector<16xi32>
      %gather3A_257 = tpu.vector_load_idx %arg13[%add3A_256, %mul3A_248] : memref<64x256xf32, #tpu.memory_space<vmem>>[vector<16xi32>, vector<16xi32>], vector<16xf32>,
      %swap3A_258 = arith.index_cast %while3A_231 : i32 to index
      %swap3A_259 = arith.constant 16 : index
      %swap3A_260 = tpu.vector_load %arg15[%swap3A_258, %swap3A_259] {strides = array<i32>} : memref<656x64xf32, #tpu.memory_space<vmem>>, vector<16xf32>,
      tpu.vector_store %arg15[%swap3A_258, %swap3A_259], %gather3A_257 {strides = array<i32>} : memref<656x64xf32, #tpu.memory_space<vmem>>, vector<16xf32>,
      %add3A_261 = arith.constant 32 : i32
      %add3A_262 = vector.broadcast %add3A_261 : i32 to vector<16xi32>
      %add3A_263 = arith.addi %iota3A, %add3A_262 : vector<16xi32>
      %gather3A_264 = tpu.vector_load_idx %arg13[%add3A_263, %mul3A_248] : memref<64x256xf32, #tpu.memory_space<vmem>>[vector<16xi32>, vector<16xi32>], vector<16xf32>,
      %swap3A_265 = arith.index_cast %while3A_231 : i32 to index
      %swap3A_266 = arith.constant 32 : index
      %swap3A_267 = tpu.vector_load %arg15[%swap3A_265, %swap3A_266] {strides = array<i32>} : memref<656x64xf32, #tpu.memory_space<vmem>>, vector<16xf32>,
      tpu.vector_store %arg15[%swap3A_265, %swap3A_266], %gather3A_264 {strides = array<i32>} : memref<656x64xf32, #tpu.memory_space<vmem>>, vector<16xf32>,
      %add3A_268 = arith.constant 48 : i32
      %add3A_269 = vector.broadcast %add3A_268 : i32 to vector<16xi32>
      %add3A_270 = arith.addi %iota3A, %add3A_269 : vector<16xi32>
      %gather3A_271 = tpu.vector_load_idx %arg13[%add3A_270, %mul3A_248] : memref<64x256xf32, #tpu.memory_space<vmem>>[vector<16xi32>, vector<16xi32>], vector<16xf32>,
      %swap3A_272 = arith.index_cast %while3A_231 : i32 to index
      %swap3A_273 = arith.constant 48 : index
      %swap3A_274 = tpu.vector_load %arg15[%swap3A_272, %swap3A_273] {strides = array<i32>} : memref<656x64xf32, #tpu.memory_space<vmem>>, vector<16xf32>,
      tpu.vector_store %arg15[%swap3A_272, %swap3A_273], %gather3A_271 {strides = array<i32>} : memref<656x64xf32, #tpu.memory_space<vmem>>, vector<16xf32>,
      %dma_start3A_275 = arith.constant 0 : i32
      %dma_start3A_276 = tpu.memref_slice %arg15[%while3A_231, %dma_start3A_275] : memref<656x64xf32, #tpu.memory_space<vmem>> -> memref<1x64xf32, #tpu.memory_space<vmem>>
      %dma_start3A_277 = tpu.memref_squeeze %dma_start3A_276 : memref<1x64xf32, #tpu.memory_space<vmem>> -> memref<64xf32, #tpu.memory_space<vmem>>
      %dma_start3A_278 = arith.constant 0 : i32
      %dma_start3A_279 = tpu.memref_slice %arg7[%squeeze3A_239, %dma_start3A_278] : memref<16384x64xf32, #tpu.memory_space<hbm>> -> memref<1x64xf32, #tpu.memory_space<hbm>>
      %dma_start3A_280 = tpu.memref_squeeze %dma_start3A_279 : memref<1x64xf32, #tpu.memory_space<hbm>> -> memref<64xf32, #tpu.memory_space<hbm>>
      %dma_start3A_281 = arith.constant 0 : i32
      %dma_start3A_282 = tpu.memref_slice %arg7[%squeeze3A_239, %dma_start3A_281] : memref<16384x64xf32, #tpu.memory_space<hbm>> -> memref<1x64xf32, #tpu.memory_space<hbm>>
      %dma_start3A_283 = tpu.memref_squeeze %dma_start3A_282 : memref<1x64xf32, #tpu.memory_space<hbm>> -> memref<64xf32, #tpu.memory_space<hbm>>
      %dma_start3A_284 = arith.constant 0 : i32
      %dma_start3A_285 = tpu.memref_slice %arg15[%while3A_231, %dma_start3A_284] : memref<656x64xf32, #tpu.memory_space<vmem>> -> memref<1x64xf32, #tpu.memory_space<vmem>>
      %dma_start3A_286 = tpu.memref_squeeze %dma_start3A_285 : memref<1x64xf32, #tpu.memory_space<vmem>> -> memref<64xf32, #tpu.memory_space<vmem>>
      tpu.enqueue_dma source(%dma_start3A_286 : memref<64xf32, #tpu.memory_space<vmem>>) target(%dma_start3A_283 : memref<64xf32, #tpu.memory_space<hbm>>) target_semaphore(%arg19 : memref<!tpu.dma_semaphore, #tpu.memory_space<semaphore_mem>>)
      %add3A_287 = arith.constant 1 : i32
      %add3A_288 = arith.addi %while3A_231, %add3A_287 : i32
      scf.yield %add3A_288 : i32
    }
    %while3A_196 = arith.constant 1 : i32
    %while3A_197 = scf.for %while3A_230 = %while3A_193 to %while3A_189 step %while3A_196 iter_args(%while3A_231 = %while3A_195) -> (i32)  : i32 {
      %add3A_232 = arith.constant 1152 : i32
      %add3A_233 = arith.addi %add3A_232, %while3A_230 : i32
      %get3A_234 = arith.index_cast %add3A_233 : i32 to index
      %get3A_235 = tpu.vector_load %arg11[%get3A_234] {strides = array<i32>} : memref<2992xi32, #tpu.memory_space<vmem>>, vector<16xi32>,
      %slice3A = vector.extract_strided_slice %get3A_235 {offsets = [0], sizes = [1], strides = [1]} : vector<16xi32> to vector<1xi32>
      %squeeze3A = vector.extract %slice3A[0] : i32 from vector<1xi32>
      %get3A_236 = arith.index_cast %add3A_233 : i32 to index
      %get3A_237 = tpu.vector_load %arg12[%get3A_236] {strides = array<i32>} : memref<2992xi32, #tpu.memory_space<vmem>>, vector<16xi32>,
      %slice3A_238 = vector.extract_strided_slice %get3A_237 {offsets = [0], sizes = [1], strides = [1]} : vector<16xi32> to vector<1xi32>
      %squeeze3A_239 = vector.extract %slice3A_238[0] : i32 from vector<1xi32>
      %shift_right_logical3A = arith.constant 8 : i32
      %shift_right_logical3A_240 = arith.shrui %squeeze3A, %shift_right_logical3A : i32
      %mul3A_241 = arith.constant 2 : i32
      %mul3A_242 = arith.muli %shift_right_logical3A_240, %mul3A_241 : i32
      %min3A_243 = arith.constant 780 : i32
      %min3A_244 = arith.minsi %mul3A_242, %min3A_243 : i32
      %mul3A_245 = arith.constant 128 : i32
      %mul3A_246 = arith.muli %min3A_244, %mul3A_245 : i32
      %sub3A = arith.subi %squeeze3A, %mul3A_246 : i32
      %mul3A_247 = vector.broadcast %sub3A : i32 to vector<16xi32>
      %mul3A_248 = arith.muli %mul3A_247, %broadcast_in_dim3A_1 : vector<16xi32>
      %add3A_249 = arith.constant 0 : i32
      %add3A_250 = vector.broadcast %add3A_249 : i32 to vector<16xi32>
      %add3A_251 = arith.addi %iota3A, %add3A_250 : vector<16xi32>
      %gather3A = tpu.vector_load_idx %arg13[%add3A_251, %mul3A_248] : memref<64x256xf32, #tpu.memory_space<vmem>>[vector<16xi32>, vector<16xi32>], vector<16xf32>,
      %swap3A = arith.index_cast %while3A_231 : i32 to index
      %swap3A_252 = arith.constant 0 : index
      %swap3A_253 = tpu.vector_load %arg15[%swap3A, %swap3A_252] {strides = array<i32>} : memref<656x64xf32, #tpu.memory_space<vmem>>, vector<16xf32>,
      tpu.vector_store %arg15[%swap3A, %swap3A_252], %gather3A {strides = array<i32>} : memref<656x64xf32, #tpu.memory_space<vmem>>, vector<16xf32>,
      %add3A_254 = arith.constant 16 : i32
      %add3A_255 = vector.broadcast %add3A_254 : i32 to vector<16xi32>
      %add3A_256 = arith.addi %iota3A, %add3A_255 : vector<16xi32>
      %gather3A_257 = tpu.vector_load_idx %arg13[%add3A_256, %mul3A_248] : memref<64x256xf32, #tpu.memory_space<vmem>>[vector<16xi32>, vector<16xi32>], vector<16xf32>,
      %swap3A_258 = arith.index_cast %while3A_231 : i32 to index
      %swap3A_259 = arith.constant 16 : index
      %swap3A_260 = tpu.vector_load %arg15[%swap3A_258, %swap3A_259] {strides = array<i32>} : memref<656x64xf32, #tpu.memory_space<vmem>>, vector<16xf32>,
      tpu.vector_store %arg15[%swap3A_258, %swap3A_259], %gather3A_257 {strides = array<i32>} : memref<656x64xf32, #tpu.memory_space<vmem>>, vector<16xf32>,
      %add3A_261 = arith.constant 32 : i32
      %add3A_262 = vector.broadcast %add3A_261 : i32 to vector<16xi32>
      %add3A_263 = arith.addi %iota3A, %add3A_262 : vector<16xi32>
      %gather3A_264 = tpu.vector_load_idx %arg13[%add3A_263, %mul3A_248] : memref<64x256xf32, #tpu.memory_space<vmem>>[vector<16xi32>, vector<16xi32>], vector<16xf32>,
      %swap3A_265 = arith.index_cast %while3A_231 : i32 to index
      %swap3A_266 = arith.constant 32 : index
      %swap3A_267 = tpu.vector_load %arg15[%swap3A_265, %swap3A_266] {strides = array<i32>} : memref<656x64xf32, #tpu.memory_space<vmem>>, vector<16xf32>,
      tpu.vector_store %arg15[%swap3A_265, %swap3A_266], %gather3A_264 {strides = array<i32>} : memref<656x64xf32, #tpu.memory_space<vmem>>, vector<16xf32>,
      %add3A_268 = arith.constant 48 : i32
      %add3A_269 = vector.broadcast %add3A_268 : i32 to vector<16xi32>
      %add3A_270 = arith.addi %iota3A, %add3A_269 : vector<16xi32>
      %gather3A_271 = tpu.vector_load_idx %arg13[%add3A_270, %mul3A_248] : memref<64x256xf32, #tpu.memory_space<vmem>>[vector<16xi32>, vector<16xi32>], vector<16xf32>,
      %swap3A_272 = arith.index_cast %while3A_231 : i32 to index
      %swap3A_273 = arith.constant 48 : index
      %swap3A_274 = tpu.vector_load %arg15[%swap3A_272, %swap3A_273] {strides = array<i32>} : memref<656x64xf32, #tpu.memory_space<vmem>>, vector<16xf32>,
      tpu.vector_store %arg15[%swap3A_272, %swap3A_273], %gather3A_271 {strides = array<i32>} : memref<656x64xf32, #tpu.memory_space<vmem>>, vector<16xf32>,
      %dma_start3A_275 = arith.constant 0 : i32
      %dma_start3A_276 = tpu.memref_slice %arg15[%while3A_231, %dma_start3A_275] : memref<656x64xf32, #tpu.memory_space<vmem>> -> memref<1x64xf32, #tpu.memory_space<vmem>>
      %dma_start3A_277 = tpu.memref_squeeze %dma_start3A_276 : memref<1x64xf32, #tpu.memory_space<vmem>> -> memref<64xf32, #tpu.memory_space<vmem>>
      %dma_start3A_278 = arith.constant 0 : i32
      %dma_start3A_279 = tpu.memref_slice %arg7[%squeeze3A_239, %dma_start3A_278] : memref<16384x64xf32, #tpu.memory_space<hbm>> -> memref<1x64xf32, #tpu.memory_space<hbm>>
      %dma_start3A_280 = tpu.memref_squeeze %dma_start3A_279 : memref<1x64xf32, #tpu.memory_space<hbm>> -> memref<64xf32, #tpu.memory_space<hbm>>
      %dma_start3A_281 = arith.constant 0 : i32
      %dma_start3A_282 = tpu.memref_slice %arg7[%squeeze3A_239, %dma_start3A_281] : memref<16384x64xf32, #tpu.memory_space<hbm>> -> memref<1x64xf32, #tpu.memory_space<hbm>>
      %dma_start3A_283 = tpu.memref_squeeze %dma_start3A_282 : memref<1x64xf32, #tpu.memory_space<hbm>> -> memref<64xf32, #tpu.memory_space<hbm>>
      %dma_start3A_284 = arith.constant 0 : i32
      %dma_start3A_285 = tpu.memref_slice %arg15[%while3A_231, %dma_start3A_284] : memref<656x64xf32, #tpu.memory_space<vmem>> -> memref<1x64xf32, #tpu.memory_space<vmem>>
      %dma_start3A_286 = tpu.memref_squeeze %dma_start3A_285 : memref<1x64xf32, #tpu.memory_space<vmem>> -> memref<64xf32, #tpu.memory_space<vmem>>
      tpu.enqueue_dma source(%dma_start3A_286 : memref<64xf32, #tpu.memory_space<vmem>>) target(%dma_start3A_283 : memref<64xf32, #tpu.memory_space<hbm>>) target_semaphore(%arg19 : memref<!tpu.dma_semaphore, #tpu.memory_space<semaphore_mem>>)
      %add3A_287 = arith.constant 1 : i32
      %add3A_288 = arith.addi %while3A_231, %add3A_287 : i32
      scf.yield %add3A_288 : i32
    }
    %dma_wait3A_198 = arith.constant 0 : i32
    %dma_wait3A_199 = arith.constant 0 : i32
    %dma_wait3A_200 = tpu.memref_slice %arg5[%dma_wait3A_198, %dma_wait3A_199] : memref<64x100000xf32, #tpu.memory_space<hbm>> -> memref<64x256xf32, #tpu.memory_space<hbm>>
    %dma_wait3A_201 = arith.constant 0 : i32
    %dma_wait3A_202 = arith.constant 0 : i32
    %dma_wait3A_203 = tpu.memref_slice %arg5[%dma_wait3A_201, %dma_wait3A_202] : memref<64x100000xf32, #tpu.memory_space<hbm>> -> memref<64x256xf32, #tpu.memory_space<hbm>>
    tpu.wait_dma2 semaphore(%arg18 : memref<!tpu.dma_semaphore, #tpu.memory_space<semaphore_mem>>) src(%dma_wait3A_203 : memref<64x256xf32, #tpu.memory_space<hbm>>) dst(%arg14 : memref<64x256xf32, #tpu.memory_space<vmem>>)
    %get3A_204 = arith.constant 13 : i32
    %get3A_205 = arith.index_cast %get3A_204 : i32 to index
    %get3A_206 = memref.load %arg16[%get3A_205] : memref<256xi32, #tpu.memory_space<smem>>
    %min3A_207 = arith.constant 96 : i32
    %min3A_208 = arith.minsi %get3A_206, %min3A_207 : i32
    %while3A_209 = arith.constant 0 : i32
    %while3A_210 = arith.subi %min3A_208, %while3A_209 : i32
    %while3A_211 = arith.addi %while3A_209, %while3A_210 : i32
    %while3A_212 = arith.constant 1 : i32
    %while3A_213 = arith.divsi %while3A_210, %while3A_212 : i32
    %while3A_214 = arith.muli %while3A_213, %while3A_212 : i32
    %while3A_215 = arith.addi %while3A_209, %while3A_214 : i32
    %while3A_216 = arith.constant 1 : i32
    %while3A_217 = scf.for %while3A_230 = %while3A_209 to %while3A_215 step %while3A_216 iter_args(%while3A_231 = %while3A_197) -> (i32)  : i32 {
      %add3A_232 = arith.constant 1248 : i32
      %add3A_233 = arith.addi %add3A_232, %while3A_230 : i32
      %get3A_234 = arith.index_cast %add3A_233 : i32 to index
      %get3A_235 = tpu.vector_load %arg11[%get3A_234] {strides = array<i32>} : memref<2992xi32, #tpu.memory_space<vmem>>, vector<16xi32>,
      %slice3A = vector.extract_strided_slice %get3A_235 {offsets = [0], sizes = [1], strides = [1]} : vector<16xi32> to vector<1xi32>
      %squeeze3A = vector.extract %slice3A[0] : i32 from vector<1xi32>
      %get3A_236 = arith.index_cast %add3A_233 : i32 to index
      %get3A_237 = tpu.vector_load %arg12[%get3A_236] {strides = array<i32>} : memref<2992xi32, #tpu.memory_space<vmem>>, vector<16xi32>,
      %slice3A_238 = vector.extract_strided_slice %get3A_237 {offsets = [0], sizes = [1], strides = [1]} : vector<16xi32> to vector<1xi32>
      %squeeze3A_239 = vector.extract %slice3A_238[0] : i32 from vector<1xi32>
      %shift_right_logical3A = arith.constant 8 : i32
      %shift_right_logical3A_240 = arith.shrui %squeeze3A, %shift_right_logical3A : i32
      %mul3A_241 = arith.constant 2 : i32
      %mul3A_242 = arith.muli %shift_right_logical3A_240, %mul3A_241 : i32
      %min3A_243 = arith.constant 780 : i32
      %min3A_244 = arith.minsi %mul3A_242, %min3A_243 : i32
      %mul3A_245 = arith.constant 128 : i32
      %mul3A_246 = arith.muli %min3A_244, %mul3A_245 : i32
      %sub3A = arith.subi %squeeze3A, %mul3A_246 : i32
      %mul3A_247 = vector.broadcast %sub3A : i32 to vector<16xi32>
      %mul3A_248 = arith.muli %mul3A_247, %broadcast_in_dim3A_1 : vector<16xi32>
      %add3A_249 = arith.constant 0 : i32
      %add3A_250 = vector.broadcast %add3A_249 : i32 to vector<16xi32>
      %add3A_251 = arith.addi %iota3A, %add3A_250 : vector<16xi32>
      %gather3A = tpu.vector_load_idx %arg14[%add3A_251, %mul3A_248] : memref<64x256xf32, #tpu.memory_space<vmem>>[vector<16xi32>, vector<16xi32>], vector<16xf32>,
      %swap3A = arith.index_cast %while3A_231 : i32 to index
      %swap3A_252 = arith.constant 0 : index
      %swap3A_253 = tpu.vector_load %arg15[%swap3A, %swap3A_252] {strides = array<i32>} : memref<656x64xf32, #tpu.memory_space<vmem>>, vector<16xf32>,
      tpu.vector_store %arg15[%swap3A, %swap3A_252], %gather3A {strides = array<i32>} : memref<656x64xf32, #tpu.memory_space<vmem>>, vector<16xf32>,
      %add3A_254 = arith.constant 16 : i32
      %add3A_255 = vector.broadcast %add3A_254 : i32 to vector<16xi32>
      %add3A_256 = arith.addi %iota3A, %add3A_255 : vector<16xi32>
      %gather3A_257 = tpu.vector_load_idx %arg14[%add3A_256, %mul3A_248] : memref<64x256xf32, #tpu.memory_space<vmem>>[vector<16xi32>, vector<16xi32>], vector<16xf32>,
      %swap3A_258 = arith.index_cast %while3A_231 : i32 to index
      %swap3A_259 = arith.constant 16 : index
      %swap3A_260 = tpu.vector_load %arg15[%swap3A_258, %swap3A_259] {strides = array<i32>} : memref<656x64xf32, #tpu.memory_space<vmem>>, vector<16xf32>,
      tpu.vector_store %arg15[%swap3A_258, %swap3A_259], %gather3A_257 {strides = array<i32>} : memref<656x64xf32, #tpu.memory_space<vmem>>, vector<16xf32>,
      %add3A_261 = arith.constant 32 : i32
      %add3A_262 = vector.broadcast %add3A_261 : i32 to vector<16xi32>
      %add3A_263 = arith.addi %iota3A, %add3A_262 : vector<16xi32>
      %gather3A_264 = tpu.vector_load_idx %arg14[%add3A_263, %mul3A_248] : memref<64x256xf32, #tpu.memory_space<vmem>>[vector<16xi32>, vector<16xi32>], vector<16xf32>,
      %swap3A_265 = arith.index_cast %while3A_231 : i32 to index
      %swap3A_266 = arith.constant 32 : index
      %swap3A_267 = tpu.vector_load %arg15[%swap3A_265, %swap3A_266] {strides = array<i32>} : memref<656x64xf32, #tpu.memory_space<vmem>>, vector<16xf32>,
      tpu.vector_store %arg15[%swap3A_265, %swap3A_266], %gather3A_264 {strides = array<i32>} : memref<656x64xf32, #tpu.memory_space<vmem>>, vector<16xf32>,
      %add3A_268 = arith.constant 48 : i32
      %add3A_269 = vector.broadcast %add3A_268 : i32 to vector<16xi32>
      %add3A_270 = arith.addi %iota3A, %add3A_269 : vector<16xi32>
      %gather3A_271 = tpu.vector_load_idx %arg14[%add3A_270, %mul3A_248] : memref<64x256xf32, #tpu.memory_space<vmem>>[vector<16xi32>, vector<16xi32>], vector<16xf32>,
      %swap3A_272 = arith.index_cast %while3A_231 : i32 to index
      %swap3A_273 = arith.constant 48 : index
      %swap3A_274 = tpu.vector_load %arg15[%swap3A_272, %swap3A_273] {strides = array<i32>} : memref<656x64xf32, #tpu.memory_space<vmem>>, vector<16xf32>,
      tpu.vector_store %arg15[%swap3A_272, %swap3A_273], %gather3A_271 {strides = array<i32>} : memref<656x64xf32, #tpu.memory_space<vmem>>, vector<16xf32>,
      %dma_start3A_275 = arith.constant 0 : i32
      %dma_start3A_276 = tpu.memref_slice %arg15[%while3A_231, %dma_start3A_275] : memref<656x64xf32, #tpu.memory_space<vmem>> -> memref<1x64xf32, #tpu.memory_space<vmem>>
      %dma_start3A_277 = tpu.memref_squeeze %dma_start3A_276 : memref<1x64xf32, #tpu.memory_space<vmem>> -> memref<64xf32, #tpu.memory_space<vmem>>
      %dma_start3A_278 = arith.constant 0 : i32
      %dma_start3A_279 = tpu.memref_slice %arg7[%squeeze3A_239, %dma_start3A_278] : memref<16384x64xf32, #tpu.memory_space<hbm>> -> memref<1x64xf32, #tpu.memory_space<hbm>>
      %dma_start3A_280 = tpu.memref_squeeze %dma_start3A_279 : memref<1x64xf32, #tpu.memory_space<hbm>> -> memref<64xf32, #tpu.memory_space<hbm>>
      %dma_start3A_281 = arith.constant 0 : i32
      %dma_start3A_282 = tpu.memref_slice %arg7[%squeeze3A_239, %dma_start3A_281] : memref<16384x64xf32, #tpu.memory_space<hbm>> -> memref<1x64xf32, #tpu.memory_space<hbm>>
      %dma_start3A_283 = tpu.memref_squeeze %dma_start3A_282 : memref<1x64xf32, #tpu.memory_space<hbm>> -> memref<64xf32, #tpu.memory_space<hbm>>
      %dma_start3A_284 = arith.constant 0 : i32
      %dma_start3A_285 = tpu.memref_slice %arg15[%while3A_231, %dma_start3A_284] : memref<656x64xf32, #tpu.memory_space<vmem>> -> memref<1x64xf32, #tpu.memory_space<vmem>>
      %dma_start3A_286 = tpu.memref_squeeze %dma_start3A_285 : memref<1x64xf32, #tpu.memory_space<vmem>> -> memref<64xf32, #tpu.memory_space<vmem>>
      tpu.enqueue_dma source(%dma_start3A_286 : memref<64xf32, #tpu.memory_space<vmem>>) target(%dma_start3A_283 : memref<64xf32, #tpu.memory_space<hbm>>) target_semaphore(%arg19 : memref<!tpu.dma_semaphore, #tpu.memory_space<semaphore_mem>>)
      %add3A_287 = arith.constant 1 : i32
      %add3A_288 = arith.addi %while3A_231, %add3A_287 : i32
      scf.yield %add3A_288 : i32
    }
    %while3A_218 = arith.constant 1 : i32
    %while3A_219 = scf.for %while3A_230 = %while3A_215 to %while3A_211 step %while3A_218 iter_args(%while3A_231 = %while3A_217) -> (i32)  : i32 {
      %add3A_232 = arith.constant 1248 : i32
      %add3A_233 = arith.addi %add3A_232, %while3A_230 : i32
      %get3A_234 = arith.index_cast %add3A_233 : i32 to index
      %get3A_235 = tpu.vector_load %arg11[%get3A_234] {strides = array<i32>} : memref<2992xi32, #tpu.memory_space<vmem>>, vector<16xi32>,
      %slice3A = vector.extract_strided_slice %get3A_235 {offsets = [0], sizes = [1], strides = [1]} : vector<16xi32> to vector<1xi32>
      %squeeze3A = vector.extract %slice3A[0] : i32 from vector<1xi32>
      %get3A_236 = arith.index_cast %add3A_233 : i32 to index
      %get3A_237 = tpu.vector_load %arg12[%get3A_236] {strides = array<i32>} : memref<2992xi32, #tpu.memory_space<vmem>>, vector<16xi32>,
      %slice3A_238 = vector.extract_strided_slice %get3A_237 {offsets = [0], sizes = [1], strides = [1]} : vector<16xi32> to vector<1xi32>
      %squeeze3A_239 = vector.extract %slice3A_238[0] : i32 from vector<1xi32>
      %shift_right_logical3A = arith.constant 8 : i32
      %shift_right_logical3A_240 = arith.shrui %squeeze3A, %shift_right_logical3A : i32
      %mul3A_241 = arith.constant 2 : i32
      %mul3A_242 = arith.muli %shift_right_logical3A_240, %mul3A_241 : i32
      %min3A_243 = arith.constant 780 : i32
      %min3A_244 = arith.minsi %mul3A_242, %min3A_243 : i32
      %mul3A_245 = arith.constant 128 : i32
      %mul3A_246 = arith.muli %min3A_244, %mul3A_245 : i32
      %sub3A = arith.subi %squeeze3A, %mul3A_246 : i32
      %mul3A_247 = vector.broadcast %sub3A : i32 to vector<16xi32>
      %mul3A_248 = arith.muli %mul3A_247, %broadcast_in_dim3A_1 : vector<16xi32>
      %add3A_249 = arith.constant 0 : i32
      %add3A_250 = vector.broadcast %add3A_249 : i32 to vector<16xi32>
      %add3A_251 = arith.addi %iota3A, %add3A_250 : vector<16xi32>
      %gather3A = tpu.vector_load_idx %arg14[%add3A_251, %mul3A_248] : memref<64x256xf32, #tpu.memory_space<vmem>>[vector<16xi32>, vector<16xi32>], vector<16xf32>,
      %swap3A = arith.index_cast %while3A_231 : i32 to index
      %swap3A_252 = arith.constant 0 : index
      %swap3A_253 = tpu.vector_load %arg15[%swap3A, %swap3A_252] {strides = array<i32>} : memref<656x64xf32, #tpu.memory_space<vmem>>, vector<16xf32>,
      tpu.vector_store %arg15[%swap3A, %swap3A_252], %gather3A {strides = array<i32>} : memref<656x64xf32, #tpu.memory_space<vmem>>, vector<16xf32>,
      %add3A_254 = arith.constant 16 : i32
      %add3A_255 = vector.broadcast %add3A_254 : i32 to vector<16xi32>
      %add3A_256 = arith.addi %iota3A, %add3A_255 : vector<16xi32>
      %gather3A_257 = tpu.vector_load_idx %arg14[%add3A_256, %mul3A_248] : memref<64x256xf32, #tpu.memory_space<vmem>>[vector<16xi32>, vector<16xi32>], vector<16xf32>,
      %swap3A_258 = arith.index_cast %while3A_231 : i32 to index
      %swap3A_259 = arith.constant 16 : index
      %swap3A_260 = tpu.vector_load %arg15[%swap3A_258, %swap3A_259] {strides = array<i32>} : memref<656x64xf32, #tpu.memory_space<vmem>>, vector<16xf32>,
      tpu.vector_store %arg15[%swap3A_258, %swap3A_259], %gather3A_257 {strides = array<i32>} : memref<656x64xf32, #tpu.memory_space<vmem>>, vector<16xf32>,
      %add3A_261 = arith.constant 32 : i32
      %add3A_262 = vector.broadcast %add3A_261 : i32 to vector<16xi32>
      %add3A_263 = arith.addi %iota3A, %add3A_262 : vector<16xi32>
      %gather3A_264 = tpu.vector_load_idx %arg14[%add3A_263, %mul3A_248] : memref<64x256xf32, #tpu.memory_space<vmem>>[vector<16xi32>, vector<16xi32>], vector<16xf32>,
      %swap3A_265 = arith.index_cast %while3A_231 : i32 to index
      %swap3A_266 = arith.constant 32 : index
      %swap3A_267 = tpu.vector_load %arg15[%swap3A_265, %swap3A_266] {strides = array<i32>} : memref<656x64xf32, #tpu.memory_space<vmem>>, vector<16xf32>,
      tpu.vector_store %arg15[%swap3A_265, %swap3A_266], %gather3A_264 {strides = array<i32>} : memref<656x64xf32, #tpu.memory_space<vmem>>, vector<16xf32>,
      %add3A_268 = arith.constant 48 : i32
      %add3A_269 = vector.broadcast %add3A_268 : i32 to vector<16xi32>
      %add3A_270 = arith.addi %iota3A, %add3A_269 : vector<16xi32>
      %gather3A_271 = tpu.vector_load_idx %arg14[%add3A_270, %mul3A_248] : memref<64x256xf32, #tpu.memory_space<vmem>>[vector<16xi32>, vector<16xi32>], vector<16xf32>,
      %swap3A_272 = arith.index_cast %while3A_231 : i32 to index
      %swap3A_273 = arith.constant 48 : index
      %swap3A_274 = tpu.vector_load %arg15[%swap3A_272, %swap3A_273] {strides = array<i32>} : memref<656x64xf32, #tpu.memory_space<vmem>>, vector<16xf32>,
      tpu.vector_store %arg15[%swap3A_272, %swap3A_273], %gather3A_271 {strides = array<i32>} : memref<656x64xf32, #tpu.memory_space<vmem>>, vector<16xf32>,
      %dma_start3A_275 = arith.constant 0 : i32
      %dma_start3A_276 = tpu.memref_slice %arg15[%while3A_231, %dma_start3A_275] : memref<656x64xf32, #tpu.memory_space<vmem>> -> memref<1x64xf32, #tpu.memory_space<vmem>>
      %dma_start3A_277 = tpu.memref_squeeze %dma_start3A_276 : memref<1x64xf32, #tpu.memory_space<vmem>> -> memref<64xf32, #tpu.memory_space<vmem>>
      %dma_start3A_278 = arith.constant 0 : i32
      %dma_start3A_279 = tpu.memref_slice %arg7[%squeeze3A_239, %dma_start3A_278] : memref<16384x64xf32, #tpu.memory_space<hbm>> -> memref<1x64xf32, #tpu.memory_space<hbm>>
      %dma_start3A_280 = tpu.memref_squeeze %dma_start3A_279 : memref<1x64xf32, #tpu.memory_space<hbm>> -> memref<64xf32, #tpu.memory_space<hbm>>
      %dma_start3A_281 = arith.constant 0 : i32
      %dma_start3A_282 = tpu.memref_slice %arg7[%squeeze3A_239, %dma_start3A_281] : memref<16384x64xf32, #tpu.memory_space<hbm>> -> memref<1x64xf32, #tpu.memory_space<hbm>>
      %dma_start3A_283 = tpu.memref_squeeze %dma_start3A_282 : memref<1x64xf32, #tpu.memory_space<hbm>> -> memref<64xf32, #tpu.memory_space<hbm>>
      %dma_start3A_284 = arith.constant 0 : i32
      %dma_start3A_285 = tpu.memref_slice %arg15[%while3A_231, %dma_start3A_284] : memref<656x64xf32, #tpu.memory_space<vmem>> -> memref<1x64xf32, #tpu.memory_space<vmem>>
      %dma_start3A_286 = tpu.memref_squeeze %dma_start3A_285 : memref<1x64xf32, #tpu.memory_space<vmem>> -> memref<64xf32, #tpu.memory_space<vmem>>
      tpu.enqueue_dma source(%dma_start3A_286 : memref<64xf32, #tpu.memory_space<vmem>>) target(%dma_start3A_283 : memref<64xf32, #tpu.memory_space<hbm>>) target_semaphore(%arg19 : memref<!tpu.dma_semaphore, #tpu.memory_space<semaphore_mem>>)
      %add3A_287 = arith.constant 1 : i32
      %add3A_288 = arith.addi %while3A_231, %add3A_287 : i32
      scf.yield %add3A_288 : i32
    }
    %while3A_220 = arith.constant 0 : i32
    %while3A_221 = arith.constant 0 : i32
    %while3A_222 = arith.subi %while3A_219, %while3A_221 : i32
    %while3A_223 = arith.addi %while3A_221, %while3A_222 : i32
    %while3A_224 = arith.constant 1 : i32
    %while3A_225 = arith.divsi %while3A_222, %while3A_224 : i32
    %while3A_226 = arith.muli %while3A_225, %while3A_224 : i32
    %while3A_227 = arith.addi %while3A_221, %while3A_226 : i32
    %while3A_228 = arith.constant 1 : i32
    scf.for %while3A_230 = %while3A_221 to %while3A_227 step %while3A_228  : i32 {
      %dma_wait3A_231 = arith.constant 0 : i32
      %dma_wait3A_232 = arith.constant 0 : i32
      %dma_wait3A_233 = arith.constant 0 : i32
      %dma_wait3A_234 = tpu.memref_slice %arg15[%dma_wait3A_232, %dma_wait3A_233] : memref<656x64xf32, #tpu.memory_space<vmem>> -> memref<1x64xf32, #tpu.memory_space<vmem>>
      %dma_wait3A_235 = tpu.memref_squeeze %dma_wait3A_234 : memref<1x64xf32, #tpu.memory_space<vmem>> -> memref<64xf32, #tpu.memory_space<vmem>>
      %dma_wait3A_236 = arith.constant 0 : i32
      %dma_wait3A_237 = tpu.memref_slice %arg7[%dma_wait3A_231, %dma_wait3A_236] : memref<16384x64xf32, #tpu.memory_space<hbm>> -> memref<1x64xf32, #tpu.memory_space<hbm>>
      %dma_wait3A_238 = tpu.memref_squeeze %dma_wait3A_237 : memref<1x64xf32, #tpu.memory_space<hbm>> -> memref<64xf32, #tpu.memory_space<hbm>>
      %dma_wait3A_239 = arith.constant 0 : i32
      %dma_wait3A_240 = tpu.memref_slice %arg15[%dma_wait3A_232, %dma_wait3A_239] : memref<656x64xf32, #tpu.memory_space<vmem>> -> memref<1x64xf32, #tpu.memory_space<vmem>>
      %dma_wait3A_241 = tpu.memref_squeeze %dma_wait3A_240 : memref<1x64xf32, #tpu.memory_space<vmem>> -> memref<64xf32, #tpu.memory_space<vmem>>
      %dma_wait3A_242 = arith.constant 0 : i32
      %dma_wait3A_243 = tpu.memref_slice %arg7[%dma_wait3A_231, %dma_wait3A_242] : memref<16384x64xf32, #tpu.memory_space<hbm>> -> memref<1x64xf32, #tpu.memory_space<hbm>>
      %dma_wait3A_244 = tpu.memref_squeeze %dma_wait3A_243 : memref<1x64xf32, #tpu.memory_space<hbm>> -> memref<64xf32, #tpu.memory_space<hbm>>
      tpu.wait_dma2 semaphore(%arg19 : memref<!tpu.dma_semaphore, #tpu.memory_space<semaphore_mem>>) src(%dma_wait3A_244 : memref<64xf32, #tpu.memory_space<hbm>>) dst(%dma_wait3A_241 : memref<64xf32, #tpu.memory_space<vmem>>)
    }
    %while3A_229 = arith.constant 1 : i32
    scf.for %while3A_230 = %while3A_227 to %while3A_223 step %while3A_229  : i32 {
      %dma_wait3A_231 = arith.constant 0 : i32
      %dma_wait3A_232 = arith.constant 0 : i32
      %dma_wait3A_233 = arith.constant 0 : i32
      %dma_wait3A_234 = tpu.memref_slice %arg15[%dma_wait3A_232, %dma_wait3A_233] : memref<656x64xf32, #tpu.memory_space<vmem>> -> memref<1x64xf32, #tpu.memory_space<vmem>>
      %dma_wait3A_235 = tpu.memref_squeeze %dma_wait3A_234 : memref<1x64xf32, #tpu.memory_space<vmem>> -> memref<64xf32, #tpu.memory_space<vmem>>
      %dma_wait3A_236 = arith.constant 0 : i32
      %dma_wait3A_237 = tpu.memref_slice %arg7[%dma_wait3A_231, %dma_wait3A_236] : memref<16384x64xf32, #tpu.memory_space<hbm>> -> memref<1x64xf32, #tpu.memory_space<hbm>>
      %dma_wait3A_238 = tpu.memref_squeeze %dma_wait3A_237 : memref<1x64xf32, #tpu.memory_space<hbm>> -> memref<64xf32, #tpu.memory_space<hbm>>
      %dma_wait3A_239 = arith.constant 0 : i32
      %dma_wait3A_240 = tpu.memref_slice %arg15[%dma_wait3A_232, %dma_wait3A_239] : memref<656x64xf32, #tpu.memory_space<vmem>> -> memref<1x64xf32, #tpu.memory_space<vmem>>
      %dma_wait3A_241 = tpu.memref_squeeze %dma_wait3A_240 : memref<1x64xf32, #tpu.memory_space<vmem>> -> memref<64xf32, #tpu.memory_space<vmem>>
      %dma_wait3A_242 = arith.constant 0 : i32
      %dma_wait3A_243 = tpu.memref_slice %arg7[%dma_wait3A_231, %dma_wait3A_242] : memref<16384x64xf32, #tpu.memory_space<hbm>> -> memref<1x64xf32, #tpu.memory_space<hbm>>
      %dma_wait3A_244 = tpu.memref_squeeze %dma_wait3A_243 : memref<1x64xf32, #tpu.memory_space<hbm>> -> memref<64xf32, #tpu.memory_space<hbm>>
      tpu.wait_dma2 semaphore(%arg19 : memref<!tpu.dma_semaphore, #tpu.memory_space<semaphore_mem>>) src(%dma_wait3A_244 : memref<64xf32, #tpu.memory_space<hbm>>) dst(%dma_wait3A_241 : memref<64xf32, #tpu.memory_space<vmem>>)
    }
    return
  }
}

module attributes {stable_mosaic.version = 14 : i64} {
  func.func @_mlp_body(%arg0: i32, %arg1: memref<2048x64xf32, #tpu.memory_space<vmem>>, %arg2: memref<2048x64xf32, #tpu.memory_space<vmem>>, %arg3: memref<2048xi32, #tpu.memory_space<vmem>>, %arg4: memref<1024x64xf32, #tpu.memory_space<vmem>>, %arg5: memref<64x128xf32, #tpu.memory_space<vmem>>, %arg6: memref<64x128xf32, #tpu.memory_space<vmem>>, %arg7: memref<64x128xf32, #tpu.memory_space<vmem>>, %arg8: memref<1x128xf32, #tpu.memory_space<vmem>>, %arg9: memref<128x64xf32, #tpu.memory_space<vmem>>, %arg10: memref<1x64xf32, #tpu.memory_space<vmem>>, %arg11: memref<1x64xf32, #tpu.memory_space<vmem>>, %arg12: memref<1x1xf32, #tpu.memory_space<vmem>>, %arg13: memref<2048xf32, #tpu.memory_space<vmem>>) attributes {dimension_semantics = [#tpu.dimension_semantics<arbitrary>], iteration_bounds = array<i64: 8>, scalar_prefetch = 0 : i64, scratch_operands = 0 : i64, tpu.core_type = #tpu.core_type<tc>, window_params = [{transform_indices = @transform_0, window_bounds = array<i64: 2048, 64>}, {transform_indices = @transform_1, window_bounds = array<i64: 2048, 64>}, {transform_indices = @transform_2, window_bounds = array<i64: 2048>}, {pipeline_mode = #tpu.pipeline_mode<synchronous>, transform_indices = @transform_3, window_bounds = array<i64: 1024, 64>}, {pipeline_mode = #tpu.pipeline_mode<synchronous>, transform_indices = @transform_4, window_bounds = array<i64: 64, 128>}, {pipeline_mode = #tpu.pipeline_mode<synchronous>, transform_indices = @transform_5, window_bounds = array<i64: 64, 128>}, {pipeline_mode = #tpu.pipeline_mode<synchronous>, transform_indices = @transform_6, window_bounds = array<i64: 64, 128>}, {pipeline_mode = #tpu.pipeline_mode<synchronous>, transform_indices = @transform_7, window_bounds = array<i64: 1, 128>}, {pipeline_mode = #tpu.pipeline_mode<synchronous>, transform_indices = @transform_8, window_bounds = array<i64: 128, 64>}, {pipeline_mode = #tpu.pipeline_mode<synchronous>, transform_indices = @transform_9, window_bounds = array<i64: 1, 64>}, {pipeline_mode = #tpu.pipeline_mode<synchronous>, transform_indices = @transform_10, window_bounds = array<i64: 1, 64>}, {pipeline_mode = #tpu.pipeline_mode<synchronous>, transform_indices = @transform_11, window_bounds = array<i64: 1, 1>}, {transform_indices = @transform_12, window_bounds = array<i64: 2048>}]} {
    %iota3A = tpu.iota {dimensions = array<i32: 1>} : vector<2048x1024xi32>
    %get3A = arith.constant 0 : index
    %get3A_0 = vector.load %arg3[%get3A] : memref<2048xi32, #tpu.memory_space<vmem>>, vector<2048xi32>
    %reshape3A = vector.shape_cast %get3A_0 : vector<2048xi32> to vector<2048x1xi32>
    %eq3A = vector.broadcast %reshape3A : vector<2048x1xi32> to vector<2048x1024xi32>
    %eq3A_1 = arith.cmpi eq, %eq3A, %iota3A : vector<2048x1024xi32>
    %convert_element_type3A = arith.extui %eq3A_1 : vector<2048x1024xi1> to vector<2048x1024xi32>
    %convert_element_type3A_2 = arith.sitofp %convert_element_type3A : vector<2048x1024xi32> to vector<2048x1024xf32>
    %get3A_3 = arith.constant 0 : index
    %get3A_4 = arith.constant 0 : index
    %get3A_5 = vector.load %arg4[%get3A_3, %get3A_4] : memref<1024x64xf32, #tpu.memory_space<vmem>>, vector<1024x64xf32>
    %dot_general3A = arith.constant dense<0.000000e+00> : vector<2048x64xf32>
    %dot_general3A_6 = tpu.matmul %convert_element_type3A_2, %get3A_5, %dot_general3A {dimension_numbers = #tpu.dot_dimension_numbers<[1], [0], [0], [1], [0, 0, 1, 1], [], []>, transpose_lhs_hint = false} : vector<2048x1024xf32>, vector<1024x64xf32>, vector<2048x64xf32> -> vector<2048x64xf32>
    %get3A_7 = arith.constant 0 : index
    %get3A_8 = arith.constant 0 : index
    %get3A_9 = vector.load %arg1[%get3A_7, %get3A_8] : memref<2048x64xf32, #tpu.memory_space<vmem>>, vector<2048x64xf32>
    %get3A_10 = arith.constant 0 : index
    %get3A_11 = arith.constant 0 : index
    %get3A_12 = vector.load %arg5[%get3A_10, %get3A_11] : memref<64x128xf32, #tpu.memory_space<vmem>>, vector<64x128xf32>
    %dot_general3A_13 = arith.constant dense<0.000000e+00> : vector<2048x128xf32>
    %dot_general3A_14 = tpu.matmul %get3A_9, %get3A_12, %dot_general3A_13 {dimension_numbers = #tpu.dot_dimension_numbers<[1], [0], [0], [1], [0, 0, 1, 1], [], []>, transpose_lhs_hint = false} : vector<2048x64xf32>, vector<64x128xf32>, vector<2048x128xf32> -> vector<2048x128xf32>
    %get3A_15 = arith.constant 0 : index
    %get3A_16 = arith.constant 0 : index
    %get3A_17 = vector.load %arg2[%get3A_15, %get3A_16] : memref<2048x64xf32, #tpu.memory_space<vmem>>, vector<2048x64xf32>
    %get3A_18 = arith.constant 0 : index
    %get3A_19 = arith.constant 0 : index
    %get3A_20 = vector.load %arg6[%get3A_18, %get3A_19] : memref<64x128xf32, #tpu.memory_space<vmem>>, vector<64x128xf32>
    %dot_general3A_21 = arith.constant dense<0.000000e+00> : vector<2048x128xf32>
    %dot_general3A_22 = tpu.matmul %get3A_17, %get3A_20, %dot_general3A_21 {dimension_numbers = #tpu.dot_dimension_numbers<[1], [0], [0], [1], [0, 0, 1, 1], [], []>, transpose_lhs_hint = false} : vector<2048x64xf32>, vector<64x128xf32>, vector<2048x128xf32> -> vector<2048x128xf32>
    %add3A = arith.addf %dot_general3A_14, %dot_general3A_22 : vector<2048x128xf32>
    %get3A_23 = arith.constant 0 : index
    %get3A_24 = arith.constant 0 : index
    %get3A_25 = vector.load %arg7[%get3A_23, %get3A_24] : memref<64x128xf32, #tpu.memory_space<vmem>>, vector<64x128xf32>
    %dot_general3A_26 = arith.constant dense<0.000000e+00> : vector<2048x128xf32>
    %dot_general3A_27 = tpu.matmul %dot_general3A_6, %get3A_25, %dot_general3A_26 {dimension_numbers = #tpu.dot_dimension_numbers<[1], [0], [0], [1], [0, 0, 1, 1], [], []>, transpose_lhs_hint = false} : vector<2048x64xf32>, vector<64x128xf32>, vector<2048x128xf32> -> vector<2048x128xf32>
    %add3A_28 = arith.addf %add3A, %dot_general3A_27 : vector<2048x128xf32>
    %get3A_29 = arith.constant 0 : index
    %get3A_30 = arith.constant 0 : index
    %get3A_31 = vector.load %arg8[%get3A_29, %get3A_30] : memref<1x128xf32, #tpu.memory_space<vmem>>, vector<1x128xf32>
    %add3A_32 = vector.broadcast %get3A_31 : vector<1x128xf32> to vector<2048x128xf32>
    %add3A_33 = arith.addf %add3A_28, %add3A_32 : vector<2048x128xf32>
    %max3A = arith.constant 0.000000e+00 : f32
    %max3A_34 = vector.broadcast %max3A : f32 to vector<2048x128xf32>
    %max3A_35 = arith.maximumf %add3A_33, %max3A_34 : vector<2048x128xf32>
    %get3A_36 = arith.constant 0 : index
    %get3A_37 = arith.constant 0 : index
    %get3A_38 = vector.load %arg9[%get3A_36, %get3A_37] : memref<128x64xf32, #tpu.memory_space<vmem>>, vector<128x64xf32>
    %dot_general3A_39 = arith.constant dense<0.000000e+00> : vector<2048x64xf32>
    %dot_general3A_40 = tpu.matmul %max3A_35, %get3A_38, %dot_general3A_39 {dimension_numbers = #tpu.dot_dimension_numbers<[1], [0], [0], [1], [0, 0, 1, 1], [], []>, transpose_lhs_hint = false} : vector<2048x128xf32>, vector<128x64xf32>, vector<2048x64xf32> -> vector<2048x64xf32>
    %get3A_41 = arith.constant 0 : index
    %get3A_42 = arith.constant 0 : index
    %get3A_43 = vector.load %arg10[%get3A_41, %get3A_42] : memref<1x64xf32, #tpu.memory_space<vmem>>, vector<1x64xf32>
    %add3A_44 = vector.broadcast %get3A_43 : vector<1x64xf32> to vector<2048x64xf32>
    %add3A_45 = arith.addf %dot_general3A_40, %add3A_44 : vector<2048x64xf32>
    %max3A_46 = arith.constant 0.000000e+00 : f32
    %max3A_47 = vector.broadcast %max3A_46 : f32 to vector<2048x64xf32>
    %max3A_48 = arith.maximumf %add3A_45, %max3A_47 : vector<2048x64xf32>
    %get3A_49 = arith.constant 0 : index
    %get3A_50 = arith.constant 0 : index
    %get3A_51 = vector.load %arg11[%get3A_49, %get3A_50] : memref<1x64xf32, #tpu.memory_space<vmem>>, vector<1x64xf32>
    %mul3A = vector.broadcast %get3A_51 : vector<1x64xf32> to vector<2048x64xf32>
    %mul3A_52 = arith.mulf %max3A_48, %mul3A : vector<2048x64xf32>
    %reduce_sum3A = arith.constant dense<0.000000e+00> : vector<2048xf32>
    %reduce_sum3A_53 = vector.multi_reduction <add>, %mul3A_52, %reduce_sum3A [1] : vector<2048x64xf32> to vector<2048xf32>
    %get3A_54 = arith.constant 0 : index
    %get3A_55 = arith.constant 0 : index
    %get3A_56 = vector.load %arg12[%get3A_54, %get3A_55] : memref<1x1xf32, #tpu.memory_space<vmem>>, vector<1x1xf32>
    %get3A_57 = vector.extract %get3A_56[0, 0] : f32 from vector<1x1xf32>
    %add3A_58 = vector.broadcast %get3A_57 : f32 to vector<2048xf32>
    %add3A_59 = arith.addf %reduce_sum3A_53, %add3A_58 : vector<2048xf32>
    %swap3A = arith.constant 0 : index
    %swap3A_60 = vector.load %arg13[%swap3A] : memref<2048xf32, #tpu.memory_space<vmem>>, vector<2048xf32>
    tpu.vector_store %arg13[%swap3A], %add3A_59 {strides = array<i32>} : memref<2048xf32, #tpu.memory_space<vmem>>, vector<2048xf32>,
    return
  }
  func.func @transform_0(%arg0: i32) -> (i32, i32) {
    %c0_i32 = arith.constant 0 : i32
    %c0_i32_0 = arith.constant 0 : i32
    return %arg0, %c0_i32 : i32, i32
  }
  func.func @transform_1(%arg0: i32) -> (i32, i32) {
    %c0_i32 = arith.constant 0 : i32
    %c0_i32_0 = arith.constant 0 : i32
    return %arg0, %c0_i32 : i32, i32
  }
  func.func @transform_2(%arg0: i32) -> i32 {
    %c0_i32 = arith.constant 0 : i32
    return %arg0 : i32
  }
  func.func @transform_3(%arg0: i32) -> (i32, i32) {
    %c0_i32 = arith.constant 0 : i32
    %c0_i32_0 = arith.constant 0 : i32
    %c0_i32_1 = arith.constant 0 : i32
    return %c0_i32, %c0_i32_0 : i32, i32
  }
  func.func @transform_4(%arg0: i32) -> (i32, i32) {
    %c0_i32 = arith.constant 0 : i32
    %c0_i32_0 = arith.constant 0 : i32
    %c0_i32_1 = arith.constant 0 : i32
    return %c0_i32, %c0_i32_0 : i32, i32
  }
  func.func @transform_5(%arg0: i32) -> (i32, i32) {
    %c0_i32 = arith.constant 0 : i32
    %c0_i32_0 = arith.constant 0 : i32
    %c0_i32_1 = arith.constant 0 : i32
    return %c0_i32, %c0_i32_0 : i32, i32
  }
  func.func @transform_6(%arg0: i32) -> (i32, i32) {
    %c0_i32 = arith.constant 0 : i32
    %c0_i32_0 = arith.constant 0 : i32
    %c0_i32_1 = arith.constant 0 : i32
    return %c0_i32, %c0_i32_0 : i32, i32
  }
  func.func @transform_7(%arg0: i32) -> (i32, i32) {
    %c0_i32 = arith.constant 0 : i32
    %c0_i32_0 = arith.constant 0 : i32
    %c0_i32_1 = arith.constant 0 : i32
    return %c0_i32, %c0_i32_0 : i32, i32
  }
  func.func @transform_8(%arg0: i32) -> (i32, i32) {
    %c0_i32 = arith.constant 0 : i32
    %c0_i32_0 = arith.constant 0 : i32
    %c0_i32_1 = arith.constant 0 : i32
    return %c0_i32, %c0_i32_0 : i32, i32
  }
  func.func @transform_9(%arg0: i32) -> (i32, i32) {
    %c0_i32 = arith.constant 0 : i32
    %c0_i32_0 = arith.constant 0 : i32
    %c0_i32_1 = arith.constant 0 : i32
    return %c0_i32, %c0_i32_0 : i32, i32
  }
  func.func @transform_10(%arg0: i32) -> (i32, i32) {
    %c0_i32 = arith.constant 0 : i32
    %c0_i32_0 = arith.constant 0 : i32
    %c0_i32_1 = arith.constant 0 : i32
    return %c0_i32, %c0_i32_0 : i32, i32
  }
  func.func @transform_11(%arg0: i32) -> (i32, i32) {
    %c0_i32 = arith.constant 0 : i32
    %c0_i32_0 = arith.constant 0 : i32
    %c0_i32_1 = arith.constant 0 : i32
    return %c0_i32, %c0_i32_0 : i32, i32
  }
  func.func @transform_12(%arg0: i32) -> i32 {
    %c0_i32 = arith.constant 0 : i32
    return %arg0 : i32
  }
}

</mosaic_0001>

<sc_bundles>
// kernel: kernel.4.cloned.1.call-start
scs
__scs_entry_jumppad:
0x0: {  	(pc) =	sbr.rel $0x88, $3  }
0x1: {  	(tag) =	ssettag $0x0;
	lr =	simm.s32 $0x1  }
0x2: {  	[smem:$0x3F95] =	sst lr;
	_ =	strace $0xD0000000  }
0x3: {  	_ = 	snop  }
0x4: {  	_ = 	snop  }
0x5: {  	_ = 	snop  }
0x6: {  	_ = 	snop  }
0x7: {  	_ = 	snop  }
__scs_overlays_trampoline_lowered:
0x8: {  	[smem:$0x3FA4] =	sst s0  }
0x9: {  	[smem:$0x3FA5] =	sst s1  }
0xa: {  	[smem:$0x3FA6] =	sst s2  }
0xb: {  	[smem:$0x3FA7] =	sst s3  }
0xc: {  	[smem:$0x3FA8] =	sst s4  }
0xd: {  	[smem:$0x3FA9] =	sst s5  }
0xe: {  	[smem:$0x3FAA] =	sst s6  }
0xf: {  	[smem:$0x3FAB] =	sst s7  }
0x10: {  	[smem:$0x3FAC] =	sst s8  }
0x11: {  	[smem:$0x3FAD] =	sst s9;
	s0 =	simm.s32 @!p0 $0x0  }
0x12: {  	s1 =	sld [smem:$0x3F93];
	s0 =	simm.s32 @p0 $0x1  }
0x13: {  	[smem:$0x3FAE] =	sst s0;
	s0 =	simm.s32 @!p1 $0x0  }
0x14: {  	s2 =	sld [smem:$0x3F92];
	s0 =	simm.s32 @p1 $0x1  }
0x15: {  	[smem:$0x3FAF] =	sst s0;
	s0 =	simm.s32 @!p2 $0x0  }
0x16: {  	s3 =	sld [smem:$0x3FDB];
	s0 =	simm.s32 @p2 $0x1  }
0x17: {  	s4 =	simm.s32 $0x1BF5;
	[smem:$0x3FB1] =	sst s0  }
0x18: {  	s0 =	sld [smem:$0x3F94];
	_ =	swait.ge [sflag:s4], $0x0  }
0x19: {  	s7 =	sld [smem:$0x3F95]  }
0x1a: {  	s8 =	sadd.s32 $0xFFFFE003, lr  }
0x1b: {  	s9 =	sadd.s32 $0xFFFFFEF7, lr;
	s5 =	simm.s32 $0xFFFFFFFF;
	p2 =	slt.u32 s8, $0xFFFFF086  }
0x1c: {  	p1 =	slt.u32 s9, $0xF7A;
	s5 =	simm.s32 @!p2 $0x0  }
0x1d: {  	s5 =	simm.s32 @p1 $0x1;
	p0 =	seq.s32 s7, s2  }
0x1e: {  	s7 =	smul.u32 @!p0 $0xF7A, s2;
	p2 =	seq.s32 @!p0 s5, $0x0  }
0x1f: {  	s9 =	smul.u32 $0xF7A, s1;
	s8 =	simm.s32 @!p0 $0x1BF5;
	p2 =	por !p2, p0  }
0x20: {  	[sflag:s8] =	ssyncset.s32 @!p0 $0xFFFFF086;
	s6 =	sadd.s32 @!p0 s3, s7;
	s7 =	simm.s32 @!p0 $0x108  }
0x21: {  	s3 =	sadd.s32 s3, s9;
	s6 =	sadd.s32 @!p0 $0x88, s6;
	s7 =	simm.s32 @p2 $0x1082  }
0x22: {  	[simem:s7], [sflag:s8] =	dma.local @!p0 [hbm:s6], $0xF7A  }
0x23: {  	s9 =	sor.u32 $0xD0000000, s2;
	s6 =	simm.s32 $0x108;
	_ =	swait.ge @!p0 [sflag:s8], $0x0  }
0x24: {  	s3 =	sadd.s32 $0x88, s3;
	s6 =	simm.s32 @!p1 $0x1082;
	[sflag:s4] =	ssyncset.s32 $0xFFFFF086  }
0x25: {  	[simem:s6], [sflag:s4] =	dma.local [hbm:s3], $0xF7A  }
0x26: {  	[smem:$0x3F95] =	sst s1;
	(tag) =	ssettag s2;
	_ =	strace s9  }
0x27: {  	s1 =	sld [smem:$0x3FA5]  }
0x28: {  	s2 =	sld [smem:$0x3FA6]  }
0x29: {  	s4 =	sld [smem:$0x3FA8]  }
0x2a: {  	p0 =	seq.s32 s5, $0x0;
	s5 =	sld [smem:$0x3FA9]  }
0x2b: {  	s6 =	sld [smem:$0x3FAA]  }
0x2c: {  	s7 =	sld [smem:$0x3FAB]  }
0x2d: {  	s3 =	simm.s32 $0x108;
	s8 =	sld [smem:$0x3FAC]  }
0x2e: {  	s3 =	simm.s32 @!p0 $0x1082;
	s9 =	sld [smem:$0x3FAD]  }
0x2f: {  	lr =	sadd.s32 s0, s3;
	s0 =	sld [smem:$0x3FA4]  }
0x30: {  	s3 =	sld [smem:$0x3FA7]  }
0x31: {  	[smem:$0x3FB0] =	sst s10  }
0x32: {  	s10 =	sld [smem:$0x3FAE];
	_ =	sdelay $0x3  }
0x33: {  	p0 =	seq.s32 s10, $0x1;
	s10 =	sld [smem:$0x3FB0];
	_ =	sdelay $0x3  }
0x34: {  	[smem:$0x3FB0] =	sst s10  }
0x35: {  	s10 =	sld [smem:$0x3FAF];
	_ =	sdelay $0x3  }
0x36: {  	p1 =	seq.s32 s10, $0x1;
	s10 =	sld [smem:$0x3FB0];
	_ =	sdelay $0x3  }
0x37: {  	[smem:$0x3FB0] =	sst s10  }
0x38: {  	s10 =	sld [smem:$0x3FB1]  }
0x39: {  	_ = 	snop;
	(pc) =	sbr.ind lr, $3  }
0x3a: {  	_ = 	snop  }
0x3b: {  	_ = 	snop  }
0x3c: {  	p2 =	seq.s32 s10, $0x1;
	s10 =	sld [smem:$0x3FB0]  }
0x3d: {  	_ =	shalt  }
0x3e: {  	_ =	shalt  }
0x3f: {  	_ =	shalt  }
0x40: {  	_ =	shalt  }
0x41: {  	_ =	shalt  }
0x42: {  	_ =	shalt  }
0x43: {  	_ =	shalt  }
0x44: {  	_ =	shalt  }
0x45: {  	_ =	shalt  }
0x46: {  	_ =	shalt  }
0x47: {  	_ =	shalt  }
0x48: {  	_ =	shalt  }
0x49: {  	_ =	shalt  }
0x4a: {  	_ =	shalt  }
0x4b: {  	_ =	shalt  }
0x4c: {  	_ =	shalt  }
0x4d: {  	_ =	shalt  }
0x4e: {  	_ =	shalt  }
0x4f: {  	_ =	shalt  }
0x50: {  	_ =	shalt  }
0x51: {  	_ =	shalt  }
0x52: {  	_ =	shalt  }
0x53: {  	_ =	shalt  }
0x54: {  	_ =	shalt  }
0x55: {  	_ =	shalt  }
0x56: {  	_ =	shalt  }
0x57: {  	_ =	shalt  }
0x58: {  	_ =	shalt  }
0x59: {  	_ =	shalt  }
0x5a: {  	_ =	shalt  }
0x5b: {  	_ =	shalt  }
0x5c: {  	_ =	shalt  }
0x5d: {  	_ =	shalt  }
0x5e: {  	_ =	shalt  }
0x5f: {  	_ =	shalt  }
0x60: {  	_ =	shalt  }
0x61: {  	_ =	shalt  }
0x62: {  	_ =	shalt  }
0x63: {  	_ =	shalt  }
0x64: {  	_ =	shalt  }
0x65: {  	_ =	shalt  }
0x66: {  	_ =	shalt  }
0x67: {  	_ =	shalt  }
0x68: {  	_ =	shalt  }
0x69: {  	_ =	shalt  }
0x6a: {  	_ =	shalt  }
0x6b: {  	_ =	shalt  }
0x6c: {  	_ =	shalt  }
0x6d: {  	_ =	shalt  }
0x6e: {  	_ =	shalt  }
0x6f: {  	_ =	shalt  }
0x70: {  	_ =	shalt  }
0x71: {  	_ =	shalt  }
0x72: {  	_ =	shalt  }
0x73: {  	_ =	shalt  }
0x74: {  	_ =	shalt  }
0x75: {  	_ =	shalt  }
0x76: {  	_ =	shalt  }
0x77: {  	_ =	shalt  }
0x78: {  	_ =	shalt  }
0x79: {  	_ =	shalt  }
0x7a: {  	_ =	shalt  }
0x7b: {  	_ =	shalt  }
0x7c: {  	_ =	shalt  }
0x7d: {  	_ =	shalt  }
0x7e: {  	_ =	shalt  }
0x7f: {  	_ =	shalt  }
0x80: {  	_ =	shalt  }
0x81: {  	_ =	shalt  }
0x82: {  	_ =	shalt  }
0x83: {  	_ =	shalt  }
0x84: {  	_ =	shalt  }
0x85: {  	_ =	shalt  }
0x86: {  	_ =	shalt  }
0x87: {  	_ =	shalt  }
.Lfunc_end0:
.L_simem_size_0:
called_computation_lowered:
.L_overlay_start_0:
0x88: {  	s2 =	sld [smem:$0x3FD9]  }
0x89: {  	s3 =	sld [smem:$0x3FFE];
	_ =	sdelay $0x1  }
0x8a: {  	s1 =	srdreg.scid  }
0x8b: {  	s0 =	sand.u32 $0x1, s1  }
0x8c: {  	s17 =	sshll.u32 s0, $0xA;
	s2 =	sadd.s32 s3, s2  }
0x8d: {  	s2 =	sadd.s32 s2, s17  }
0x8e: {  	[smem:$0x3FBC] =	sst s2  }
0x8f: {  	_ = 	snop  }
0x90: {  	s2 =	sld [smem:$0x3FC9]  }
0x91: {  	s18 =	sld [smem:$0x3FC8]  }
0x92: {  	s4 =	sld [smem:$0x3FC6]  }
0x93: {  	s5 =	sld [smem:$0x3FC5];
	(tm) =	ssettm $0x1  }
0x94: {  	s6 =	sld [smem:$0x3FFB];
	_ =	sdelay $0x3  }
0x95: {  	_ =	strace s6  }
0x96: {  	s6 =	sld [smem:$0x3FFC];
	_ =	sdelay $0x3  }
0x97: {  	_ =	strace s6  }
0x98: {  	s6 =	sld [smem:$0x3FFD];
	_ =	sdelay $0x3  }
0x99: {  	_ =	strace s6  }
0x9a: {  	_ =	strace $0x8FFFFFFF  }
0x9b: {  	s19 =	sld [smem:$0x3FDB];
	_ =	sdelay $0x1  }
0x9c: {  	s7 =	simm.s32 $_scs_section_size  }
0x9d: {  	s8 =	simm.s32 $_size__tile_overlayer_lowered;
	s9 =	simm.s32 $_tile_overlayer_lowered  }
0x9e: {  	s22 =	simm.s32 $0x1BFF;
	s21 =	sshll.u32 s9, $0x1;
	s6 =	sadd.s32 s7, s19  }
0x9f: {  	s10 =	simm.s32 $0x0;
	s20 =	sshll.u32 s8, $0x1;
	s8 =	sadd.s32 s21, s6  }
0xa0: {  	[timem:s10], [sflag:s22] =	dma.local [hbm:s8], s20  }
0xa1: {  	_ =	swait.ge [sflag:s22], s20  }
0xa2: {  	s7 =	ssub.s32 $0x0, s20;
	[sflag:s22] =	ssyncset.done $0x0  }
0xa3: {  	[sflag:s22] =	ssyncadd.s32 s7;
	_ =	sdelay $0x1  }
0xa4: {  	s23 =	simm.s32 $0x1B8B  }
0xa5: {  	_ =	swait.ge [sflag:s23], $0x1  }
0xa6: {  	[sflag:s23] =	ssyncset.done $0x0  }
0xa7: {  	s25 =	simm.s32 $0x1B8E;
	s24 =	sld [smem:$0x3FFE];
	[sflag:s23] =	ssyncadd.s32 $0xFFFFFFFF  }
0xa8: {  	s26 =	simm.s32 $execute0_lowered;
	[smem:$0x3FD2] =	sst s25  }
0xa9: {  	s8 =	sshll.u32 s26, $0x1;
	_ =	strace $0x80000046;
	[dreg:$0x1] =	wrdreg $0xFFFFFFFF  }
0xaa: {  	s28 =	simm.s32 $_size_execute0_lowered;
	s6 =	sadd.s32 s6, s8;
	[dreg:$0x0] =	wrdreg $0x0  }
0xab: {  	s8 =	sshll.u32 s28, $0x1;
	[dreg:$0x2] =	wrdreg s6  }
0xac: {  	[dreg:$0x3] =	wrdreg s8  }
0xad: {  	[dreg:$0x4] =	wrdreg $0xC0  }
0xae: {  	_ =	task [dreg:s10], $0x5FFFF  }
0xaf: {  	[dreg:$0x1] =	wrdreg $0xFFFFFFFF  }
0xb0: {  	[dreg:$0x0] =	wrdreg $0x60  }
0xb1: {  	[dreg:$0x2] =	wrdreg s2  }
0xb2: {  	[dreg:$0x3] =	wrdreg s18  }
0xb3: {  	[dreg:$0x4] =	wrdreg s4  }
0xb4: {  	[dreg:$0x5] =	wrdreg s5  }
0xb5: {  	[dreg:$0x6] =	wrdreg s24  }
0xb6: {  	[dreg:$0x7] =	wrdreg $0x9  }
0xb7: {  	_ =	task.clear_ibuf [dreg:s10], $0x8FFFF;
	_ =	strace $0x90000046  }
0xb8: {  	s29 =	simm.s32 $0x9;
	_ =	strace $0x80000048  }
0xb9: {  	_ =	swait.ge [sflag:s29], $0x1  }
0xba: {  	[sflag:s29] =	ssyncadd.s32 $0xFFFFFFFF  }
0xbb: {  	_ =	strace $0x90000048  }
0xbc: {  	_ =	sfence  }
0xbd: {  	s30 =	sld [smem:$0x0];
	_ =	sdelay $0x2  }
0xbe: {  	s31 =	sshll.u32 s1, $0xD;
	s1 =	sshrl.u32 s1, $0x2  }
0xbf: {  	s3 =	sand.u32 $0x4000, s31;
	s1 =	sadd.s32 s1, s30  }
0xc0: {  	s0 =	sor.u32 s3, s0;
	s1 =	sshll.u32 s1, $0x11  }
0xc1: {  	s0 =	sor.u32 s1, s0  }
0xc2: {  	s0 =	sadd.s32 $0x8F2B, s0  }
0xc3: {  	[sflag:s0] =	ssyncadd.remote.s32 $0x1  }
0xc4: {  	_ =	sfence.sel $0xFFFF  }
0xc5: {  	[dreg:$0x0] =	wrdreg $0xFFFFFFFF;
	(pc) =	sbr.abs _section_cstart, $3  }
0xc6: {  	[dreg:$0x1] =	wrdreg $0xFFFFFFFF  }
0xc7: {  	_ =	task.clear_ibuf [dreg:s10], $0x2FFFF;
	_ =	strace $0x9FFFFFFF  }
0xc8: {  	(tm) =	ssettm $0x7FFFFFFF  }
0xc9: {  	_ =	shalt  }
tec
execute0_lowered:
.L_overlay_start_1:
0x0: {  	(tag) =	ssettag $0x1  }
0x1: {  	v0 =	vimm.s32 $0xB80;
	vm14 =	vcmask $0x300;
	vm13 =	vcmask $0x704  }
0x2: {  	vm12 =	vcmask $0xB08;
	vm11 =	vcmask $0xF0C;
	vm10 =	vcmask $0x1310  }
0x3: {  	vm9 =	vcmask $0x1714;
	vm8 =	vcmask $0x1B18;
	vm7 =	vcmask $0x1F1C  }
0x4: {  	vm6 =	vcmask $0x2320;
	vm5 =	vcmask $0x2724;
	vm4 =	vcmask $0x2B28  }
0x5: {  	vm3 =	vcmask $0x2F2C;
	vm1 =	vcmask $0x3330;
	vm2 =	vcmask $0x3734  }
0x6: {  	vm0 =	vcmask $0x3B38;
	v4 =	vlaneseq.u32;
	v6 =	vimm.s32 $0x1B80  }
0x7: {  	s13 =	rddreg [dreg:$0x0];
	v7 =	vimm.s32 $0x2B80;
	v8 =	vimm.s32 $0x3B80;
	v0 =	vsel vm14, $0x0, v0  }
0x8: {  	s6 =	rddreg [dreg:$0x2];
	v6 =	vsel vm14, $0x1000, v6;
	v7 =	vsel vm14, $0x2000, v7;
	v8 =	vsel vm14, $0x3000, v8  }
0x9: {  	s0 =	srdreg.scid;
	s7 =	rddreg [dreg:$0x3];
	v0 =	vsel vm13, $0x80, v0;
	v6 =	vsel vm13, $0x1080, v6;
	v7 =	vsel vm13, $0x2080, v7  }
0xa: {  	s1 =	stileid.u32;
	s19 =	rddreg [dreg:$0x4];
	v8 =	vsel vm13, $0x3080, v8;
	v0 =	vsel vm12, $0x100, v0;
	v6 =	vsel vm12, $0x1100, v6  }
0xb: {  	s8 =	simm.s32 $0x0;
	s0 =	sand.u32 $0x1, s0;
	s1 =	sshll.u32 s1, $0x1;
	v7 =	vsel vm12, $0x2100, v7;
	v8 =	vsel vm12, $0x3100, v8;
	v0 =	vsel vm11, $0x180, v0  }
0xc: {  	s28 =	simm.s32 $0x1;
	s29 =	simm.s32 $0x2;
	s3 =	sor.u32 s0, s1;
	v6 =	vsel vm11, $0x1180, v6;
	v7 =	vsel vm11, $0x2180, v7;
	v8 =	vsel vm11, $0x3180, v8  }
0xd: {  	s30 =	simm.s32 $0x3;
	s31 =	simm.s32 $0xC3800;
	s1 =	smul.u32 $0x7C, s3;
	v0 =	vsel vm10, $0x200, v0;
	v6 =	vsel vm10, $0x1200, v6;
	v7 =	vsel vm10, $0x2200, v7  }
0xe: {  	[smem:$0x7FF] =	sst s8;
	s9 =	sadd.s32 $0x1C00, s19;
	s2 =	smul.u32 $0xE, s3;
	v8 =	vsel vm10, $0x3200, v8;
	v0 =	vsel vm9, $0x280, v0;
	v6 =	vsel vm9, $0x1280, v6  }
0xf: {  	s10 =	sadd.s32 $0x41C00, s19;
	s0 =	ssub.s32 $0x2, s0;
	s5 =	smul.u32 $0x7C00, s3;
	v7 =	vsel vm9, $0x2280, v7;
	v8 =	vsel vm9, $0x3280, v8;
	v0 =	vsel vm8, $0x300, v0  }
0x10: {  	_ =	strace $0x80000047;
	s3 =	smul.u32 $0x1C, s3;
	s20 =	sshrl.u32 s0, $0x1;
	v6 =	vsel vm8, $0x1300, v6;
	v7 =	vsel vm8, $0x2300, v7;
	v8 =	vsel vm8, $0x3300, v8  }
0x11: {  	s0 =	ssub.s32 s0, s20;
	s20 =	simm.s32 $0x1680;
	s5 =	sadd.s32 s6, s5;
	v0 =	vsel vm7, $0x380, v0;
	v6 =	vsel vm7, $0x1380, v6;
	v7 =	vsel vm7, $0x2380, v7  }
0x12: {  	s4 =	sadd.s32 $0x7C, s1;
	s22 =	sor.u32 $0x2, s1;
	[dreg:$0x6] =	wrdreg s5;
	v8 =	vsel vm7, $0x3380, v8;
	v0 =	vsel vm6, $0x800, v0;
	v6 =	vsel vm6, $0x1800, v6  }
0x13: {  	s18 =	sadd.s32 $0xE, s2;
	s23 =	sor.u32 $0x3, s1;
	[dreg:$0x8] =	wrdreg s22;
	v7 =	vsel vm6, $0x2800, v7;
	v8 =	vsel vm6, $0x3800, v8;
	v0 =	vsel vm5, $0x880, v0  }
0x14: {  	s21 =	sor.u32 $0x2, s3;
	s25 =	sadd.s32 $0x2, s2;
	[dreg:$0x9] =	wrdreg s23;
	v6 =	vsel vm5, $0x1880, v6;
	v7 =	vsel vm5, $0x2880, v7;
	v8 =	vsel vm5, $0x3880, v8  }
0x15: {  	s3 =	smin.u32 s3, $0x30C;
	s26 =	sadd.s32 $0x3, s2;
	[dreg:$0xc] =	wrdreg s25;
	v1 =	vsel vm4, $0x900, v0;
	v0 =	vmov s1;
	v6 =	vsel vm4, $0x1900, v6  }
0x16: {  	s0 =	smax.u32 s0, $0x1;
	s5 =	sadd.s32 $0x100, s5;
	[dreg:$0xd] =	wrdreg s26;
	v7 =	vsel vm4, $0x2900, v7;
	v8 =	vsel vm4, $0x3900, v8;
	v2 =	vsel vm3, $0x980, v1  }
0x17: {  	s3 =	sshll.u32 s3, $0x7;
	[dreg:$0xe] =	wrdreg s0;
	s22 =	simm.s32 $0x800;
	v1 =	vmov s4;
	v6 =	vsel vm3, $0x1980, v6;
	v7 =	vsel vm3, $0x2980, v7  }
.Ltmp0:
0x18: {  	s23 =	simm.s32 $0x4;
	s25 =	simm.s32 $0x2E80;
	v8 =	vsel vm3, $0x3980, v8;
	v3 =	vsel vm1, $0xA00, v2;
	v2 =	vmov s2;
	(pc) =	sbr.rel .LBB2_1-.Ltmp0, $4  }
0x19: {  	[dreg:$0x7] =	wrdreg s5;
	s3 =	sadd.s32 s7, s3;
	s4 =	smin.u32 s21, $0x30C;
	v6 =	vsel vm1, $0x1A00, v6;
	v7 =	vsel vm1, $0x2A00, v7;
	v8 =	vsel vm1, $0x3A00, v8  }
0x1a: {  	s26 =	simm.s32 $0x6E80;
	[dreg:$0xa] =	wrdreg s3;
	s4 =	sshll.u32 s4, $0x7;
	v5 =	vsel vm2, $0xA80, v3;
	v3 =	vmov s18;
	v6 =	vsel vm2, $0x1A80, v6  }
0x1b: {  	s3 =	simm.s32 $0x0;
	s21 =	simm.s32 $0x2280;
	s24 =	sadd.s32 s7, s4;
	v7 =	vsel vm2, $0x2A80, v7;
	v8 =	vsel vm2, $0x3A80, v8;
	v5 =	vsel vm0, $0xB00, v5  }
0x1c: {  	s18 =	smov.u32 s7;
	[dreg:$0xb] =	wrdreg s24;
	s24 =	simm.s32 $0x7A1400;
	v6 =	vsel vm0, $0x1B00, v6;
	v7 =	vsel vm0, $0x2B00, v7;
	v8 =	vsel vm0, $0x3B00, v8  }
.LBB2_73:
0x1d: {  	[sflag:s30] =	ssyncadd.s32 $0xFFFFFF80  }
.LBB2_74:
0x1e: {  	s3 =	sadd.s32 $0x1, s3;
	s0 =	rddreg [dreg:$0xe]  }
0x1f: {  	p0 =	sne.s32 s3, s0  }
.Ltmp1:
0x20: {  	_ = 	snop;
	(pc) =	sbr.rel @!p0 .LBB2_75-.Ltmp1, $1  }
0x21: {  	_ =	sdelay $0x3  }
.LBB2_1:
0x22: {  	[dreg:$0xf] =	wrdreg s3  }
0x23: {  	s3 =	simm.s32 $0x0;
	s0 =	simm.s32 $0x0;
	s4 =	simm.s32 $0x0  }
.LBB2_2:
0x24: {  	s5 =	sshll.u32 s4, $0x9  }
0x25: {  	s6 =	simm.s32 $0x0;
	s5 =	sadd.s32 s13, s5  }
0x26: {  	[tilespmem:s6], [sflag:$0x4] =	stream.linear.gather [hbm4b:s5+s6], $0x1000, $0x38;
	[tilespmem:$0x1F680] =	vst v63  }
0x27: {  	_ =	swait.ge [sflag:s23], $0x1000  }
0x28: {  	[sflag:s23] =	ssyncset.done $0x0  }
0x29: {  	s19 =	simm.s32 $0x0;
	[sflag:s23] =	ssyncadd.s32 $0xFFFFF000  }
0x2a: {  	v9 =	vld [tilespmem:s19+$0x0];
	_ =	sdelay $0x4  }
0x2b: {  	v10 =	vshrl.u32 v9, $0x8  }
0x2c: {  	vm0 =	vge.u32 v10, v0;
	vm1 =	vlt.u32 v10, v1  }
0x2d: {  	vm0 =	vmand vm0, vm1  }
0x2e: {  	v10 =	vmpcnt.ones.xlane vm0;
	_ =	sdelay $0x1  }
0x2f: {  	(v2sf) =	vpush v10, $0x0;
	_ =	sdelay $0x3  }
0x30: {  	[tilespmem:s0+$0x1080] =	vst.msk vm0, v9;
	v9 =	vor.u32 s3, v4  }
0x31: {  	s7 =	simm.s32 $0x10;
	s6 =	simm.s32 $0x80;
	s5 =	smov.u32 s3;
	[tilespmem:s0+$0x1380] =	vst.msk vm0, v9  }
.LBB2_3:
0x32: {  	p0 =	sne.s32 s6, $0x3FC0;
	v9 =	vld [tilespmem:s7+$0x0];
	_ =	sdelay $0x4  }
0x33: {  	v10 =	vshrl.u32 v9, $0x8  }
0x34: {  	vm0 =	vge.u32 v10, v0;
	vm1 =	vlt.u32 v10, v1  }
0x35: {  	vm0 =	vmand vm0, vm1  }
0x36: {  	v10 =	vmpcnt.ones.xlane vm0  }
0x37: {  	s7 =	spop (v2sf)  }
0x38: {  	s5 =	sadd.s32 $0x10, s5;
	(v2sf) =	vpush v10, $0x0;
	s0 =	sadd.s32 s0, s7  }
.Ltmp2:
0x39: {  	[tilespmem:s0+$0x1080] =	vst.msk vm0, v9;
	v9 =	vor.u32 s5, v4;
	(pc) =	sbr.rel @p0 .LBB2_3-.Ltmp2, $2  }
0x3a: {  	[tilespmem:s0+$0x1380] =	vst.msk vm0, v9;
	_ =	sdelay $0x2  }
0x3b: {  	s7 =	sshra.s32 s6, $0x2;
	s6 =	sadd.s32 $0x40, s6  }
0x3c: {  	v9 =	vld [tilespmem:s7+$0x0];
	_ =	sdelay $0x4  }
0x3d: {  	v10 =	vshrl.u32 v9, $0x8  }
0x3e: {  	vm0 =	vge.u32 v10, v0;
	vm1 =	vlt.u32 v10, v1  }
0x3f: {  	vm0 =	vmand vm0, vm1  }
0x40: {  	v10 =	vmpcnt.ones.xlane vm0;
	_ =	sdelay $0x1  }
0x41: {  	(v2sf) =	vpush v10, $0x0;
	_ =	sdelay $0x9  }
0x42: {  	s4 =	sadd.s32 $0x1, s4  }
0x43: {  	p0 =	seq.s32 s4, $0x4  }
.Ltmp3:
0x44: {  	_ = 	snop;
	(pc) =	sbr.rel @!p0 .LBB2_2-.Ltmp3, $4  }
0x45: {  	s6 =	spop (v2sf)  }
0x46: {  	s19 =	sadd.s32 $0x10, s5;
	s6 =	sadd.s32 s0, s6  }
0x47: {  	[tilespmem:s6+$0x1080] =	vst.msk vm0, v9;
	v9 =	vor.u32 s19, v4;
	s5 =	spop (v2sf)  }
0x48: {  	s3 =	sadd.s32 $0x1000, s3;
	[tilespmem:s6+$0x1380] =	vst.msk vm0, v9;
	s0 =	sadd.s32 s6, s5  }
0x49: {  	s3 =	simm.s32 $0x4;
	s4 =	simm.s32 $0x0  }
.LBB2_6:
0x4a: {  	p0 =	seq.s32 s3, $0x1EC  }
0x4b: {  	[smem:s4] =	sst s8;
	s4 =	smov.u32 s3;
	s3 =	sadd.s32 $0x4, s3  }
.Ltmp4:
0x4c: {  	(pc) =	sbr.rel @!p0 .LBB2_6-.Ltmp4, $2  }
0x4d: {  	_ =	sdelay $0x2  }
0x4e: {  	s4 =	sshra.s32 s4, $0x2  }
0x4f: {  	p0 =	slt.s32 s0, $0x1  }
.Ltmp5:
0x50: {  	_ = 	snop;
	(pc) =	sbr.rel @p0 .LBB2_14-.Ltmp5, $2  }
0x51: {  	_ =	sdelay $0x2  }
0x52: {  	[smem:s4] =	sst s8  }
0x53: {  	s3 =	sadd.s32 s6, s5  }
0x54: {  	p1 =	sne.s32 s3, $0x1  }
.Ltmp6:
0x55: {  	_ = 	snop;
	(pc) =	sbr.rel @!p1 .LBB2_9-.Ltmp6, $3  }
0x56: {  	_ =	sdelay $0x1  }
0x57: {  	s4 =	simm.s32 $0x1080  }
0x58: {  	s0 =	simm.s32 $0x1380;
	p0 =	por $0x0, $0x0;
	v9 =	vld [tilespmem:s4+$0x0];
	s3 =	sadd.s32 $0xFFFFFFFF, s3  }
0x59: {  	_ =	sdelay $0x3  }
0x5a: {  	(v2sf) =	vpush v9, $0x0;
	_ =	sdelay $0xe  }
0x5b: {  	s4 =	spop (v2sf)  }
0x5c: {  	s4 =	sshrl.u32 s4, $0x8  }
0x5d: {  	s4 =	ssub.s32 s4, s1  }
0x5e: {  	s5 =	sld [smem:s4+$0x0];
	_ =	sdelay $0x2  }
0x5f: {  	s6 =	smul.u32 $0x18, s4;
	p0 =	slt.s32 s5, $0x17  }
0x60: {  	s7 =	sadd.s32 $0x1, s5;
	s5 =	simm.s32 @!p0 $0x17  }
0x61: {  	s5 =	sadd.s32 s5, s6  }
0x62: {  	v10 =	vmov s5  }
0x63: {  	v11 =	vld.msk [tilespmem:s0+$0x0 ss:$0x0], $0xffff;
	_ =	sdelay $0x1  }
0x64: {  	p1 =	sne.s32 s3, $0x1;
	v9 =	vbroadcast v9, $0x0  }
.Ltmp7:
0x65: {  	_ = 	snop;
	(pc) =	sbr.rel @!p1 .LBB2_11-.Ltmp7, $4  }
0x66: {  	[tilespmem:v10+s20+$0x0] =	vst.idx.msk $0x1, v9  }
0x67: {  	[smem:s4] =	sst s7;
	s4 =	simm.s32 $0x1081;
	[tilespmem:v10+s21+$0x0] =	vst.idx.msk $0x1, v11  }
0x68: {  	v9 =	vld [tilespmem:s4+$0x0]  }
0x69: {  	p0 =	por $0x1, $0x1;
	s5 =	sadd.s32 $0xFFFFFFFF, s3;
	s3 =	simm.s32 $0x1380  }
.LBB2_12:
0x6a: {  	p1 =	sne.s32 s5, $0x1;
	_ =	sdelay $0x2  }
0x6b: {  	(v2sf) =	vpush v9, $0x0;
	_ =	sdelay $0xe  }
0x6c: {  	s6 =	spop (v2sf)  }
0x6d: {  	s6 =	sshrl.u32 s6, $0x8  }
0x6e: {  	s6 =	ssub.s32 s6, s1  }
0x6f: {  	s7 =	sld [smem:s6+$0x0];
	_ =	sdelay $0x2  }
0x70: {  	s11 =	smul.u32 $0x18, s6;
	p2 =	slt.s32 s7, $0x17;
	s12 =	sadd.s32 $0x1, s7  }
0x71: {  	s7 =	simm.s32 @!p2 $0x17;
	[smem:s6] =	sst s12  }
0x72: {  	s3 =	sadd.s32 $0x1, s3;
	s6 =	sadd.s32 s7, s11  }
0x73: {  	v10 =	vmov s6;
	v11 =	vld.msk [tilespmem:s3+$0x0 ss:$0x0], $0xffff;
	_ =	sdelay $0x2  }
0x74: {  	v9 =	vbroadcast v9, $0x0  }
.Ltmp8:
0x75: {  	(pc) =	sbr.rel @p1 .LBB2_12-.Ltmp8, $4  }
0x76: {  	[tilespmem:v10+s20+$0x0] =	vst.idx.msk $0x1, v9  }
0x77: {  	s4 =	sadd.s32 $0x1, s4;
	[tilespmem:v10+s21+$0x0] =	vst.idx.msk $0x1, v11  }
0x78: {  	v9 =	vld [tilespmem:s4+$0x0]  }
0x79: {  	s5 =	sadd.s32 $0xFFFFFFFF, s5  }
.LBB2_13:
0x7a: {  	_ =	sdelay $0x2  }
0x7b: {  	(v2sf) =	vpush v9, $0x0;
	_ =	sdelay $0xe  }
0x7c: {  	s4 =	spop (v2sf)  }
0x7d: {  	s4 =	sshrl.u32 s4, $0x8  }
0x7e: {  	s4 =	ssub.s32 s4, s1  }
0x7f: {  	s5 =	sld [smem:s4+$0x0];
	_ =	sdelay $0x2  }
0x80: {  	s6 =	smul.u32 $0x18, s4;
	p1 =	slt.s32 s5, $0x17  }
0x81: {  	s7 =	sadd.s32 $0x1, s5;
	s5 =	simm.s32 @!p1 $0x17  }
0x82: {  	s3 =	sadd.s32 @p0 $0x1, s3;
	s5 =	sadd.s32 s5, s6  }
0x83: {  	s0 =	smov.u32 @p0 s3;
	v10 =	vmov s5  }
0x84: {  	v11 =	vld.msk [tilespmem:s0+$0x0 ss:$0x0], $0xffff;
	_ =	sdelay $0x1  }
0x85: {  	v9 =	vbroadcast v9, $0x0;
	_ =	sdelay $0x1  }
0x86: {  	[tilespmem:v10+s20+$0x0] =	vst.idx.msk $0x1, v9  }
0x87: {  	[smem:s4] =	sst s7;
	[tilespmem:v10+s21+$0x0] =	vst.idx.msk $0x1, v11  }
.LBB2_14:
0x88: {  	s0 =	rddreg [dreg:$0x6]  }
.Ltmp9:
0x89: {  	s19 =	rddreg [dreg:$0x7];
	(pc) =	sbr.rel .LBB2_15-.Ltmp9, $4  }
0x8a: {  	[tilespmem:s25], [sflag:$0x1] =	stream.strided.gather [hbm4b:s0+s22], $0x4000, s24, s22, $0x38;
	[tilespmem:$0x1F680] =	vst v63  }
0x8b: {  	s12 =	simm.s32 $0x2280;
	s15 =	simm.s32 $0x1680;
	s16 =	simm.s32 $0x2298  }
0x8c: {  	[tilespmem:s26], [sflag:$0x2] =	stream.strided.gather [hbm4b:s19+s22], $0x4000, s24, s22, $0x38;
	[tilespmem:$0x1F680] =	vst v63  }
0x8d: {  	s11 =	simm.s32 $0x0;
	s0 =	simm.s32 $0x0;
	s19 =	simm.s32 $0x1698  }
.LBB2_22:
0x8e: {  	[hbm4b:s14+s8] =	stream.linear.scatter [tilespmem:s3], [sflag:$0x3], $0x80, $0x38;
	[tilespmem:$0x1F680] =	vst v63  }
.LBB2_23:
0x8f: {  	s3 =	rddreg [dreg:$0x9];
	s11 =	sadd.s32 $0x1, s11  }
0x90: {  	s3 =	sadd.s32 s7, s3;
	p0 =	sne.s32 s11, $0x3D  }
.Ltmp10:
0x91: {  	s3 =	sshll.u32 s3, $0x1;
	(pc) =	sbr.rel @!p0 .LBB2_24-.Ltmp10, $4  }
0x92: {  	s4 =	rddreg [dreg:$0x2];
	s3 =	smin.u32 s3, $0x1E83  }
0x93: {  	s12 =	sadd.s32 $0x30, s12;
	s15 =	sadd.s32 $0x30, s15;
	s3 =	sshll.u32 s3, $0x7  }
0x94: {  	s16 =	sadd.s32 $0x30, s16;
	s19 =	sadd.s32 $0x30, s19;
	s3 =	sadd.s32 s4, s3  }
0x95: {  	[tilespmem:s26], [sflag:$0x2] =	stream.strided.gather [hbm4b:s3+s22], $0x4000, s24, s22, $0x38;
	[tilespmem:$0x1F680] =	vst v63  }
.LBB2_15:
0x96: {  	_ =	swait.ge [sflag:s28], $0x4000  }
0x97: {  	[sflag:s28] =	ssyncset.done $0x0  }
0x98: {  	s7 =	sshll.u32 s11, $0x1;
	[sflag:s28] =	ssyncadd.s32 $0xFFFFC000  }
0x99: {  	s4 =	sld [smem:s7+$0x0];
	_ =	sdelay $0x2  }
0x9a: {  	p0 =	slt.s32 s4, $0x1  }
.Ltmp11:
0x9b: {  	_ = 	snop;
	(pc) =	sbr.rel @p0 .LBB2_19-.Ltmp11, $1  }
0x9c: {  	_ =	sdelay $0x3  }
0x9d: {  	v9 =	vld [tilespmem:s15+$0x0];
	_ =	sdelay $0x4  }
0x9e: {  	(v2sf) =	vpush v9, $0x0;
	_ =	sdelay $0xe  }
0x9f: {  	s3 =	spop (v2sf)  }
0xa0: {  	s5 =	sshrl.u32 s3, $0x7  }
0xa1: {  	s5 =	sand.u32 $0x1FFFFFE, s5  }
0xa2: {  	s5 =	smin.u32 s5, $0x1E83  }
0xa3: {  	s5 =	sshll.u32 s5, $0x7  }
0xa4: {  	s3 =	ssub.s32 s3, s5  }
0xa5: {  	v9 =	vmov s3  }
0xa6: {  	v10 =	vshll.u32 v9, $0x3  }
0xa7: {  	v9 =	vand.u32 $0x7F, v9;
	v10 =	vand.u32 $0xFFFFFC00, v10  }
0xa8: {  	v9 =	vor.u32 v9, v10  }
0xa9: {  	v10 =	vadd.s32 v5, v9;
	_ =	sdelay $0x3  }
0xaa: {  	v11 =	vld [tilespmem:s12+$0x0]  }
0xab: {  	v10 =	vld.idx.msk [tilespmem:v10+s25+$0x0], $0xffff  }
0xac: {  	v12 =	vadd.s32 v6, v9  }
0xad: {  	s14 =	sshll.u32 s0, $0x9  }
0xae: {  	s3 =	sshra.s32 s14, $0x2  }
0xaf: {  	s3 =	sadd.s32 $0xAE80, s3  }
0xb0: {  	(v2sf) =	vpush v11, $0x0;
	[tilespmem:s3+$0x0] =	vst v10  }
0xb1: {  	v10 =	vld.idx.msk [tilespmem:v12+s25+$0x0], $0xffff  }
0xb2: {  	v11 =	vadd.s32 v7, v9;
	_ =	sdelay $0x3  }
0xb3: {  	[tilespmem:s3+$0x10] =	vst v10  }
0xb4: {  	v10 =	vld.idx.msk [tilespmem:v11+s25+$0x0], $0xffff  }
0xb5: {  	v9 =	vadd.s32 v8, v9;
	_ =	sdelay $0x2  }
0xb6: {  	p0 =	slt.s32 s4, $0x18  }
0xb7: {  	s4 =	simm.s32 @!p0 $0x18;
	[tilespmem:s3+$0x20] =	vst v10  }
0xb8: {  	p0 =	sne.s32 s4, $0x1;
	v9 =	vld.idx.msk [tilespmem:v9+s25+$0x0], $0xffff  }
.Ltmp12:
0xb9: {  	_ = 	snop;
	(pc) =	sbr.rel @!p0 .LBB2_18-.Ltmp12, $4  }
0xba: {  	s17 =	spop (v2sf)  }
0xbb: {  	s0 =	sadd.s32 s4, s0;
	s5 =	sshll.u32 s17, $0x4  }
0xbc: {  	s4 =	sadd.s32 $0xFFFFFFFF, s4;
	s13 =	sadd.s32 $0x80, s3;
	s6 =	sand.u32 $0x1FFFFFF0, s5  }
0xbd: {  	s5 =	sadd.s32 $0x1, s15;
	s14 =	sadd.s32 s9, s6;
	s6 =	sadd.s32 $0x1, s12;
	[tilespmem:s3+$0x30] =	vst v9  }
.LBB2_17:
0xbe: {  	[hbm4b:s14+s8] =	stream.linear.scatter [tilespmem:s3], [sflag:$0x3], $0x80, $0x38;
	[tilespmem:$0x1F680] =	vst v63  }
0xbf: {  	p0 =	sne.s32 s4, $0x1;
	s4 =	sadd.s32 $0xFFFFFFFF, s4;
	s3 =	smov.u32 s13;
	v9 =	vld [tilespmem:s5+$0x0]  }
0xc0: {  	_ =	sdelay $0x3  }
0xc1: {  	(v2sf) =	vpush v9, $0x0;
	_ =	sdelay $0xe  }
0xc2: {  	s14 =	spop (v2sf)  }
0xc3: {  	s17 =	sshrl.u32 s14, $0x7  }
0xc4: {  	s17 =	sand.u32 $0x1FFFFFE, s17  }
0xc5: {  	s17 =	smin.u32 s17, $0x1E83  }
0xc6: {  	s17 =	sshll.u32 s17, $0x7  }
0xc7: {  	s14 =	ssub.s32 s14, s17  }
0xc8: {  	v9 =	vmov s14  }
0xc9: {  	v10 =	vshll.u32 v9, $0x3  }
0xca: {  	v9 =	vand.u32 $0x7F, v9;
	v10 =	vand.u32 $0xFFFFFC00, v10  }
0xcb: {  	v9 =	vor.u32 v9, v10  }
0xcc: {  	v10 =	vadd.s32 v5, v9;
	_ =	sdelay $0x4  }
0xcd: {  	v10 =	vld.idx.msk [tilespmem:v10+s25+$0x0], $0xffff;
	_ =	sdelay $0x1  }
0xce: {  	v11 =	vadd.s32 v6, v9;
	_ =	sdelay $0x1  }
0xcf: {  	v12 =	vld [tilespmem:s6+$0x0];
	_ =	sdelay $0x1  }
0xd0: {  	[tilespmem:s13+$0x0] =	vst v10  }
0xd1: {  	v10 =	vld.idx.msk [tilespmem:v11+s25+$0x0], $0xffff;
	_ =	sdelay $0x1  }
0xd2: {  	v11 =	vadd.s32 v7, v9;
	(v2sf) =	vpush v12, $0x0;
	_ =	sdelay $0x3  }
0xd3: {  	[tilespmem:s13+$0x10] =	vst v10  }
0xd4: {  	v10 =	vld.idx.msk [tilespmem:v11+s25+$0x0], $0xffff;
	_ =	sdelay $0x1  }
0xd5: {  	v9 =	vadd.s32 v8, v9;
	_ =	sdelay $0x3  }
0xd6: {  	[tilespmem:s13+$0x20] =	vst v10  }
0xd7: {  	v9 =	vld.idx.msk [tilespmem:v9+s25+$0x0], $0xffff;
	_ =	sdelay $0x1  }
.Ltmp13:
0xd8: {  	(pc) =	sbr.rel @p0 .LBB2_17-.Ltmp13, $4  }
0xd9: {  	s14 =	spop (v2sf)  }
0xda: {  	s14 =	sshll.u32 s14, $0x4  }
0xdb: {  	s5 =	sadd.s32 $0x1, s5;
	s14 =	sand.u32 $0x1FFFFFF0, s14  }
0xdc: {  	s6 =	sadd.s32 $0x1, s6;
	s13 =	sadd.s32 $0x80, s13;
	[tilespmem:s3+$0x30] =	vst v9;
	s14 =	sadd.s32 s9, s14  }
.LBB2_18:
0xdd: {  	[hbm4b:s14+s8] =	stream.linear.scatter [tilespmem:s3], [sflag:$0x3], $0x80, $0x38;
	[tilespmem:$0x1F680] =	vst v63  }
.LBB2_19:
0xde: {  	s3 =	rddreg [dreg:$0x8]  }
0xdf: {  	s3 =	sadd.s32 s7, s3  }
0xe0: {  	s3 =	sshll.u32 s3, $0x1  }
0xe1: {  	s3 =	smin.u32 s3, $0x1E83  }
0xe2: {  	s4 =	rddreg [dreg:$0x2];
	s3 =	sshll.u32 s3, $0x7  }
0xe3: {  	s3 =	sadd.s32 s4, s3  }
0xe4: {  	[tilespmem:s25], [sflag:$0x1] =	stream.strided.gather [hbm4b:s3+s22], $0x4000, s24, s22, $0x38;
	[tilespmem:$0x1F680] =	vst v63  }
0xe5: {  	_ =	swait.ge [sflag:s29], $0x4000  }
0xe6: {  	[sflag:s29] =	ssyncset.done $0x0  }
0xe7: {  	[sflag:s29] =	ssyncadd.s32 $0xFFFFC000  }
0xe8: {  	s4 =	sld [smem:s7+$0x1];
	_ =	sdelay $0x2  }
0xe9: {  	p0 =	slt.s32 s4, $0x1  }
.Ltmp14:
0xea: {  	_ = 	snop;
	(pc) =	sbr.rel @p0 .LBB2_23-.Ltmp14, $1  }
0xeb: {  	_ =	sdelay $0x3  }
0xec: {  	v9 =	vld [tilespmem:s19+$0x0];
	_ =	sdelay $0x4  }
0xed: {  	(v2sf) =	vpush v9, $0x0;
	_ =	sdelay $0xe  }
0xee: {  	s3 =	spop (v2sf)  }
0xef: {  	s5 =	sshrl.u32 s3, $0x7  }
0xf0: {  	s5 =	sand.u32 $0x1FFFFFE, s5  }
0xf1: {  	s5 =	smin.u32 s5, $0x1E83  }
0xf2: {  	s5 =	sshll.u32 s5, $0x7  }
0xf3: {  	s3 =	ssub.s32 s3, s5  }
0xf4: {  	v9 =	vmov s3  }
0xf5: {  	v10 =	vshll.u32 v9, $0x3  }
0xf6: {  	v9 =	vand.u32 $0x7F, v9;
	v10 =	vand.u32 $0xFFFFFC00, v10  }
0xf7: {  	v9 =	vor.u32 v9, v10  }
0xf8: {  	v10 =	vadd.s32 v5, v9;
	_ =	sdelay $0x3  }
0xf9: {  	v11 =	vld [tilespmem:s16+$0x0]  }
0xfa: {  	v10 =	vld.idx.msk [tilespmem:v10+s26+$0x0], $0xffff  }
0xfb: {  	v12 =	vadd.s32 v6, v9  }
0xfc: {  	s14 =	sshll.u32 s0, $0x9  }
0xfd: {  	s3 =	sshra.s32 s14, $0x2  }
0xfe: {  	s3 =	sadd.s32 $0xAE80, s3  }
0xff: {  	(v2sf) =	vpush v11, $0x0;
	[tilespmem:s3+$0x0] =	vst v10  }
0x100: {  	v10 =	vld.idx.msk [tilespmem:v12+s26+$0x0], $0xffff  }
0x101: {  	v11 =	vadd.s32 v7, v9;
	_ =	sdelay $0x3  }
0x102: {  	[tilespmem:s3+$0x10] =	vst v10  }
0x103: {  	v10 =	vld.idx.msk [tilespmem:v11+s26+$0x0], $0xffff  }
0x104: {  	v9 =	vadd.s32 v8, v9;
	_ =	sdelay $0x2  }
0x105: {  	p0 =	slt.s32 s4, $0x18  }
0x106: {  	s4 =	simm.s32 @!p0 $0x18;
	[tilespmem:s3+$0x20] =	vst v10  }
0x107: {  	p0 =	sne.s32 s4, $0x1;
	v9 =	vld.idx.msk [tilespmem:v9+s26+$0x0], $0xffff  }
.Ltmp15:
0x108: {  	_ = 	snop;
	(pc) =	sbr.rel @!p0 .LBB2_22-.Ltmp15, $4  }
0x109: {  	s17 =	spop (v2sf)  }
0x10a: {  	s0 =	sadd.s32 s4, s0;
	s5 =	sshll.u32 s17, $0x4  }
0x10b: {  	s4 =	sadd.s32 $0xFFFFFFFF, s4;
	s13 =	sadd.s32 $0x80, s3;
	s6 =	sand.u32 $0x1FFFFFF0, s5  }
0x10c: {  	s5 =	sadd.s32 $0x1, s19;
	s14 =	sadd.s32 s9, s6;
	s6 =	sadd.s32 $0x1, s16;
	[tilespmem:s3+$0x30] =	vst v9  }
.LBB2_21:
0x10d: {  	[hbm4b:s14+s8] =	stream.linear.scatter [tilespmem:s3], [sflag:$0x3], $0x80, $0x38;
	[tilespmem:$0x1F680] =	vst v63  }
0x10e: {  	p0 =	sne.s32 s4, $0x1;
	s4 =	sadd.s32 $0xFFFFFFFF, s4;
	s3 =	smov.u32 s13;
	v9 =	vld [tilespmem:s5+$0x0]  }
0x10f: {  	_ =	sdelay $0x3  }
0x110: {  	(v2sf) =	vpush v9, $0x0;
	_ =	sdelay $0xe  }
0x111: {  	s14 =	spop (v2sf)  }
0x112: {  	s17 =	sshrl.u32 s14, $0x7  }
0x113: {  	s17 =	sand.u32 $0x1FFFFFE, s17  }
0x114: {  	s17 =	smin.u32 s17, $0x1E83  }
0x115: {  	s17 =	sshll.u32 s17, $0x7  }
0x116: {  	s14 =	ssub.s32 s14, s17  }
0x117: {  	v9 =	vmov s14  }
0x118: {  	v10 =	vshll.u32 v9, $0x3  }
0x119: {  	v9 =	vand.u32 $0x7F, v9;
	v10 =	vand.u32 $0xFFFFFC00, v10  }
0x11a: {  	v9 =	vor.u32 v9, v10  }
0x11b: {  	v10 =	vadd.s32 v5, v9;
	_ =	sdelay $0x4  }
0x11c: {  	v10 =	vld.idx.msk [tilespmem:v10+s26+$0x0], $0xffff;
	_ =	sdelay $0x1  }
0x11d: {  	v11 =	vadd.s32 v6, v9;
	_ =	sdelay $0x1  }
0x11e: {  	v12 =	vld [tilespmem:s6+$0x0];
	_ =	sdelay $0x1  }
0x11f: {  	[tilespmem:s13+$0x0] =	vst v10  }
0x120: {  	v10 =	vld.idx.msk [tilespmem:v11+s26+$0x0], $0xffff;
	_ =	sdelay $0x1  }
0x121: {  	v11 =	vadd.s32 v7, v9;
	(v2sf) =	vpush v12, $0x0;
	_ =	sdelay $0x3  }
0x122: {  	[tilespmem:s13+$0x10] =	vst v10  }
0x123: {  	v10 =	vld.idx.msk [tilespmem:v11+s26+$0x0], $0xffff;
	_ =	sdelay $0x1  }
0x124: {  	v9 =	vadd.s32 v8, v9;
	_ =	sdelay $0x3  }
0x125: {  	[tilespmem:s13+$0x20] =	vst v10  }
0x126: {  	v9 =	vld.idx.msk [tilespmem:v9+s26+$0x0], $0xffff;
	_ =	sdelay $0x1  }
.Ltmp16:
0x127: {  	(pc) =	sbr.rel @p0 .LBB2_21-.Ltmp16, $4  }
0x128: {  	s14 =	spop (v2sf)  }
0x129: {  	s14 =	sshll.u32 s14, $0x4  }
0x12a: {  	s5 =	sadd.s32 $0x1, s5;
	s14 =	sand.u32 $0x1FFFFFF0, s14  }
0x12b: {  	s6 =	sadd.s32 $0x1, s6;
	s13 =	sadd.s32 $0x80, s13;
	[tilespmem:s3+$0x30] =	vst v9;
	s14 =	sadd.s32 s9, s14  }
.Ltmp17:
0x12c: {  	_ = 	snop;
	(pc) =	sbr.rel .LBB2_22-.Ltmp17, $1  }
0x12d: {  	_ =	sdelay $0x3  }
.LBB2_24:
0x12e: {  	_ =	swait.ge [sflag:s28], $0x4000  }
0x12f: {  	[sflag:s28] =	ssyncset.done $0x0  }
0x130: {  	[sflag:s28] =	ssyncadd.s32 $0xFFFFC000  }
0x131: {  	s4 =	sld [smem:$0x7A];
	_ =	sdelay $0x2  }
0x132: {  	p0 =	slt.s32 s4, $0x1  }
.Ltmp18:
0x133: {  	_ = 	snop;
	(pc) =	sbr.rel @p0 .LBB2_28-.Ltmp18, $2  }
0x134: {  	_ =	sdelay $0x2  }
0x135: {  	s13 =	rddreg [dreg:$0x1]  }
0x136: {  	s3 =	simm.s32 $0x21F0  }
0x137: {  	v9 =	vld [tilespmem:s3+$0x0];
	_ =	sdelay $0x4  }
0x138: {  	(v2sf) =	vpush v9, $0x0;
	_ =	sdelay $0xe  }
0x139: {  	s15 =	spop (v2sf)  }
0x13a: {  	s5 =	sshrl.u32 s15, $0x7  }
0x13b: {  	s5 =	sand.u32 $0x1FFFFFE, s5  }
0x13c: {  	s5 =	smin.u32 s5, $0x1E83  }
0x13d: {  	s5 =	sshll.u32 s5, $0x7  }
0x13e: {  	s3 =	ssub.s32 s15, s5  }
0x13f: {  	v9 =	vmov s3  }
0x140: {  	v10 =	vshll.u32 v9, $0x3  }
0x141: {  	v9 =	vand.u32 $0x7F, v9;
	v10 =	vand.u32 $0xFFFFFC00, v10  }
0x142: {  	v9 =	vor.u32 v9, v10  }
0x143: {  	v10 =	vadd.s32 v5, v9;
	_ =	sdelay $0x2  }
0x144: {  	s16 =	simm.s32 $0x2DF0  }
0x145: {  	v11 =	vld [tilespmem:s16+$0x0]  }
0x146: {  	v10 =	vld.idx.msk [tilespmem:v10+s25+$0x0], $0xffff  }
0x147: {  	v12 =	vadd.s32 v6, v9  }
0x148: {  	s17 =	sshll.u32 s0, $0x9  }
0x149: {  	s3 =	sshra.s32 s17, $0x2  }
0x14a: {  	s3 =	sadd.s32 $0xAE80, s3  }
0x14b: {  	(v2sf) =	vpush v11, $0x0;
	[tilespmem:s3+$0x0] =	vst v10  }
0x14c: {  	v10 =	vld.idx.msk [tilespmem:v12+s25+$0x0], $0xffff  }
0x14d: {  	v11 =	vadd.s32 v7, v9;
	_ =	sdelay $0x3  }
0x14e: {  	[tilespmem:s3+$0x10] =	vst v10  }
0x14f: {  	v10 =	vld.idx.msk [tilespmem:v11+s25+$0x0], $0xffff  }
0x150: {  	v9 =	vadd.s32 v8, v9;
	_ =	sdelay $0x2  }
0x151: {  	p0 =	slt.s32 s4, $0x18  }
0x152: {  	s4 =	simm.s32 @!p0 $0x18;
	[tilespmem:s3+$0x20] =	vst v10  }
0x153: {  	p0 =	sne.s32 s4, $0x1;
	v9 =	vld.idx.msk [tilespmem:v9+s25+$0x0], $0xffff  }
.Ltmp19:
0x154: {  	_ = 	snop;
	(pc) =	sbr.rel @!p0 .LBB2_27-.Ltmp19, $4  }
0x155: {  	s19 =	spop (v2sf)  }
0x156: {  	s0 =	sadd.s32 s0, s4;
	s5 =	sshll.u32 s19, $0x4  }
0x157: {  	s4 =	sadd.s32 $0xFFFFFFFF, s4;
	s7 =	sadd.s32 $0x80, s3;
	s6 =	sand.u32 $0x1FFFFFF0, s5  }
0x158: {  	s5 =	simm.s32 $0x21F1;
	s11 =	sadd.s32 s9, s6;
	s6 =	simm.s32 $0x2DF1;
	[tilespmem:s3+$0x30] =	vst v9  }
.LBB2_26:
0x159: {  	[hbm4b:s11+s8] =	stream.linear.scatter [tilespmem:s3], [sflag:$0x3], $0x80, $0x38;
	[tilespmem:$0x1F680] =	vst v63  }
0x15a: {  	p0 =	sne.s32 s4, $0x1;
	s4 =	sadd.s32 $0xFFFFFFFF, s4;
	s3 =	smov.u32 s7;
	v9 =	vld [tilespmem:s5+$0x0]  }
0x15b: {  	_ =	sdelay $0x3  }
0x15c: {  	(v2sf) =	vpush v9, $0x0;
	_ =	sdelay $0xe  }
0x15d: {  	s11 =	spop (v2sf)  }
0x15e: {  	s12 =	sshrl.u32 s11, $0x7  }
0x15f: {  	s12 =	sand.u32 $0x1FFFFFE, s12  }
0x160: {  	s12 =	smin.u32 s12, $0x1E83  }
0x161: {  	s12 =	sshll.u32 s12, $0x7  }
0x162: {  	s11 =	ssub.s32 s11, s12  }
0x163: {  	v9 =	vmov s11  }
0x164: {  	v10 =	vshll.u32 v9, $0x3  }
0x165: {  	v9 =	vand.u32 $0x7F, v9;
	v10 =	vand.u32 $0xFFFFFC00, v10  }
0x166: {  	v9 =	vor.u32 v9, v10  }
0x167: {  	v10 =	vadd.s32 v5, v9;
	_ =	sdelay $0x4  }
0x168: {  	v10 =	vld.idx.msk [tilespmem:v10+s25+$0x0], $0xffff;
	_ =	sdelay $0x1  }
0x169: {  	v11 =	vadd.s32 v6, v9;
	_ =	sdelay $0x1  }
0x16a: {  	v12 =	vld [tilespmem:s6+$0x0];
	_ =	sdelay $0x1  }
0x16b: {  	[tilespmem:s7+$0x0] =	vst v10  }
0x16c: {  	v10 =	vld.idx.msk [tilespmem:v11+s25+$0x0], $0xffff;
	_ =	sdelay $0x1  }
0x16d: {  	v11 =	vadd.s32 v7, v9;
	(v2sf) =	vpush v12, $0x0;
	_ =	sdelay $0x3  }
0x16e: {  	[tilespmem:s7+$0x10] =	vst v10  }
0x16f: {  	v10 =	vld.idx.msk [tilespmem:v11+s25+$0x0], $0xffff;
	_ =	sdelay $0x1  }
0x170: {  	v9 =	vadd.s32 v8, v9;
	_ =	sdelay $0x3  }
0x171: {  	[tilespmem:s7+$0x20] =	vst v10  }
0x172: {  	v9 =	vld.idx.msk [tilespmem:v9+s25+$0x0], $0xffff;
	_ =	sdelay $0x1  }
.Ltmp20:
0x173: {  	(pc) =	sbr.rel @p0 .LBB2_26-.Ltmp20, $4  }
0x174: {  	s11 =	spop (v2sf)  }
0x175: {  	s11 =	sshll.u32 s11, $0x4  }
0x176: {  	s5 =	sadd.s32 $0x1, s5;
	s11 =	sand.u32 $0x1FFFFFF0, s11  }
0x177: {  	s6 =	sadd.s32 $0x1, s6;
	s7 =	sadd.s32 $0x80, s7;
	[tilespmem:s3+$0x30] =	vst v9;
	s11 =	sadd.s32 s9, s11  }
.LBB2_27:
0x178: {  	[hbm4b:s11+s8] =	stream.linear.scatter [tilespmem:s3], [sflag:$0x3], $0x80, $0x38;
	[tilespmem:$0x1F680] =	vst v63  }
.LBB2_28:
0x179: {  	_ =	swait.ge [sflag:s29], $0x4000  }
0x17a: {  	[sflag:s29] =	ssyncset.done $0x0  }
0x17b: {  	[sflag:s29] =	ssyncadd.s32 $0xFFFFC000  }
0x17c: {  	s3 =	sld [smem:$0x7B];
	_ =	sdelay $0x2  }
0x17d: {  	p0 =	slt.s32 s3, $0x1  }
.Ltmp21:
0x17e: {  	_ = 	snop;
	(pc) =	sbr.rel @p0 .LBB2_32-.Ltmp21, $1  }
0x17f: {  	_ =	sdelay $0x3  }
0x180: {  	s5 =	simm.s32 $0x2208  }
0x181: {  	v9 =	vld [tilespmem:s5+$0x0];
	_ =	sdelay $0x4  }
0x182: {  	(v2sf) =	vpush v9, $0x0;
	_ =	sdelay $0xe  }
0x183: {  	s16 =	spop (v2sf)  }
0x184: {  	s6 =	sshrl.u32 s16, $0x7  }
0x185: {  	s6 =	sand.u32 $0x1FFFFFE, s6  }
0x186: {  	s6 =	smin.u32 s6, $0x1E83  }
0x187: {  	s6 =	sshll.u32 s6, $0x7  }
0x188: {  	s5 =	ssub.s32 s16, s6  }
0x189: {  	v9 =	vmov s5  }
0x18a: {  	v10 =	vshll.u32 v9, $0x3  }
0x18b: {  	v9 =	vand.u32 $0x7F, v9;
	v10 =	vand.u32 $0xFFFFFC00, v10  }
0x18c: {  	v9 =	vor.u32 v9, v10  }
0x18d: {  	v10 =	vadd.s32 v5, v9;
	_ =	sdelay $0x2  }
0x18e: {  	s15 =	simm.s32 $0x2E08  }
0x18f: {  	v11 =	vld [tilespmem:s15+$0x0]  }
0x190: {  	v10 =	vld.idx.msk [tilespmem:v10+s26+$0x0], $0xffff  }
0x191: {  	v12 =	vadd.s32 v6, v9  }
0x192: {  	s4 =	sshll.u32 s0, $0x9  }
0x193: {  	s4 =	sshra.s32 s4, $0x2  }
0x194: {  	s7 =	sadd.s32 $0xAE80, s4  }
0x195: {  	(v2sf) =	vpush v11, $0x0;
	[tilespmem:s7+$0x0] =	vst v10  }
0x196: {  	v10 =	vld.idx.msk [tilespmem:v12+s26+$0x0], $0xffff  }
0x197: {  	v11 =	vadd.s32 v7, v9;
	_ =	sdelay $0x3  }
0x198: {  	[tilespmem:s7+$0x10] =	vst v10  }
0x199: {  	v10 =	vld.idx.msk [tilespmem:v11+s26+$0x0], $0xffff  }
0x19a: {  	v9 =	vadd.s32 v8, v9;
	_ =	sdelay $0x2  }
0x19b: {  	p0 =	slt.s32 s3, $0x18  }
0x19c: {  	s3 =	simm.s32 @!p0 $0x18;
	[tilespmem:s7+$0x20] =	vst v10  }
0x19d: {  	p0 =	seq.s32 s3, $0x1;
	v9 =	vld.idx.msk [tilespmem:v9+s26+$0x0], $0xffff  }
.Ltmp22:
0x19e: {  	_ = 	snop;
	(pc) =	sbr.rel @p0 .LBB2_31-.Ltmp22, $4  }
0x19f: {  	s17 =	spop (v2sf)  }
0x1a0: {  	s0 =	sadd.s32 s3, s0;
	s4 =	sshll.u32 s17, $0x4  }
0x1a1: {  	s3 =	sadd.s32 $0xFFFFFFFF, s3;
	s6 =	sadd.s32 $0x80, s7;
	s19 =	sand.u32 $0x1FFFFFF0, s4  }
0x1a2: {  	s5 =	simm.s32 $0x2E09;
	s4 =	simm.s32 $0x2209;
	s11 =	sadd.s32 s9, s19;
	[tilespmem:s7+$0x30] =	vst v9  }
.LBB2_30:
0x1a3: {  	[hbm4b:s11+s8] =	stream.linear.scatter [tilespmem:s7], [sflag:$0x3], $0x80, $0x38;
	[tilespmem:$0x1F680] =	vst v63  }
0x1a4: {  	p0 =	seq.s32 s3, $0x1;
	s3 =	sadd.s32 $0xFFFFFFFF, s3;
	s7 =	smov.u32 s6;
	v9 =	vld [tilespmem:s4+$0x0]  }
0x1a5: {  	_ =	sdelay $0x3  }
0x1a6: {  	(v2sf) =	vpush v9, $0x0;
	_ =	sdelay $0xe  }
0x1a7: {  	s11 =	spop (v2sf)  }
0x1a8: {  	s12 =	sshrl.u32 s11, $0x7  }
0x1a9: {  	s12 =	sand.u32 $0x1FFFFFE, s12  }
0x1aa: {  	s12 =	smin.u32 s12, $0x1E83  }
0x1ab: {  	s12 =	sshll.u32 s12, $0x7  }
0x1ac: {  	s11 =	ssub.s32 s11, s12  }
0x1ad: {  	v9 =	vmov s11  }
0x1ae: {  	v10 =	vshll.u32 v9, $0x3  }
0x1af: {  	v9 =	vand.u32 $0x7F, v9;
	v10 =	vand.u32 $0xFFFFFC00, v10  }
0x1b0: {  	v9 =	vor.u32 v9, v10  }
0x1b1: {  	v10 =	vadd.s32 v5, v9;
	_ =	sdelay $0x4  }
0x1b2: {  	v10 =	vld.idx.msk [tilespmem:v10+s26+$0x0], $0xffff;
	_ =	sdelay $0x1  }
0x1b3: {  	v11 =	vadd.s32 v6, v9;
	_ =	sdelay $0x1  }
0x1b4: {  	v12 =	vld [tilespmem:s5+$0x0];
	_ =	sdelay $0x1  }
0x1b5: {  	[tilespmem:s6+$0x0] =	vst v10  }
0x1b6: {  	v10 =	vld.idx.msk [tilespmem:v11+s26+$0x0], $0xffff;
	_ =	sdelay $0x1  }
0x1b7: {  	v11 =	vadd.s32 v7, v9;
	(v2sf) =	vpush v12, $0x0;
	_ =	sdelay $0x3  }
0x1b8: {  	[tilespmem:s6+$0x10] =	vst v10  }
0x1b9: {  	v10 =	vld.idx.msk [tilespmem:v11+s26+$0x0], $0xffff;
	_ =	sdelay $0x1  }
0x1ba: {  	v9 =	vadd.s32 v8, v9;
	_ =	sdelay $0x3  }
0x1bb: {  	[tilespmem:s6+$0x20] =	vst v10  }
0x1bc: {  	v9 =	vld.idx.msk [tilespmem:v9+s26+$0x0], $0xffff;
	_ =	sdelay $0x1  }
.Ltmp23:
0x1bd: {  	(pc) =	sbr.rel @!p0 .LBB2_30-.Ltmp23, $4  }
0x1be: {  	s11 =	spop (v2sf)  }
0x1bf: {  	s11 =	sshll.u32 s11, $0x4  }
0x1c0: {  	s4 =	sadd.s32 $0x1, s4;
	s11 =	sand.u32 $0x1FFFFFF0, s11  }
0x1c1: {  	s5 =	sadd.s32 $0x1, s5;
	s6 =	sadd.s32 $0x80, s6;
	[tilespmem:s7+$0x30] =	vst v9;
	s11 =	sadd.s32 s9, s11  }
.LBB2_31:
0x1c2: {  	[hbm4b:s11+s8] =	stream.linear.scatter [tilespmem:s7], [sflag:$0x3], $0x80, $0x38;
	[tilespmem:$0x1F680] =	vst v63  }
.LBB2_32:
0x1c3: {  	p0 =	sgt.s32 s0, $0x0  }
.Ltmp24:
0x1c4: {  	_ = 	snop;
	(pc) =	sbr.rel @!p0 .LBB2_33-.Ltmp24, $1  }
0x1c5: {  	_ =	sdelay $0x3  }
0x1c6: {  	p0 =	seq.s32 s0, $0x1  }
.Ltmp25:
0x1c7: {  	_ = 	snop;
	(pc) =	sbr.rel @p0 .LBB2_42-.Ltmp25, $3  }
0x1c8: {  	_ =	sdelay $0x1  }
0x1c9: {  	_ =	swait.ge [sflag:s30], $0x80  }
0x1ca: {  	s0 =	sadd.s32 $0xFFFFFFFF, s0;
	[sflag:s30] =	ssyncset.done $0x0  }
.LBB2_41:
0x1cb: {  	p0 =	seq.s32 s0, $0x1;
	s0 =	sadd.s32 $0xFFFFFFFF, s0;
	[sflag:s30] =	ssyncadd.s32 $0xFFFFFF80  }
.Ltmp26:
0x1cc: {  	(pc) =	sbr.rel @!p0 .LBB2_41-.Ltmp26, $3  }
0x1cd: {  	_ =	sdelay $0x1  }
0x1ce: {  	_ =	swait.ge [sflag:s30], $0x80  }
0x1cf: {  	[sflag:s30] =	ssyncset.done $0x0  }
.LBB2_42:
0x1d0: {  	[sflag:s30] =	ssyncadd.s32 $0xFFFFFF80  }
.LBB2_33:
0x1d1: {  	s3 =	simm.s32 $0x0  }
0x1d2: {  	s4 =	simm.s32 $0x0;
	s0 =	simm.s32 $0x0;
	s5 =	simm.s32 $0x0  }
.LBB2_34:
0x1d3: {  	s6 =	sshll.u32 s5, $0x9  }
0x1d4: {  	s6 =	sadd.s32 s13, s6  }
0x1d5: {  	[tilespmem:s3], [sflag:$0x4] =	stream.linear.gather [hbm4b:s6+s3], $0x1000, $0x38;
	[tilespmem:$0x1F680] =	vst v63  }
0x1d6: {  	_ =	swait.ge [sflag:s23], $0x1000  }
0x1d7: {  	[sflag:s23] =	ssyncset.done $0x0  }
0x1d8: {  	s19 =	simm.s32 $0x0;
	[sflag:s23] =	ssyncadd.s32 $0xFFFFF000  }
0x1d9: {  	v9 =	vld [tilespmem:s19+$0x0];
	_ =	sdelay $0x4  }
0x1da: {  	v10 =	vshrl.u32 v9, $0x8  }
0x1db: {  	vm0 =	vge.u32 v10, v2;
	vm1 =	vlt.u32 v10, v3  }
0x1dc: {  	vm0 =	vmand vm0, vm1  }
0x1dd: {  	v10 =	vmpcnt.ones.xlane vm0;
	_ =	sdelay $0x1  }
0x1de: {  	(v2sf) =	vpush v10, $0x0;
	_ =	sdelay $0x3  }
0x1df: {  	[tilespmem:s0+$0x1080] =	vst.msk vm0, v9;
	v9 =	vor.u32 s4, v4  }
0x1e0: {  	s11 =	simm.s32 $0x10;
	s7 =	simm.s32 $0x80;
	s6 =	smov.u32 s4;
	[tilespmem:s0+$0x1380] =	vst.msk vm0, v9  }
.LBB2_35:
0x1e1: {  	p0 =	sne.s32 s7, $0x3FC0;
	v9 =	vld [tilespmem:s11+$0x0];
	_ =	sdelay $0x4  }
0x1e2: {  	v10 =	vshrl.u32 v9, $0x8  }
0x1e3: {  	vm0 =	vge.u32 v10, v2;
	vm1 =	vlt.u32 v10, v3  }
0x1e4: {  	vm0 =	vmand vm0, vm1  }
0x1e5: {  	v10 =	vmpcnt.ones.xlane vm0  }
0x1e6: {  	s11 =	spop (v2sf)  }
0x1e7: {  	s6 =	sadd.s32 $0x10, s6;
	(v2sf) =	vpush v10, $0x0;
	s0 =	sadd.s32 s0, s11  }
.Ltmp27:
0x1e8: {  	[tilespmem:s0+$0x1080] =	vst.msk vm0, v9;
	v9 =	vor.u32 s6, v4;
	(pc) =	sbr.rel @p0 .LBB2_35-.Ltmp27, $2  }
0x1e9: {  	[tilespmem:s0+$0x1380] =	vst.msk vm0, v9;
	_ =	sdelay $0x2  }
0x1ea: {  	s11 =	sshra.s32 s7, $0x2;
	s7 =	sadd.s32 $0x40, s7  }
0x1eb: {  	v9 =	vld [tilespmem:s11+$0x0];
	_ =	sdelay $0x4  }
0x1ec: {  	v10 =	vshrl.u32 v9, $0x8  }
0x1ed: {  	vm0 =	vge.u32 v10, v2;
	vm1 =	vlt.u32 v10, v3  }
0x1ee: {  	vm0 =	vmand vm0, vm1  }
0x1ef: {  	v10 =	vmpcnt.ones.xlane vm0;
	_ =	sdelay $0x1  }
0x1f0: {  	(v2sf) =	vpush v10, $0x0;
	_ =	sdelay $0x9  }
0x1f1: {  	s5 =	sadd.s32 $0x1, s5  }
0x1f2: {  	p0 =	seq.s32 s5, $0x4  }
.Ltmp28:
0x1f3: {  	_ = 	snop;
	(pc) =	sbr.rel @!p0 .LBB2_34-.Ltmp28, $4  }
0x1f4: {  	s7 =	spop (v2sf)  }
0x1f5: {  	s19 =	sadd.s32 $0x10, s6;
	s7 =	sadd.s32 s0, s7  }
0x1f6: {  	[tilespmem:s7+$0x1080] =	vst.msk vm0, v9;
	v9 =	vor.u32 s19, v4;
	s6 =	spop (v2sf)  }
0x1f7: {  	s4 =	sadd.s32 $0x1000, s4;
	[tilespmem:s7+$0x1380] =	vst.msk vm0, v9;
	s0 =	sadd.s32 s7, s6  }
0x1f8: {  	[smem:$0x0] =	sst s8  }
0x1f9: {  	[smem:$0x1] =	sst s8  }
0x1fa: {  	[smem:$0x2] =	sst s8  }
0x1fb: {  	[smem:$0x3] =	sst s8  }
0x1fc: {  	[smem:$0x4] =	sst s8  }
0x1fd: {  	[smem:$0x5] =	sst s8  }
0x1fe: {  	[smem:$0x6] =	sst s8  }
0x1ff: {  	[smem:$0x7] =	sst s8  }
0x200: {  	p0 =	slt.s32 s0, $0x1;
	[smem:$0x8] =	sst s8  }
.Ltmp29:
0x201: {  	[smem:$0x9] =	sst s8;
	(pc) =	sbr.rel @p0 .LBB2_47-.Ltmp29, $4  }
0x202: {  	[smem:$0xA] =	sst s8  }
0x203: {  	[smem:$0xB] =	sst s8  }
0x204: {  	[smem:$0xC] =	sst s8  }
0x205: {  	[smem:$0xD] =	sst s8  }
0x206: {  	s3 =	sadd.s32 s7, s6  }
0x207: {  	p1 =	sne.s32 s3, $0x1  }
.Ltmp30:
0x208: {  	_ = 	snop;
	(pc) =	sbr.rel @!p1 .LBB2_39-.Ltmp30, $3  }
0x209: {  	_ =	sdelay $0x1  }
0x20a: {  	s4 =	simm.s32 $0x1080  }
0x20b: {  	s0 =	simm.s32 $0x1380;
	p0 =	por $0x0, $0x0;
	v9 =	vld [tilespmem:s4+$0x0];
	s3 =	sadd.s32 $0xFFFFFFFF, s3  }
0x20c: {  	_ =	sdelay $0x3  }
0x20d: {  	(v2sf) =	vpush v9, $0x0;
	_ =	sdelay $0xe  }
0x20e: {  	s4 =	spop (v2sf)  }
0x20f: {  	s4 =	sshrl.u32 s4, $0x8  }
0x210: {  	s4 =	ssub.s32 s4, s2  }
0x211: {  	s5 =	sld [smem:s4+$0x0];
	_ =	sdelay $0x2  }
0x212: {  	s6 =	smul.u32 $0x60, s4;
	p0 =	slt.s32 s5, $0x5F  }
0x213: {  	s7 =	sadd.s32 $0x1, s5;
	s5 =	simm.s32 @!p0 $0x5F  }
0x214: {  	s5 =	sadd.s32 s5, s6  }
0x215: {  	v10 =	vmov s5  }
0x216: {  	v11 =	vld.msk [tilespmem:s0+$0x0 ss:$0x0], $0xffff;
	_ =	sdelay $0x1  }
0x217: {  	p1 =	sne.s32 s3, $0x1;
	v9 =	vbroadcast v9, $0x0  }
.Ltmp31:
0x218: {  	_ = 	snop;
	(pc) =	sbr.rel @!p1 .LBB2_44-.Ltmp31, $4  }
0x219: {  	[tilespmem:v10+s20+$0x0] =	vst.idx.msk $0x1, v9  }
0x21a: {  	[smem:s4] =	sst s7;
	s4 =	simm.s32 $0x1081;
	[tilespmem:v10+s21+$0x0] =	vst.idx.msk $0x1, v11  }
0x21b: {  	v9 =	vld [tilespmem:s4+$0x0]  }
0x21c: {  	p0 =	por $0x1, $0x1;
	s5 =	sadd.s32 $0xFFFFFFFF, s3;
	s3 =	simm.s32 $0x1380  }
.LBB2_45:
0x21d: {  	p1 =	sne.s32 s5, $0x1;
	_ =	sdelay $0x2  }
0x21e: {  	(v2sf) =	vpush v9, $0x0;
	_ =	sdelay $0xe  }
0x21f: {  	s6 =	spop (v2sf)  }
0x220: {  	s6 =	sshrl.u32 s6, $0x8  }
0x221: {  	s6 =	ssub.s32 s6, s2  }
0x222: {  	s7 =	sld [smem:s6+$0x0];
	_ =	sdelay $0x2  }
0x223: {  	s11 =	smul.u32 $0x60, s6;
	p2 =	slt.s32 s7, $0x5F;
	s12 =	sadd.s32 $0x1, s7  }
0x224: {  	s7 =	simm.s32 @!p2 $0x5F;
	[smem:s6] =	sst s12  }
0x225: {  	s3 =	sadd.s32 $0x1, s3;
	s6 =	sadd.s32 s7, s11  }
0x226: {  	v10 =	vmov s6;
	v11 =	vld.msk [tilespmem:s3+$0x0 ss:$0x0], $0xffff;
	_ =	sdelay $0x2  }
0x227: {  	v9 =	vbroadcast v9, $0x0  }
.Ltmp32:
0x228: {  	(pc) =	sbr.rel @p1 .LBB2_45-.Ltmp32, $4  }
0x229: {  	[tilespmem:v10+s20+$0x0] =	vst.idx.msk $0x1, v9  }
0x22a: {  	s4 =	sadd.s32 $0x1, s4;
	[tilespmem:v10+s21+$0x0] =	vst.idx.msk $0x1, v11  }
0x22b: {  	v9 =	vld [tilespmem:s4+$0x0]  }
0x22c: {  	s5 =	sadd.s32 $0xFFFFFFFF, s5  }
.LBB2_46:
0x22d: {  	_ =	sdelay $0x2  }
0x22e: {  	(v2sf) =	vpush v9, $0x0;
	_ =	sdelay $0xe  }
0x22f: {  	s4 =	spop (v2sf)  }
0x230: {  	s4 =	sshrl.u32 s4, $0x8  }
0x231: {  	s4 =	ssub.s32 s4, s2  }
0x232: {  	s5 =	sld [smem:s4+$0x0];
	_ =	sdelay $0x2  }
0x233: {  	s6 =	smul.u32 $0x60, s4;
	p1 =	slt.s32 s5, $0x5F  }
0x234: {  	s7 =	sadd.s32 $0x1, s5;
	s5 =	simm.s32 @!p1 $0x5F  }
0x235: {  	s3 =	sadd.s32 @p0 $0x1, s3;
	s5 =	sadd.s32 s5, s6  }
0x236: {  	s0 =	smov.u32 @p0 s3;
	v10 =	vmov s5  }
0x237: {  	v11 =	vld.msk [tilespmem:s0+$0x0 ss:$0x0], $0xffff;
	_ =	sdelay $0x1  }
0x238: {  	v9 =	vbroadcast v9, $0x0;
	_ =	sdelay $0x1  }
0x239: {  	[tilespmem:v10+s20+$0x0] =	vst.idx.msk $0x1, v9  }
0x23a: {  	[smem:s4] =	sst s7;
	[tilespmem:v10+s21+$0x0] =	vst.idx.msk $0x1, v11  }
.LBB2_47:
0x23b: {  	s0 =	rddreg [dreg:$0xa]  }
.Ltmp33:
0x23c: {  	s19 =	rddreg [dreg:$0xb];
	(pc) =	sbr.rel .LBB2_48-.Ltmp33, $4  }
0x23d: {  	[tilespmem:s25], [sflag:$0x1] =	stream.strided.gather [hbm4b:s0+s22], $0x4000, s31, s22, $0x38;
	[tilespmem:$0x1F680] =	vst v63  }
0x23e: {  	s12 =	simm.s32 $0x2280;
	s15 =	simm.s32 $0x1680;
	s16 =	simm.s32 $0x22E0  }
0x23f: {  	[tilespmem:s26], [sflag:$0x2] =	stream.strided.gather [hbm4b:s19+s22], $0x4000, s31, s22, $0x38;
	[tilespmem:$0x1F680] =	vst v63  }
0x240: {  	s11 =	simm.s32 $0x0;
	s0 =	simm.s32 $0x0;
	s19 =	simm.s32 $0x16E0  }
.LBB2_55:
0x241: {  	[hbm4b:s14+s8] =	stream.linear.scatter [tilespmem:s3], [sflag:$0x3], $0x80, $0x38;
	[tilespmem:$0x1F680] =	vst v63  }
.LBB2_56:
0x242: {  	s3 =	rddreg [dreg:$0xd];
	s11 =	sadd.s32 $0x1, s11  }
0x243: {  	s3 =	sadd.s32 s7, s3;
	p0 =	sne.s32 s11, $0x6  }
.Ltmp34:
0x244: {  	s3 =	sshll.u32 s3, $0x1;
	(pc) =	sbr.rel @!p0 .LBB2_57-.Ltmp34, $4  }
0x245: {  	s3 =	smin.u32 s3, $0x30C  }
0x246: {  	s12 =	sadd.s32 $0xC0, s12;
	s15 =	sadd.s32 $0xC0, s15;
	s3 =	sshll.u32 s3, $0x7  }
0x247: {  	s16 =	sadd.s32 $0xC0, s16;
	s19 =	sadd.s32 $0xC0, s19;
	s3 =	sadd.s32 s18, s3  }
0x248: {  	[tilespmem:s26], [sflag:$0x2] =	stream.strided.gather [hbm4b:s3+s22], $0x4000, s31, s22, $0x38;
	[tilespmem:$0x1F680] =	vst v63  }
.LBB2_48:
0x249: {  	_ =	swait.ge [sflag:s28], $0x4000  }
0x24a: {  	[sflag:s28] =	ssyncset.done $0x0  }
0x24b: {  	s7 =	sshll.u32 s11, $0x1;
	[sflag:s28] =	ssyncadd.s32 $0xFFFFC000  }
0x24c: {  	s4 =	sld [smem:s7+$0x0];
	_ =	sdelay $0x2  }
0x24d: {  	p0 =	slt.s32 s4, $0x1  }
.Ltmp35:
0x24e: {  	_ = 	snop;
	(pc) =	sbr.rel @p0 .LBB2_52-.Ltmp35, $1  }
0x24f: {  	_ =	sdelay $0x3  }
0x250: {  	v9 =	vld [tilespmem:s15+$0x0];
	_ =	sdelay $0x4  }
0x251: {  	(v2sf) =	vpush v9, $0x0;
	_ =	sdelay $0xe  }
0x252: {  	s3 =	spop (v2sf)  }
0x253: {  	s5 =	sshrl.u32 s3, $0x7  }
0x254: {  	s5 =	sand.u32 $0x1FFFFFE, s5  }
0x255: {  	s5 =	smin.u32 s5, $0x30C  }
0x256: {  	s5 =	sshll.u32 s5, $0x7  }
0x257: {  	s3 =	ssub.s32 s3, s5  }
0x258: {  	v9 =	vmov s3  }
0x259: {  	v10 =	vshll.u32 v9, $0x3  }
0x25a: {  	v9 =	vand.u32 $0x7F, v9;
	v10 =	vand.u32 $0xFFFFFC00, v10  }
0x25b: {  	v9 =	vor.u32 v9, v10  }
0x25c: {  	v10 =	vadd.s32 v5, v9;
	_ =	sdelay $0x3  }
0x25d: {  	v11 =	vld [tilespmem:s12+$0x0]  }
0x25e: {  	v10 =	vld.idx.msk [tilespmem:v10+s25+$0x0], $0xffff  }
0x25f: {  	v12 =	vadd.s32 v6, v9  }
0x260: {  	s14 =	sshll.u32 s0, $0x9  }
0x261: {  	s3 =	sshra.s32 s14, $0x2  }
0x262: {  	s3 =	sadd.s32 $0xAE80, s3  }
0x263: {  	(v2sf) =	vpush v11, $0x0;
	[tilespmem:s3+$0x0] =	vst v10  }
0x264: {  	v10 =	vld.idx.msk [tilespmem:v12+s25+$0x0], $0xffff  }
0x265: {  	v11 =	vadd.s32 v7, v9;
	_ =	sdelay $0x3  }
0x266: {  	[tilespmem:s3+$0x10] =	vst v10  }
0x267: {  	v10 =	vld.idx.msk [tilespmem:v11+s25+$0x0], $0xffff  }
0x268: {  	v9 =	vadd.s32 v8, v9;
	_ =	sdelay $0x2  }
0x269: {  	p0 =	slt.s32 s4, $0x60  }
0x26a: {  	s4 =	simm.s32 @!p0 $0x60;
	[tilespmem:s3+$0x20] =	vst v10  }
0x26b: {  	p0 =	sne.s32 s4, $0x1;
	v9 =	vld.idx.msk [tilespmem:v9+s25+$0x0], $0xffff  }
.Ltmp36:
0x26c: {  	_ = 	snop;
	(pc) =	sbr.rel @!p0 .LBB2_51-.Ltmp36, $4  }
0x26d: {  	s17 =	spop (v2sf)  }
0x26e: {  	s0 =	sadd.s32 s4, s0;
	s5 =	sshll.u32 s17, $0x4  }
0x26f: {  	s4 =	sadd.s32 $0xFFFFFFFF, s4;
	s13 =	sadd.s32 $0x80, s3;
	s6 =	sand.u32 $0x1FFFFFF0, s5  }
0x270: {  	s5 =	sadd.s32 $0x1, s15;
	s14 =	sadd.s32 s10, s6;
	s6 =	sadd.s32 $0x1, s12;
	[tilespmem:s3+$0x30] =	vst v9  }
.LBB2_50:
0x271: {  	[hbm4b:s14+s8] =	stream.linear.scatter [tilespmem:s3], [sflag:$0x3], $0x80, $0x38;
	[tilespmem:$0x1F680] =	vst v63  }
0x272: {  	p0 =	sne.s32 s4, $0x1;
	s4 =	sadd.s32 $0xFFFFFFFF, s4;
	s3 =	smov.u32 s13;
	v9 =	vld [tilespmem:s5+$0x0]  }
0x273: {  	_ =	sdelay $0x3  }
0x274: {  	(v2sf) =	vpush v9, $0x0;
	_ =	sdelay $0xe  }
0x275: {  	s14 =	spop (v2sf)  }
0x276: {  	s17 =	sshrl.u32 s14, $0x7  }
0x277: {  	s17 =	sand.u32 $0x1FFFFFE, s17  }
0x278: {  	s17 =	smin.u32 s17, $0x30C  }
0x279: {  	s17 =	sshll.u32 s17, $0x7  }
0x27a: {  	s14 =	ssub.s32 s14, s17  }
0x27b: {  	v9 =	vmov s14  }
0x27c: {  	v10 =	vshll.u32 v9, $0x3  }
0x27d: {  	v9 =	vand.u32 $0x7F, v9;
	v10 =	vand.u32 $0xFFFFFC00, v10  }
0x27e: {  	v9 =	vor.u32 v9, v10  }
0x27f: {  	v10 =	vadd.s32 v5, v9;
	_ =	sdelay $0x4  }
0x280: {  	v10 =	vld.idx.msk [tilespmem:v10+s25+$0x0], $0xffff;
	_ =	sdelay $0x1  }
0x281: {  	v11 =	vadd.s32 v6, v9;
	_ =	sdelay $0x1  }
0x282: {  	v12 =	vld [tilespmem:s6+$0x0];
	_ =	sdelay $0x1  }
0x283: {  	[tilespmem:s13+$0x0] =	vst v10  }
0x284: {  	v10 =	vld.idx.msk [tilespmem:v11+s25+$0x0], $0xffff;
	_ =	sdelay $0x1  }
0x285: {  	v11 =	vadd.s32 v7, v9;
	(v2sf) =	vpush v12, $0x0;
	_ =	sdelay $0x3  }
0x286: {  	[tilespmem:s13+$0x10] =	vst v10  }
0x287: {  	v10 =	vld.idx.msk [tilespmem:v11+s25+$0x0], $0xffff;
	_ =	sdelay $0x1  }
0x288: {  	v9 =	vadd.s32 v8, v9;
	_ =	sdelay $0x3  }
0x289: {  	[tilespmem:s13+$0x20] =	vst v10  }
0x28a: {  	v9 =	vld.idx.msk [tilespmem:v9+s25+$0x0], $0xffff;
	_ =	sdelay $0x1  }
.Ltmp37:
0x28b: {  	(pc) =	sbr.rel @p0 .LBB2_50-.Ltmp37, $4  }
0x28c: {  	s14 =	spop (v2sf)  }
0x28d: {  	s14 =	sshll.u32 s14, $0x4  }
0x28e: {  	s5 =	sadd.s32 $0x1, s5;
	s14 =	sand.u32 $0x1FFFFFF0, s14  }
0x28f: {  	s6 =	sadd.s32 $0x1, s6;
	s13 =	sadd.s32 $0x80, s13;
	[tilespmem:s3+$0x30] =	vst v9;
	s14 =	sadd.s32 s10, s14  }
.LBB2_51:
0x290: {  	[hbm4b:s14+s8] =	stream.linear.scatter [tilespmem:s3], [sflag:$0x3], $0x80, $0x38;
	[tilespmem:$0x1F680] =	vst v63  }
.LBB2_52:
0x291: {  	s3 =	rddreg [dreg:$0xc]  }
0x292: {  	s3 =	sadd.s32 s7, s3  }
0x293: {  	s3 =	sshll.u32 s3, $0x1  }
0x294: {  	s3 =	smin.u32 s3, $0x30C  }
0x295: {  	s3 =	sshll.u32 s3, $0x7  }
0x296: {  	s3 =	sand.u32 $0x1FE00, s3  }
0x297: {  	s3 =	sadd.s32 s18, s3  }
0x298: {  	[tilespmem:s25], [sflag:$0x1] =	stream.strided.gather [hbm4b:s3+s22], $0x4000, s31, s22, $0x38;
	[tilespmem:$0x1F680] =	vst v63  }
0x299: {  	_ =	swait.ge [sflag:s29], $0x4000  }
0x29a: {  	[sflag:s29] =	ssyncset.done $0x0  }
0x29b: {  	[sflag:s29] =	ssyncadd.s32 $0xFFFFC000  }
0x29c: {  	s4 =	sld [smem:s7+$0x1];
	_ =	sdelay $0x2  }
0x29d: {  	p0 =	slt.s32 s4, $0x1  }
.Ltmp38:
0x29e: {  	_ = 	snop;
	(pc) =	sbr.rel @p0 .LBB2_56-.Ltmp38, $1  }
0x29f: {  	_ =	sdelay $0x3  }
0x2a0: {  	v9 =	vld [tilespmem:s19+$0x0];
	_ =	sdelay $0x4  }
0x2a1: {  	(v2sf) =	vpush v9, $0x0;
	_ =	sdelay $0xe  }
0x2a2: {  	s3 =	spop (v2sf)  }
0x2a3: {  	s5 =	sshrl.u32 s3, $0x7  }
0x2a4: {  	s5 =	sand.u32 $0x1FFFFFE, s5  }
0x2a5: {  	s5 =	smin.u32 s5, $0x30C  }
0x2a6: {  	s5 =	sshll.u32 s5, $0x7  }
0x2a7: {  	s3 =	ssub.s32 s3, s5  }
0x2a8: {  	v9 =	vmov s3  }
0x2a9: {  	v10 =	vshll.u32 v9, $0x3  }
0x2aa: {  	v9 =	vand.u32 $0x7F, v9;
	v10 =	vand.u32 $0xFFFFFC00, v10  }
0x2ab: {  	v9 =	vor.u32 v9, v10  }
0x2ac: {  	v10 =	vadd.s32 v5, v9;
	_ =	sdelay $0x3  }
0x2ad: {  	v11 =	vld [tilespmem:s16+$0x0]  }
0x2ae: {  	v10 =	vld.idx.msk [tilespmem:v10+s26+$0x0], $0xffff  }
0x2af: {  	v12 =	vadd.s32 v6, v9  }
0x2b0: {  	s14 =	sshll.u32 s0, $0x9  }
0x2b1: {  	s3 =	sshra.s32 s14, $0x2  }
0x2b2: {  	s3 =	sadd.s32 $0xAE80, s3  }
0x2b3: {  	(v2sf) =	vpush v11, $0x0;
	[tilespmem:s3+$0x0] =	vst v10  }
0x2b4: {  	v10 =	vld.idx.msk [tilespmem:v12+s26+$0x0], $0xffff  }
0x2b5: {  	v11 =	vadd.s32 v7, v9;
	_ =	sdelay $0x3  }
0x2b6: {  	[tilespmem:s3+$0x10] =	vst v10  }
0x2b7: {  	v10 =	vld.idx.msk [tilespmem:v11+s26+$0x0], $0xffff  }
0x2b8: {  	v9 =	vadd.s32 v8, v9;
	_ =	sdelay $0x2  }
0x2b9: {  	p0 =	slt.s32 s4, $0x60  }
0x2ba: {  	s4 =	simm.s32 @!p0 $0x60;
	[tilespmem:s3+$0x20] =	vst v10  }
0x2bb: {  	p0 =	sne.s32 s4, $0x1;
	v9 =	vld.idx.msk [tilespmem:v9+s26+$0x0], $0xffff  }
.Ltmp39:
0x2bc: {  	_ = 	snop;
	(pc) =	sbr.rel @!p0 .LBB2_55-.Ltmp39, $4  }
0x2bd: {  	s17 =	spop (v2sf)  }
0x2be: {  	s0 =	sadd.s32 s4, s0;
	s5 =	sshll.u32 s17, $0x4  }
0x2bf: {  	s4 =	sadd.s32 $0xFFFFFFFF, s4;
	s13 =	sadd.s32 $0x80, s3;
	s6 =	sand.u32 $0x1FFFFFF0, s5  }
0x2c0: {  	s5 =	sadd.s32 $0x1, s19;
	s14 =	sadd.s32 s10, s6;
	s6 =	sadd.s32 $0x1, s16;
	[tilespmem:s3+$0x30] =	vst v9  }
.LBB2_54:
0x2c1: {  	[hbm4b:s14+s8] =	stream.linear.scatter [tilespmem:s3], [sflag:$0x3], $0x80, $0x38;
	[tilespmem:$0x1F680] =	vst v63  }
0x2c2: {  	p0 =	sne.s32 s4, $0x1;
	s4 =	sadd.s32 $0xFFFFFFFF, s4;
	s3 =	smov.u32 s13;
	v9 =	vld [tilespmem:s5+$0x0]  }
0x2c3: {  	_ =	sdelay $0x3  }
0x2c4: {  	(v2sf) =	vpush v9, $0x0;
	_ =	sdelay $0xe  }
0x2c5: {  	s14 =	spop (v2sf)  }
0x2c6: {  	s17 =	sshrl.u32 s14, $0x7  }
0x2c7: {  	s17 =	sand.u32 $0x1FFFFFE, s17  }
0x2c8: {  	s17 =	smin.u32 s17, $0x30C  }
0x2c9: {  	s17 =	sshll.u32 s17, $0x7  }
0x2ca: {  	s14 =	ssub.s32 s14, s17  }
0x2cb: {  	v9 =	vmov s14  }
0x2cc: {  	v10 =	vshll.u32 v9, $0x3  }
0x2cd: {  	v9 =	vand.u32 $0x7F, v9;
	v10 =	vand.u32 $0xFFFFFC00, v10  }
0x2ce: {  	v9 =	vor.u32 v9, v10  }
0x2cf: {  	v10 =	vadd.s32 v5, v9;
	_ =	sdelay $0x4  }
0x2d0: {  	v10 =	vld.idx.msk [tilespmem:v10+s26+$0x0], $0xffff;
	_ =	sdelay $0x1  }
0x2d1: {  	v11 =	vadd.s32 v6, v9;
	_ =	sdelay $0x1  }
0x2d2: {  	v12 =	vld [tilespmem:s6+$0x0];
	_ =	sdelay $0x1  }
0x2d3: {  	[tilespmem:s13+$0x0] =	vst v10  }
0x2d4: {  	v10 =	vld.idx.msk [tilespmem:v11+s26+$0x0], $0xffff;
	_ =	sdelay $0x1  }
0x2d5: {  	v11 =	vadd.s32 v7, v9;
	(v2sf) =	vpush v12, $0x0;
	_ =	sdelay $0x3  }
0x2d6: {  	[tilespmem:s13+$0x10] =	vst v10  }
0x2d7: {  	v10 =	vld.idx.msk [tilespmem:v11+s26+$0x0], $0xffff;
	_ =	sdelay $0x1  }
0x2d8: {  	v9 =	vadd.s32 v8, v9;
	_ =	sdelay $0x3  }
0x2d9: {  	[tilespmem:s13+$0x20] =	vst v10  }
0x2da: {  	v9 =	vld.idx.msk [tilespmem:v9+s26+$0x0], $0xffff;
	_ =	sdelay $0x1  }
.Ltmp40:
0x2db: {  	(pc) =	sbr.rel @p0 .LBB2_54-.Ltmp40, $4  }
0x2dc: {  	s14 =	spop (v2sf)  }
0x2dd: {  	s14 =	sshll.u32 s14, $0x4  }
0x2de: {  	s5 =	sadd.s32 $0x1, s5;
	s14 =	sand.u32 $0x1FFFFFF0, s14  }
0x2df: {  	s6 =	sadd.s32 $0x1, s6;
	s13 =	sadd.s32 $0x80, s13;
	[tilespmem:s3+$0x30] =	vst v9;
	s14 =	sadd.s32 s10, s14  }
.Ltmp41:
0x2e0: {  	_ = 	snop;
	(pc) =	sbr.rel .LBB2_55-.Ltmp41, $1  }
0x2e1: {  	_ =	sdelay $0x3  }
.LBB2_57:
0x2e2: {  	_ =	swait.ge [sflag:s28], $0x4000  }
0x2e3: {  	[sflag:s28] =	ssyncset.done $0x0  }
0x2e4: {  	[sflag:s28] =	ssyncadd.s32 $0xFFFFC000  }
0x2e5: {  	s11 =	sld [smem:$0xC];
	_ =	sdelay $0x2  }
0x2e6: {  	p0 =	slt.s32 s11, $0x1  }
.Ltmp42:
0x2e7: {  	_ = 	snop;
	(pc) =	sbr.rel @p0 .LBB2_58-.Ltmp42, $1  }
0x2e8: {  	_ =	sdelay $0x3  }
0x2e9: {  	p0 =	slt.s32 s11, $0x60  }
0x2ea: {  	s11 =	simm.s32 @!p0 $0x60  }
0x2eb: {  	p1 =	sne.s32 s11, $0x1  }
.Ltmp43:
0x2ec: {  	_ = 	snop;
	(pc) =	sbr.rel @!p1 .LBB2_60-.Ltmp43, $4  }
0x2ed: {  	_ = 	snop  }
0x2ee: {  	s3 =	sshll.u32 s0, $0x9;
	s19 =	simm.s32 $0x0;
	s12 =	simm.s32 $0x2700  }
0x2ef: {  	s16 =	simm.s32 $0x1B00;
	s4 =	simm.s32 $0x1;
	s3 =	sshra.s32 s3, $0x2  }
0x2f0: {  	s5 =	sand.u32 $0x3FFFFF80, s19;
	p0 =	por $0x0, $0x0;
	s7 =	sadd.s32 $0xAE80, s3  }
0x2f1: {  	s3 =	sadd.s32 $0x1B00, s5  }
0x2f2: {  	v9 =	vld [tilespmem:s3+$0x0];
	_ =	sdelay $0x4  }
0x2f3: {  	(v2sf) =	vpush v9, $0x0;
	_ =	sdelay $0xe  }
0x2f4: {  	s14 =	spop (v2sf)  }
0x2f5: {  	s6 =	sshrl.u32 s14, $0x7  }
0x2f6: {  	s6 =	sand.u32 $0x1FFFFFE, s6  }
0x2f7: {  	s6 =	smin.u32 s6, $0x30C  }
0x2f8: {  	s6 =	sshll.u32 s6, $0x7  }
0x2f9: {  	s3 =	ssub.s32 s14, s6  }
0x2fa: {  	v9 =	vmov s3  }
0x2fb: {  	v10 =	vshll.u32 v9, $0x3  }
0x2fc: {  	v9 =	vand.u32 $0x7F, v9;
	v10 =	vand.u32 $0xFFFFFC00, v10  }
0x2fd: {  	v9 =	vor.u32 v9, v10  }
0x2fe: {  	s15 =	sadd.s32 $0x2700, s5;
	v10 =	vadd.s32 v5, v9  }
0x2ff: {  	v11 =	vld [tilespmem:s15+$0x0];
	_ =	sdelay $0x3  }
0x300: {  	v10 =	vld.idx.msk [tilespmem:v10+s25+$0x0], $0xffff  }
0x301: {  	(v2sf) =	vpush v11, $0x0;
	v11 =	vadd.s32 v6, v9;
	_ =	sdelay $0x3  }
0x302: {  	[tilespmem:s7+$0x0] =	vst v10  }
0x303: {  	v10 =	vld.idx.msk [tilespmem:v11+s25+$0x0], $0xffff  }
0x304: {  	v11 =	vadd.s32 v7, v9;
	_ =	sdelay $0x3  }
0x305: {  	[tilespmem:s7+$0x10] =	vst v10  }
0x306: {  	v10 =	vld.idx.msk [tilespmem:v11+s25+$0x0], $0xffff  }
0x307: {  	v9 =	vadd.s32 v8, v9;
	_ =	sdelay $0x2  }
0x308: {  	p1 =	sne.s32 s11, $0x2  }
.Ltmp44:
0x309: {  	[tilespmem:s7+$0x20] =	vst v10;
	(pc) =	sbr.rel @!p1 .LBB2_62-.Ltmp44, $4  }
0x30a: {  	s12 =	simm.s32 $0x2701;
	s16 =	spop (v2sf);
	v9 =	vld.idx.msk [tilespmem:v9+s25+$0x0], $0xffff  }
0x30b: {  	s5 =	sand.u32 $0x3FFFFF80, s4;
	p0 =	por $0x1, $0x1;
	s17 =	sshll.u32 s16, $0x4  }
0x30c: {  	s15 =	smov.u32 s7;
	s3 =	simm.s32 $0x2;
	s19 =	sand.u32 $0x1FFFFFF0, s17  }
0x30d: {  	s16 =	simm.s32 $0x1B01;
	s6 =	sadd.s32 s10, s19;
	s19 =	smov.u32 s7  }
.LBB2_63:
0x30e: {  	s13 =	sadd.s32 s5, s16  }
0x30f: {  	[tilespmem:s19+$0x30] =	vst v9;
	s15 =	sadd.s32 $0x80, s15;
	s4 =	smov.u32 s3;
	s3 =	sadd.s32 $0x1, s3  }
0x310: {  	[hbm4b:s6+s8] =	stream.linear.scatter [tilespmem:s19], [sflag:$0x3], $0x80, $0x38;
	[tilespmem:$0x1F680] =	vst v63  }
0x311: {  	s5 =	sadd.s32 s5, s12;
	p1 =	sne.s32 s11, s3;
	s19 =	smov.u32 s15;
	v9 =	vld [tilespmem:s13+$0x0]  }
0x312: {  	v10 =	vld [tilespmem:s5+$0x0];
	_ =	sdelay $0x3  }
0x313: {  	(v2sf) =	vpush v9, $0x0  }
0x314: {  	(v2sf) =	vpush v10, $0x0;
	_ =	sdelay $0xd  }
0x315: {  	s5 =	spop (v2sf)  }
0x316: {  	s6 =	sshrl.u32 s5, $0x7;
	s13 =	spop (v2sf)  }
0x317: {  	s6 =	sand.u32 $0x1FFFFFE, s6;
	s13 =	sshll.u32 s13, $0x4  }
0x318: {  	s6 =	smin.u32 s6, $0x30C;
	s13 =	sand.u32 $0x1FFFFFF0, s13  }
0x319: {  	s6 =	sshll.u32 s6, $0x7  }
0x31a: {  	s5 =	ssub.s32 s5, s6  }
0x31b: {  	v9 =	vmov s5  }
0x31c: {  	v10 =	vshll.u32 v9, $0x3  }
0x31d: {  	v9 =	vand.u32 $0x7F, v9;
	v10 =	vand.u32 $0xFFFFFC00, v10  }
0x31e: {  	v9 =	vor.u32 v9, v10  }
0x31f: {  	v10 =	vadd.s32 v5, v9;
	_ =	sdelay $0x4  }
0x320: {  	v10 =	vld.idx.msk [tilespmem:v10+s25+$0x0], $0xffff;
	_ =	sdelay $0x1  }
0x321: {  	v11 =	vadd.s32 v6, v9;
	_ =	sdelay $0x3  }
0x322: {  	[tilespmem:s15+$0x0] =	vst v10  }
0x323: {  	v10 =	vld.idx.msk [tilespmem:v11+s25+$0x0], $0xffff;
	_ =	sdelay $0x1  }
0x324: {  	v11 =	vadd.s32 v7, v9;
	_ =	sdelay $0x3  }
0x325: {  	[tilespmem:s15+$0x10] =	vst v10  }
0x326: {  	v10 =	vld.idx.msk [tilespmem:v11+s25+$0x0], $0xffff;
	_ =	sdelay $0x1  }
0x327: {  	v9 =	vadd.s32 v8, v9;
	_ =	sdelay $0x3  }
0x328: {  	[tilespmem:s15+$0x20] =	vst v10  }
0x329: {  	v9 =	vld.idx.msk [tilespmem:v9+s25+$0x0], $0xffff  }
.Ltmp45:
0x32a: {  	(pc) =	sbr.rel @p1 .LBB2_63-.Ltmp45, $3  }
0x32b: {  	_ =	sdelay $0x1  }
0x32c: {  	s12 =	sadd.s32 $0x1, s12  }
0x32d: {  	s16 =	sadd.s32 $0x1, s16;
	s6 =	sadd.s32 s10, s13;
	s5 =	sand.u32 $0x3FFFFF80, s4  }
0x32e: {  	s4 =	smov.u32 s3  }
.LBB2_65:
0x32f: {  	s3 =	sadd.s32 s5, s16;
	[tilespmem:s19+$0x30] =	vst @p0 v9  }
0x330: {  	[hbm4b:s6+s8] =	stream.linear.scatter @p0 [tilespmem:s19], [sflag:$0x3], $0x80, $0x38;
	[tilespmem:$0x1F680] =	vst v63  }
0x331: {  	v9 =	vld [tilespmem:s3+$0x0];
	_ =	sdelay $0x4  }
0x332: {  	(v2sf) =	vpush v9, $0x0;
	_ =	sdelay $0xe  }
0x333: {  	s14 =	spop (v2sf)  }
0x334: {  	s16 =	sshrl.u32 s14, $0x7  }
0x335: {  	s6 =	sand.u32 $0x1FFFFFE, s16  }
0x336: {  	s6 =	smin.u32 s6, $0x30C  }
0x337: {  	s6 =	sshll.u32 s6, $0x7  }
0x338: {  	s3 =	ssub.s32 s14, s6  }
0x339: {  	v9 =	vmov s3  }
0x33a: {  	v10 =	vshll.u32 v9, $0x3  }
0x33b: {  	v9 =	vand.u32 $0x7F, v9;
	v10 =	vand.u32 $0xFFFFFC00, v10  }
0x33c: {  	v9 =	vor.u32 v9, v10  }
0x33d: {  	v10 =	vadd.s32 v5, v9;
	_ =	sdelay $0x2  }
0x33e: {  	s17 =	sadd.s32 s5, s12  }
0x33f: {  	v11 =	vld [tilespmem:s17+$0x0]  }
0x340: {  	v10 =	vld.idx.msk [tilespmem:v10+s25+$0x0], $0xffff  }
0x341: {  	v12 =	vadd.s32 v6, v9;
	_ =	sdelay $0x1  }
0x342: {  	s3 =	sadd.s32 @p0 $0x80, s15  }
0x343: {  	s7 =	smov.u32 @p0 s3  }
0x344: {  	(v2sf) =	vpush v11, $0x0;
	[tilespmem:s7+$0x0] =	vst v10  }
0x345: {  	v10 =	vld.idx.msk [tilespmem:v12+s25+$0x0], $0xffff  }
0x346: {  	v11 =	vadd.s32 v7, v9;
	_ =	sdelay $0x3  }
0x347: {  	[tilespmem:s7+$0x10] =	vst v10  }
0x348: {  	v10 =	vld.idx.msk [tilespmem:v11+s25+$0x0], $0xffff  }
0x349: {  	v9 =	vadd.s32 v8, v9;
	_ =	sdelay $0x3  }
0x34a: {  	[tilespmem:s7+$0x20] =	vst v10  }
0x34b: {  	v9 =	vld.idx.msk [tilespmem:v9+s25+$0x0], $0xffff;
	_ =	sdelay $0x1  }
.Ltmp46:
0x34c: {  	s19 =	spop (v2sf);
	(pc) =	sbr.rel .LBB2_66-.Ltmp46, $4  }
0x34d: {  	s3 =	sshll.u32 s19, $0x4  }
0x34e: {  	s3 =	sand.u32 $0x1FFFFFF0, s3  }
0x34f: {  	s0 =	sadd.s32 s4, s0;
	s13 =	rddreg [dreg:$0x0];
	s3 =	sadd.s32 s10, s3;
	[tilespmem:s7+$0x30] =	vst v9  }
0x350: {  	[hbm4b:s3+s8] =	stream.linear.scatter [tilespmem:s7], [sflag:$0x3], $0x80, $0x38;
	[tilespmem:$0x1F680] =	vst v63  }
.LBB2_58:
0x351: {  	s13 =	rddreg [dreg:$0x0]  }
.LBB2_66:
0x352: {  	_ =	swait.ge [sflag:s29], $0x4000  }
0x353: {  	[sflag:s29] =	ssyncset.done $0x0  }
0x354: {  	[sflag:s29] =	ssyncadd.s32 $0xFFFFC000  }
0x355: {  	s3 =	sld [smem:$0xD];
	_ =	sdelay $0x2  }
0x356: {  	p0 =	slt.s32 s3, $0x1  }
.Ltmp47:
0x357: {  	_ = 	snop;
	(pc) =	sbr.rel @p0 .LBB2_70-.Ltmp47, $1  }
0x358: {  	_ =	sdelay $0x3  }
0x359: {  	s5 =	simm.s32 $0x1B60  }
0x35a: {  	v9 =	vld [tilespmem:s5+$0x0];
	_ =	sdelay $0x4  }
0x35b: {  	(v2sf) =	vpush v9, $0x0;
	_ =	sdelay $0xe  }
0x35c: {  	s16 =	spop (v2sf)  }
0x35d: {  	s6 =	sshrl.u32 s16, $0x7  }
0x35e: {  	s6 =	sand.u32 $0x1FFFFFE, s6  }
0x35f: {  	s6 =	smin.u32 s6, $0x30C  }
0x360: {  	s6 =	sshll.u32 s6, $0x7  }
0x361: {  	s5 =	ssub.s32 s16, s6  }
0x362: {  	v9 =	vmov s5  }
0x363: {  	v10 =	vshll.u32 v9, $0x3  }
0x364: {  	v9 =	vand.u32 $0x7F, v9;
	v10 =	vand.u32 $0xFFFFFC00, v10  }
0x365: {  	v9 =	vor.u32 v9, v10  }
0x366: {  	v10 =	vadd.s32 v5, v9;
	_ =	sdelay $0x2  }
0x367: {  	s15 =	simm.s32 $0x2760  }
0x368: {  	v11 =	vld [tilespmem:s15+$0x0]  }
0x369: {  	v10 =	vld.idx.msk [tilespmem:v10+s26+$0x0], $0xffff  }
0x36a: {  	v12 =	vadd.s32 v6, v9  }
0x36b: {  	s4 =	sshll.u32 s0, $0x9  }
0x36c: {  	s4 =	sshra.s32 s4, $0x2  }
0x36d: {  	s7 =	sadd.s32 $0xAE80, s4  }
0x36e: {  	(v2sf) =	vpush v11, $0x0;
	[tilespmem:s7+$0x0] =	vst v10  }
0x36f: {  	v10 =	vld.idx.msk [tilespmem:v12+s26+$0x0], $0xffff  }
0x370: {  	v11 =	vadd.s32 v7, v9;
	_ =	sdelay $0x3  }
0x371: {  	[tilespmem:s7+$0x10] =	vst v10  }
0x372: {  	v10 =	vld.idx.msk [tilespmem:v11+s26+$0x0], $0xffff  }
0x373: {  	v9 =	vadd.s32 v8, v9;
	_ =	sdelay $0x2  }
0x374: {  	p0 =	slt.s32 s3, $0x60  }
0x375: {  	s3 =	simm.s32 @!p0 $0x60;
	[tilespmem:s7+$0x20] =	vst v10  }
0x376: {  	p0 =	seq.s32 s3, $0x1;
	v9 =	vld.idx.msk [tilespmem:v9+s26+$0x0], $0xffff  }
.Ltmp48:
0x377: {  	_ = 	snop;
	(pc) =	sbr.rel @p0 .LBB2_69-.Ltmp48, $4  }
0x378: {  	s17 =	spop (v2sf)  }
0x379: {  	s0 =	sadd.s32 s3, s0;
	s4 =	sshll.u32 s17, $0x4  }
0x37a: {  	s3 =	sadd.s32 $0xFFFFFFFF, s3;
	s6 =	sadd.s32 $0x80, s7;
	s19 =	sand.u32 $0x1FFFFFF0, s4  }
0x37b: {  	s5 =	simm.s32 $0x2761;
	s4 =	simm.s32 $0x1B61;
	s11 =	sadd.s32 s10, s19;
	[tilespmem:s7+$0x30] =	vst v9  }
.LBB2_68:
0x37c: {  	[hbm4b:s11+s8] =	stream.linear.scatter [tilespmem:s7], [sflag:$0x3], $0x80, $0x38;
	[tilespmem:$0x1F680] =	vst v63  }
0x37d: {  	p0 =	seq.s32 s3, $0x1;
	s3 =	sadd.s32 $0xFFFFFFFF, s3;
	s7 =	smov.u32 s6;
	v9 =	vld [tilespmem:s4+$0x0]  }
0x37e: {  	_ =	sdelay $0x3  }
0x37f: {  	(v2sf) =	vpush v9, $0x0;
	_ =	sdelay $0xe  }
0x380: {  	s11 =	spop (v2sf)  }
0x381: {  	s12 =	sshrl.u32 s11, $0x7  }
0x382: {  	s12 =	sand.u32 $0x1FFFFFE, s12  }
0x383: {  	s12 =	smin.u32 s12, $0x30C  }
0x384: {  	s12 =	sshll.u32 s12, $0x7  }
0x385: {  	s11 =	ssub.s32 s11, s12  }
0x386: {  	v9 =	vmov s11  }
0x387: {  	v10 =	vshll.u32 v9, $0x3  }
0x388: {  	v9 =	vand.u32 $0x7F, v9;
	v10 =	vand.u32 $0xFFFFFC00, v10  }
0x389: {  	v9 =	vor.u32 v9, v10  }
0x38a: {  	v10 =	vadd.s32 v5, v9;
	_ =	sdelay $0x4  }
0x38b: {  	v10 =	vld.idx.msk [tilespmem:v10+s26+$0x0], $0xffff;
	_ =	sdelay $0x1  }
0x38c: {  	v11 =	vadd.s32 v6, v9;
	_ =	sdelay $0x1  }
0x38d: {  	v12 =	vld [tilespmem:s5+$0x0];
	_ =	sdelay $0x1  }
0x38e: {  	[tilespmem:s6+$0x0] =	vst v10  }
0x38f: {  	v10 =	vld.idx.msk [tilespmem:v11+s26+$0x0], $0xffff;
	_ =	sdelay $0x1  }
0x390: {  	v11 =	vadd.s32 v7, v9;
	(v2sf) =	vpush v12, $0x0;
	_ =	sdelay $0x3  }
0x391: {  	[tilespmem:s6+$0x10] =	vst v10  }
0x392: {  	v10 =	vld.idx.msk [tilespmem:v11+s26+$0x0], $0xffff;
	_ =	sdelay $0x1  }
0x393: {  	v9 =	vadd.s32 v8, v9;
	_ =	sdelay $0x3  }
0x394: {  	[tilespmem:s6+$0x20] =	vst v10  }
0x395: {  	v9 =	vld.idx.msk [tilespmem:v9+s26+$0x0], $0xffff;
	_ =	sdelay $0x1  }
.Ltmp49:
0x396: {  	(pc) =	sbr.rel @!p0 .LBB2_68-.Ltmp49, $4  }
0x397: {  	s11 =	spop (v2sf)  }
0x398: {  	s11 =	sshll.u32 s11, $0x4  }
0x399: {  	s4 =	sadd.s32 $0x1, s4;
	s11 =	sand.u32 $0x1FFFFFF0, s11  }
0x39a: {  	s5 =	sadd.s32 $0x1, s5;
	s6 =	sadd.s32 $0x80, s6;
	[tilespmem:s7+$0x30] =	vst v9;
	s11 =	sadd.s32 s10, s11  }
.LBB2_69:
0x39b: {  	[hbm4b:s11+s8] =	stream.linear.scatter [tilespmem:s7], [sflag:$0x3], $0x80, $0x38;
	[tilespmem:$0x1F680] =	vst v63  }
.LBB2_70:
0x39c: {  	p0 =	sgt.s32 s0, $0x0  }
.Ltmp50:
0x39d: {  	_ = 	snop;
	(pc) =	sbr.rel @!p0 .LBB2_74-.Ltmp50, $2  }
0x39e: {  	_ =	sdelay $0x2  }
0x39f: {  	s3 =	rddreg [dreg:$0xf]  }
0x3a0: {  	p0 =	sne.s32 s0, $0x1  }
.Ltmp51:
0x3a1: {  	_ = 	snop;
	(pc) =	sbr.rel @!p0 .LBB2_73-.Ltmp51, $3  }
0x3a2: {  	_ =	sdelay $0x1  }
0x3a3: {  	_ =	swait.ge [sflag:s30], $0x80  }
0x3a4: {  	s0 =	sadd.s32 $0xFFFFFFFF, s0;
	[sflag:s30] =	ssyncset.done $0x0  }
.LBB2_72:
0x3a5: {  	p0 =	sne.s32 s0, $0x1;
	s0 =	sadd.s32 $0xFFFFFFFF, s0;
	[sflag:s30] =	ssyncadd.s32 $0xFFFFFF80  }
.Ltmp52:
0x3a6: {  	(pc) =	sbr.rel @p0 .LBB2_72-.Ltmp52, $3  }
0x3a7: {  	_ =	sdelay $0x1  }
0x3a8: {  	_ =	swait.ge [sflag:s30], $0x80  }
0x3a9: {  	[sflag:s30] =	ssyncset.done $0x0  }
.Ltmp53:
0x3aa: {  	_ = 	snop;
	(pc) =	sbr.rel .LBB2_73-.Ltmp53, $1  }
0x3ab: {  	_ =	sdelay $0x3  }
.LBB2_9:
.Ltmp54:
0x3ac: {  	(pc) =	sbr.rel .LBB2_13-.Ltmp54, $2  }
0x3ad: {  	_ =	sdelay $0x2  }
0x3ae: {  	s3 =	simm.s32 $0x1380  }
.LBB2_39:
.Ltmp55:
0x3af: {  	(pc) =	sbr.rel .LBB2_46-.Ltmp55, $2  }
0x3b0: {  	_ =	sdelay $0x2  }
0x3b1: {  	s3 =	simm.s32 $0x1380  }
.LBB2_60:
.Ltmp56:
0x3b2: {  	(pc) =	sbr.rel .LBB2_65-.Ltmp56, $2  }
0x3b3: {  	_ =	sdelay $0x2  }
0x3b4: {  	s15 =	smov.u32 s7  }
.LBB2_11:
.Ltmp57:
0x3b5: {  	(pc) =	sbr.rel .LBB2_13-.Ltmp57, $2  }
0x3b6: {  	_ =	sdelay $0x2  }
0x3b7: {  	s3 =	simm.s32 $0x1380  }
.LBB2_44:
.Ltmp58:
0x3b8: {  	(pc) =	sbr.rel .LBB2_46-.Ltmp58, $2  }
0x3b9: {  	_ =	sdelay $0x2  }
0x3ba: {  	s3 =	simm.s32 $0x1380  }
.LBB2_62:
.Ltmp59:
0x3bb: {  	(pc) =	sbr.rel .LBB2_65-.Ltmp59, $2  }
0x3bc: {  	_ =	sdelay $0x2  }
0x3bd: {  	s4 =	simm.s32 $0x2;
	s19 =	smov.u32 s7;
	s15 =	smov.u32 s7  }
.LBB2_75:
0x3be: {  	_ =	sfence.sel $0x180000  }
0x3bf: {  	[bflag:$0x0] =	sbarrier.arrive $0xFFFF  }
0x3c0: {  	_ =	strace $0x90000047  }
0x3c1: {  	s0 =	stileid.u32;
	[bflag:$0x2] =	sbarrier.arrive $0xFFFF  }
0x3c2: {  	p0 =	sne.s32 s0, $0x0;
	s0 =	rddreg [dreg:$0x5]  }
0x3c3: {  	s0 =	sadd.s32 @!p0 $0x100000, s0  }
0x3c4: {  	[sflag:s0] =	ssyncadd.tile.s32 @!p0 $0x1;
	_ =	shalt  }
.Lfunc_end2:
_tile_overlayer_lowered:
.L_overlay_start_2:
0x3c5: {  	(tag) =	ssettag $0x2  }
0x3c6: {  	s0 =	rddreg [dreg:$0x0];
	s2 =	stileid.u32  }
0x3c7: {  	s1 =	rddreg [dreg:$0x1];
	p0 =	sne.s32 s2, $0x0  }
0x3c8: {  	s3 =	rddreg [dreg:$0x2];
	[bflag:$0x3] =	sbarrier.arrive $0xFFFF;
	s2 =	simm.s32 @!p0 $0x1C04  }
0x3c9: {  	[timem:s3], [sflag:s2] =	dma.local @!p0 [hbm:s0], s1  }
0x3ca: {  	s0 =	simm.s32 @!p0 $0x4  }
0x3cb: {  	_ =	swait.ge @!p0 [sflag:s0], s1  }
0x3cc: {  	s1 =	ssub.s32 @!p0 $0x0, s1;
	[sflag:s0] =	ssyncset.done @!p0 $0x0  }
0x3cd: {  	[sflag:s0] =	ssyncadd.s32 @!p0 s1  }
0x3ce: {  	[bflag:$0x3] =	sbarrier.arrive $0xFFFF  }
0x3cf: {  	_ =	shalt  }

</sc_bundles>
